<compile_context>
chip_gen: v7x
topology: tpu7x:2x2x1
jax: 0.10.2.dev20260603
libtpu: 0.0.44.dev20260713+nightly
codegen_flags: <defaults>
</compile_context>

<pallas_src>
import functools

import jax
import jax.numpy as jnp
from jax import lax
from jax.experimental import pallas as pl
from jax.experimental.pallas import tpu as pltpu
from jax.experimental.pallas import tpu_sc as plsc

VOCAB = 1000
BATCH = 16384

_NUM_CORES = 2
_NUM_SUBCORES = 16
_NW = _NUM_CORES * _NUM_SUBCORES
_NBLK = VOCAB // 8
_IC = 4096
_NIC = BATCH // _IC


def _make_emb_kernel():
    mesh = plsc.VectorSubcoreMesh(core_axis_name="c", subcore_axis_name="s")

    @functools.partial(
        pl.kernel,
        mesh=mesh,
        out_type=jax.ShapeDtypeStruct((VOCAB, BATCH), jnp.float32),
        compiler_params=pltpu.CompilerParams(
            use_tc_tiling_on_sc=True, needs_layout_passes=False),
        scratch_types=[
            pltpu.VMEM((BATCH,), jnp.int32),
            pltpu.VMEM((8, VOCAB), jnp.float32),
            pltpu.VMEM((8, VOCAB), jnp.float32),
            pltpu.VMEM((8, _IC), jnp.float32),
            pltpu.VMEM((8, _IC), jnp.float32),
            pltpu.SemaphoreType.DMA,
            pltpu.SemaphoreType.DMA,
            pltpu.SemaphoreType.DMA,
            pltpu.SemaphoreType.DMA,
        ],
    )
    def emb_kernel(idx_hbm, table_t_hbm, out_t_hbm,
                   idx_v, tb0, tb1, ob0, ob1, s0, s1, ts0, ts1):
        wid = lax.axis_index("s") * _NUM_CORES + lax.axis_index("c")

        obs = (ob0, ob1)
        ssems = (s0, s1)
        tbs = (tb0, tb1)
        tsems = (ts0, ts1)

        nblocks = jnp.where(wid < _NBLK % _NW, 1 + _NBLK // _NW, _NBLK // _NW)
        ntrip = nblocks * _NIC

        pltpu.make_async_copy(
            table_t_hbm.at[pl.ds(8 * wid, 8)], tb0, ts0).start()
        pltpu.sync_copy(idx_hbm, idx_v)

        def body(t, _):
            kb = t // _NIC
            b = wid + _NW * kb
            ic = t % _NIC
            q = kb % 2

            for qq in range(2):
                @pl.when((ic == 0) & (q == qq))
                def _():
                    pltpu.make_async_copy(
                        table_t_hbm.at[pl.ds(8 * b, 8)],
                        tbs[qq], tsems[qq]).wait()

                    @pl.when(kb + 1 < nblocks)
                    def _():
                        pltpu.make_async_copy(
                            table_t_hbm.at[pl.ds(8 * (b + _NW), 8)],
                            tbs[1 - qq], tsems[1 - qq]).start()

            for p in range(2):
                ob = obs[p]

                @pl.when((t % 2 == p) & (t >= 2))
                def _():
                    pltpu.make_async_copy(
                        ob, out_t_hbm.at[pl.ds(0, 8), pl.ds(0, _IC)],
                        ssems[p]).wait()

                for qq in range(2):
                    tab = tbs[qq]

                    @pl.when((t % 2 == p) & (q == qq))
                    def _():
                        @plsc.parallel_loop(0, _IC // 16, unroll=8)
                        def _(s):
                            iv = idx_v[pl.ds(ic * _IC + s * 16, 16)]
                            for r in range(8):
                                rv = jnp.full((16,), r, dtype=jnp.int32)
                                ob[r, pl.ds(s * 16, 16)] = (
                                    plsc.load_gather(tab, [rv, iv]))
                        pltpu.make_async_copy(
                            ob,
                            out_t_hbm.at[pl.ds(8 * b, 8),
                                         pl.ds(ic * _IC, _IC)],
                            ssems[p]).start()
            return 0

        lax.fori_loop(0, ntrip, body, 0)

        for p in range(2):
            pltpu.make_async_copy(
                obs[p], out_t_hbm.at[pl.ds(0, 8), pl.ds(0, _IC)],
                ssems[p]).wait()

    return emb_kernel


_emb_lookup_cache = []


def kernel(idx, embedding_table):
    if not _emb_lookup_cache:
        _emb_lookup_cache.append(_make_emb_kernel())
    idx1 = idx.reshape(-1).astype(jnp.int32)
    return _emb_lookup_cache[0](idx1, embedding_table.T).T

# --- scband reference (transcript-rebuilt; emitter-appended) ---
"""Pipeline reference for scband-neural-bigram-30090540876077 (READ-ONLY COPY).

The authoritative reference and input builder live on the scoring server;
editing this copy changes nothing except your own understanding.
"""

import jax, jax.numpy as jnp
import numpy as np

VOCAB = 1000
BATCH = 16384

def setup_inputs(seed: int = 0) -> dict:
    key = jax.random.key(seed)
    k_idx, k_tab = jax.random.split(key)
    idx = jax.random.randint(k_idx, (BATCH,), 0, VOCAB, dtype=jnp.int64 if jax.config.jax_enable_x64 else jnp.int32)
    embedding_table = jax.random.normal(k_tab, (VOCAB, VOCAB), dtype=jnp.float32)
    return {"idx": idx, "embedding_table": embedding_table}

def reference(idx, embedding_table):
    # Faithful to torch forward: unsqueeze to (B,1), embed, squeeze(1)
    if idx.ndim == 1:
        idx2 = idx[:, None]
    else:
        idx2 = idx
    emb = jnp.take(embedding_table, idx2, axis=0)  # (B, 1, vocab)
    logits = jnp.squeeze(emb, axis=1)              # (B, vocab)
    return logits

if __name__ == "__main__":
    import jax
    _d = setup_inputs()
    print(jax.jit(kernel)(*tuple(_d.values())))

</pallas_src>

<mosaic_0001>
#map = affine_map<(d0, d1) -> (0)>
#map1 = affine_map<(d0, d1) -> (0, 0)>
module attributes {stable_mosaic.version = 14 : i64} {
  func.func @emb_kernel(%arg0: i32, %arg1: i32, %arg2: memref<16384xi32, #tpu.memory_space<hbm>>, %arg3: memref<1000x1000xf32, #tpu.memory_space<hbm>>, %arg4: memref<1000x16384xf32, #tpu.memory_space<hbm>>, %arg5: memref<16384xi32, #tpu.memory_space<vmem>>, %arg6: memref<8x1000xf32, #tpu.memory_space<vmem>>, %arg7: memref<8x1000xf32, #tpu.memory_space<vmem>>, %arg8: memref<8x4096xf32, #tpu.memory_space<vmem>>, %arg9: memref<8x4096xf32, #tpu.memory_space<vmem>>, %arg10: memref<!tpu.dma_semaphore, #tpu.memory_space<semaphore_mem>>, %arg11: memref<!tpu.dma_semaphore, #tpu.memory_space<semaphore_mem>>, %arg12: memref<!tpu.dma_semaphore, #tpu.memory_space<semaphore_mem>>, %arg13: memref<!tpu.dma_semaphore, #tpu.memory_space<semaphore_mem>>) attributes {dimension_semantics = [#tpu.dimension_semantics<core_parallel>, #tpu.dimension_semantics<subcore_parallel>], iteration_bounds = array<i64: 2, 16>, scalar_prefetch = 0 : i64, scratch_operands = 9 : i64, tpu.core_type = #tpu.core_type<sc_vector_subcore>, window_params = [{transform_indices = #map}, {transform_indices = #map1}, {transform_indices = #map1}]} {
    %mul3A = arith.constant 2 : i32
    %mul3A_0 = arith.muli %arg1, %mul3A : i32
    %add3A = arith.addi %mul3A_0, %arg0 : i32
    %lt3A = arith.constant 29 : i32
    %lt3A_1 = arith.cmpi slt, %add3A, %lt3A : i32
    %jit3A = arith.constant 4 : i32
    %jit3A_2 = arith.constant 3 : i32
    %select_n3A = arith.select %lt3A_1, %jit3A, %jit3A_2 : i32
    %mul3A_3 = arith.constant 4 : i32
    %mul3A_4 = arith.muli %select_n3A, %mul3A_3 : i32
    %mul3A_5 = arith.constant 8 : i32
    %mul3A_6 = arith.muli %mul3A_5, %add3A : i32
    %dma_start3A = arith.constant 0 : i32
    %dma_start3A_7 = tpu.memref_slice %arg3[%mul3A_6, %dma_start3A] : memref<1000x1000xf32, #tpu.memory_space<hbm>> -> memref<8x1000xf32, #tpu.memory_space<hbm>>
    %dma_start3A_8 = arith.constant 0 : i32
    %dma_start3A_9 = tpu.memref_slice %arg3[%mul3A_6, %dma_start3A_8] : memref<1000x1000xf32, #tpu.memory_space<hbm>> -> memref<8x1000xf32, #tpu.memory_space<hbm>>
    tpu.enqueue_dma source(%dma_start3A_9 : memref<8x1000xf32, #tpu.memory_space<hbm>>) target(%arg6 : memref<8x1000xf32, #tpu.memory_space<vmem>>) target_semaphore(%arg12 : memref<!tpu.dma_semaphore, #tpu.memory_space<semaphore_mem>>)
    "tpu.region"() ({
      %run_scoped3A = tpu.sem_alloc : memref<!tpu.dma_semaphore, #tpu.memory_space<semaphore_mem>>
      tpu.enqueue_dma source(%arg2 : memref<16384xi32, #tpu.memory_space<hbm>>) target(%arg5 : memref<16384xi32, #tpu.memory_space<vmem>>) target_semaphore(%run_scoped3A : memref<!tpu.dma_semaphore, #tpu.memory_space<semaphore_mem>>)
      tpu.wait_dma2 semaphore(%run_scoped3A : memref<!tpu.dma_semaphore, #tpu.memory_space<semaphore_mem>>) src(%arg2 : memref<16384xi32, #tpu.memory_space<hbm>>) dst(%arg5 : memref<16384xi32, #tpu.memory_space<vmem>>)
      tpu.yield
    }) : () -> ()
    %while3A = arith.constant 0 : i32
    %while3A_10 = arith.constant 0 : i32
    %while3A_11 = arith.subi %mul3A_4, %while3A : i32
    %while3A_12 = arith.addi %while3A, %while3A_11 : i32
    %while3A_13 = arith.constant 1 : i32
    %while3A_14 = arith.divsi %while3A_11, %while3A_13 : i32
    %while3A_15 = arith.muli %while3A_14, %while3A_13 : i32
    %while3A_16 = arith.addi %while3A, %while3A_15 : i32
    %while3A_17 = arith.constant 1 : i32
    %while3A_18 = scf.for %while3A_32 = %while3A to %while3A_16 step %while3A_17 iter_args(%while3A_33 = %while3A_10) -> (i32)  : i32 {
      %jit3A_34 = arith.constant 4 : i32
      %div3A = arith.divsi %while3A_32, %jit3A_34 : i32
      %sign3A = arith.constant 0 : i32
      %sign3A_35 = arith.cmpi sgt, %while3A_32, %sign3A : i32
      %sign3A_36 = arith.extui %sign3A_35 : i1 to i32
      %sign3A_37 = arith.constant 0 : i32
      %sign3A_38 = arith.cmpi slt, %while3A_32, %sign3A_37 : i32
      %sign3A_39 = arith.extui %sign3A_38 : i1 to i32
      %sign3A_40 = arith.subi %sign3A_36, %sign3A_39 : i32
      %sign3A_41 = arith.constant 0 : i32
      %sign3A_42 = arith.cmpi sgt, %jit3A_34, %sign3A_41 : i32
      %sign3A_43 = arith.extui %sign3A_42 : i1 to i32
      %sign3A_44 = arith.constant 0 : i32
      %sign3A_45 = arith.cmpi slt, %jit3A_34, %sign3A_44 : i32
      %sign3A_46 = arith.extui %sign3A_45 : i1 to i32
      %sign3A_47 = arith.subi %sign3A_43, %sign3A_46 : i32
      %ne3A = arith.cmpi ne, %sign3A_40, %sign3A_47 : i32
      %rem3A = arith.remsi %while3A_32, %jit3A_34 : i32
      %ne3A_48 = arith.constant 0 : i32
      %ne3A_49 = arith.cmpi ne, %rem3A, %ne3A_48 : i32
      %and3A = arith.andi %ne3A, %ne3A_49 : i1
      %sub3A = arith.constant 1 : i32
      %sub3A_50 = arith.subi %div3A, %sub3A : i32
      %select_n3A_51 = arith.select %and3A, %sub3A_50, %div3A : i32
      %mul3A_52 = arith.constant 32 : i32
      %mul3A_53 = arith.muli %mul3A_52, %select_n3A_51 : i32
      %add3A_54 = arith.addi %add3A, %mul3A_53 : i32
      %jit3A_55 = arith.constant 4 : i32
      %eq3A = arith.constant 0 : i32
      %eq3A_56 = arith.cmpi eq, %jit3A_55, %eq3A : i32
      %jit3A_57 = arith.constant 1 : i32
      %select_n3A_58 = arith.select %eq3A_56, %jit3A_57, %jit3A_55 : i32
      %rem3A_59 = arith.remsi %while3A_32, %select_n3A_58 : i32
      %ne3A_60 = arith.constant 0 : i32
      %ne3A_61 = arith.cmpi ne, %rem3A_59, %ne3A_60 : i32
      %lt3A_62 = arith.constant 0 : i32
      %lt3A_63 = arith.cmpi slt, %rem3A_59, %lt3A_62 : i32
      %lt3A_64 = arith.constant 0 : i32
      %lt3A_65 = arith.cmpi slt, %select_n3A_58, %lt3A_64 : i32
      %ne3A_66 = arith.xori %lt3A_63, %lt3A_65 : i1
      %and3A_67 = arith.andi %ne3A_66, %ne3A_61 : i1
      %add3A_68 = arith.addi %rem3A_59, %select_n3A_58 : i32
      %select_n3A_69 = arith.select %and3A_67, %add3A_68, %rem3A_59 : i32
      %jit3A_70 = arith.constant 2 : i32
      %eq3A_71 = arith.constant 0 : i32
      %eq3A_72 = arith.cmpi eq, %jit3A_70, %eq3A_71 : i32
      %jit3A_73 = arith.constant 1 : i32
      %select_n3A_74 = arith.select %eq3A_72, %jit3A_73, %jit3A_70 : i32
      %rem3A_75 = arith.remsi %select_n3A_51, %select_n3A_74 : i32
      %ne3A_76 = arith.constant 0 : i32
      %ne3A_77 = arith.cmpi ne, %rem3A_75, %ne3A_76 : i32
      %lt3A_78 = arith.constant 0 : i32
      %lt3A_79 = arith.cmpi slt, %rem3A_75, %lt3A_78 : i32
      %lt3A_80 = arith.constant 0 : i32
      %lt3A_81 = arith.cmpi slt, %select_n3A_74, %lt3A_80 : i32
      %ne3A_82 = arith.xori %lt3A_79, %lt3A_81 : i1
      %and3A_83 = arith.andi %ne3A_82, %ne3A_77 : i1
      %add3A_84 = arith.addi %rem3A_75, %select_n3A_74 : i32
      %select_n3A_85 = arith.select %and3A_83, %add3A_84, %rem3A_75 : i32
      %eq3A_86 = arith.constant 0 : i32
      %eq3A_87 = arith.cmpi eq, %select_n3A_69, %eq3A_86 : i32
      %eq3A_88 = arith.constant 0 : i32
      %eq3A_89 = arith.cmpi eq, %select_n3A_85, %eq3A_88 : i32
      %and3A_90 = arith.andi %eq3A_87, %eq3A_89 : i1
      %convert_element_type3A = arith.extui %and3A_90 : i1 to i32
      %cond3A = arith.constant 0 : i32
      %cond3A_91 = arith.cmpi ne, %convert_element_type3A, %cond3A : i32
      scf.if %cond3A_91 {
        %mul3A_244 = arith.constant 8 : i32
        %mul3A_245 = arith.muli %mul3A_244, %add3A_54 : i32
        %dma_wait3A_246 = arith.constant 0 : i32
        %dma_wait3A_247 = tpu.memref_slice %arg3[%mul3A_245, %dma_wait3A_246] : memref<1000x1000xf32, #tpu.memory_space<hbm>> -> memref<8x1000xf32, #tpu.memory_space<hbm>>
        %dma_wait3A_248 = arith.constant 0 : i32
        %dma_wait3A_249 = tpu.memref_slice %arg3[%mul3A_245, %dma_wait3A_248] : memref<1000x1000xf32, #tpu.memory_space<hbm>> -> memref<8x1000xf32, #tpu.memory_space<hbm>>
        tpu.wait_dma2 semaphore(%arg12 : memref<!tpu.dma_semaphore, #tpu.memory_space<semaphore_mem>>) src(%dma_wait3A_249 : memref<8x1000xf32, #tpu.memory_space<hbm>>) dst(%arg6 : memref<8x1000xf32, #tpu.memory_space<vmem>>)
        %add3A_250 = arith.constant 1 : i32
        %add3A_251 = arith.addi %select_n3A_51, %add3A_250 : i32
        %lt3A_252 = arith.cmpi slt, %add3A_251, %select_n3A : i32
        %convert_element_type3A_253 = arith.extui %lt3A_252 : i1 to i32
        %cond3A_254 = arith.constant 0 : i32
        %cond3A_255 = arith.cmpi ne, %convert_element_type3A_253, %cond3A_254 : i32
        scf.if %cond3A_255 {
          %add3A_256 = arith.constant 32 : i32
          %add3A_257 = arith.addi %add3A_54, %add3A_256 : i32
          %mul3A_258 = arith.constant 8 : i32
          %mul3A_259 = arith.muli %mul3A_258, %add3A_257 : i32
          %dma_start3A_260 = arith.constant 0 : i32
          %dma_start3A_261 = tpu.memref_slice %arg3[%mul3A_259, %dma_start3A_260] : memref<1000x1000xf32, #tpu.memory_space<hbm>> -> memref<8x1000xf32, #tpu.memory_space<hbm>>
          %dma_start3A_262 = arith.constant 0 : i32
          %dma_start3A_263 = tpu.memref_slice %arg3[%mul3A_259, %dma_start3A_262] : memref<1000x1000xf32, #tpu.memory_space<hbm>> -> memref<8x1000xf32, #tpu.memory_space<hbm>>
          tpu.enqueue_dma source(%dma_start3A_263 : memref<8x1000xf32, #tpu.memory_space<hbm>>) target(%arg7 : memref<8x1000xf32, #tpu.memory_space<vmem>>) target_semaphore(%arg13 : memref<!tpu.dma_semaphore, #tpu.memory_space<semaphore_mem>>)
        } else {
        }
      } else {
      }
      %eq3A_92 = arith.constant 0 : i32
      %eq3A_93 = arith.cmpi eq, %select_n3A_69, %eq3A_92 : i32
      %eq3A_94 = arith.constant 1 : i32
      %eq3A_95 = arith.cmpi eq, %select_n3A_85, %eq3A_94 : i32
      %and3A_96 = arith.andi %eq3A_93, %eq3A_95 : i1
      %convert_element_type3A_97 = arith.extui %and3A_96 : i1 to i32
      %cond3A_98 = arith.constant 0 : i32
      %cond3A_99 = arith.cmpi ne, %convert_element_type3A_97, %cond3A_98 : i32
      scf.if %cond3A_99 {
        %mul3A_244 = arith.constant 8 : i32
        %mul3A_245 = arith.muli %mul3A_244, %add3A_54 : i32
        %dma_wait3A_246 = arith.constant 0 : i32
        %dma_wait3A_247 = tpu.memref_slice %arg3[%mul3A_245, %dma_wait3A_246] : memref<1000x1000xf32, #tpu.memory_space<hbm>> -> memref<8x1000xf32, #tpu.memory_space<hbm>>
        %dma_wait3A_248 = arith.constant 0 : i32
        %dma_wait3A_249 = tpu.memref_slice %arg3[%mul3A_245, %dma_wait3A_248] : memref<1000x1000xf32, #tpu.memory_space<hbm>> -> memref<8x1000xf32, #tpu.memory_space<hbm>>
        tpu.wait_dma2 semaphore(%arg13 : memref<!tpu.dma_semaphore, #tpu.memory_space<semaphore_mem>>) src(%dma_wait3A_249 : memref<8x1000xf32, #tpu.memory_space<hbm>>) dst(%arg7 : memref<8x1000xf32, #tpu.memory_space<vmem>>)
        %add3A_250 = arith.constant 1 : i32
        %add3A_251 = arith.addi %select_n3A_51, %add3A_250 : i32
        %lt3A_252 = arith.cmpi slt, %add3A_251, %select_n3A : i32
        %convert_element_type3A_253 = arith.extui %lt3A_252 : i1 to i32
        %cond3A_254 = arith.constant 0 : i32
        %cond3A_255 = arith.cmpi ne, %convert_element_type3A_253, %cond3A_254 : i32
        scf.if %cond3A_255 {
          %add3A_256 = arith.constant 32 : i32
          %add3A_257 = arith.addi %add3A_54, %add3A_256 : i32
          %mul3A_258 = arith.constant 8 : i32
          %mul3A_259 = arith.muli %mul3A_258, %add3A_257 : i32
          %dma_start3A_260 = arith.constant 0 : i32
          %dma_start3A_261 = tpu.memref_slice %arg3[%mul3A_259, %dma_start3A_260] : memref<1000x1000xf32, #tpu.memory_space<hbm>> -> memref<8x1000xf32, #tpu.memory_space<hbm>>
          %dma_start3A_262 = arith.constant 0 : i32
          %dma_start3A_263 = tpu.memref_slice %arg3[%mul3A_259, %dma_start3A_262] : memref<1000x1000xf32, #tpu.memory_space<hbm>> -> memref<8x1000xf32, #tpu.memory_space<hbm>>
          tpu.enqueue_dma source(%dma_start3A_263 : memref<8x1000xf32, #tpu.memory_space<hbm>>) target(%arg6 : memref<8x1000xf32, #tpu.memory_space<vmem>>) target_semaphore(%arg12 : memref<!tpu.dma_semaphore, #tpu.memory_space<semaphore_mem>>)
        } else {
        }
      } else {
      }
      %jit3A_100 = arith.constant 2 : i32
      %eq3A_101 = arith.constant 0 : i32
      %eq3A_102 = arith.cmpi eq, %jit3A_100, %eq3A_101 : i32
      %jit3A_103 = arith.constant 1 : i32
      %select_n3A_104 = arith.select %eq3A_102, %jit3A_103, %jit3A_100 : i32
      %rem3A_105 = arith.remsi %while3A_32, %select_n3A_104 : i32
      %ne3A_106 = arith.constant 0 : i32
      %ne3A_107 = arith.cmpi ne, %rem3A_105, %ne3A_106 : i32
      %lt3A_108 = arith.constant 0 : i32
      %lt3A_109 = arith.cmpi slt, %rem3A_105, %lt3A_108 : i32
      %lt3A_110 = arith.constant 0 : i32
      %lt3A_111 = arith.cmpi slt, %select_n3A_104, %lt3A_110 : i32
      %ne3A_112 = arith.xori %lt3A_109, %lt3A_111 : i1
      %and3A_113 = arith.andi %ne3A_112, %ne3A_107 : i1
      %add3A_114 = arith.addi %rem3A_105, %select_n3A_104 : i32
      %select_n3A_115 = arith.select %and3A_113, %add3A_114, %rem3A_105 : i32
      %eq3A_116 = arith.constant 0 : i32
      %eq3A_117 = arith.cmpi eq, %select_n3A_115, %eq3A_116 : i32
      %ge3A = arith.constant 2 : i32
      %ge3A_118 = arith.cmpi sge, %while3A_32, %ge3A : i32
      %and3A_119 = arith.andi %eq3A_117, %ge3A_118 : i1
      %convert_element_type3A_120 = arith.extui %and3A_119 : i1 to i32
      %cond3A_121 = arith.constant 0 : i32
      %cond3A_122 = arith.cmpi ne, %convert_element_type3A_120, %cond3A_121 : i32
      scf.if %cond3A_122 {
        %dma_wait3A_244 = arith.constant 0 : i32
        %dma_wait3A_245 = arith.constant 0 : i32
        %dma_wait3A_246 = tpu.memref_slice %arg4[%dma_wait3A_244, %dma_wait3A_245] : memref<1000x16384xf32, #tpu.memory_space<hbm>> -> memref<8x4096xf32, #tpu.memory_space<hbm>>
        %dma_wait3A_247 = arith.constant 0 : i32
        %dma_wait3A_248 = arith.constant 0 : i32
        %dma_wait3A_249 = tpu.memref_slice %arg4[%dma_wait3A_247, %dma_wait3A_248] : memref<1000x16384xf32, #tpu.memory_space<hbm>> -> memref<8x4096xf32, #tpu.memory_space<hbm>>
        tpu.wait_dma2 semaphore(%arg10 : memref<!tpu.dma_semaphore, #tpu.memory_space<semaphore_mem>>) src(%arg8 : memref<8x4096xf32, #tpu.memory_space<vmem>>) dst(%dma_wait3A_249 : memref<8x4096xf32, #tpu.memory_space<hbm>>)
      } else {
      }
      %jit3A_123 = arith.constant 2 : i32
      %eq3A_124 = arith.constant 0 : i32
      %eq3A_125 = arith.cmpi eq, %jit3A_123, %eq3A_124 : i32
      %jit3A_126 = arith.constant 1 : i32
      %select_n3A_127 = arith.select %eq3A_125, %jit3A_126, %jit3A_123 : i32
      %rem3A_128 = arith.remsi %while3A_32, %select_n3A_127 : i32
      %ne3A_129 = arith.constant 0 : i32
      %ne3A_130 = arith.cmpi ne, %rem3A_128, %ne3A_129 : i32
      %lt3A_131 = arith.constant 0 : i32
      %lt3A_132 = arith.cmpi slt, %rem3A_128, %lt3A_131 : i32
      %lt3A_133 = arith.constant 0 : i32
      %lt3A_134 = arith.cmpi slt, %select_n3A_127, %lt3A_133 : i32
      %ne3A_135 = arith.xori %lt3A_132, %lt3A_134 : i1
      %and3A_136 = arith.andi %ne3A_135, %ne3A_130 : i1
      %add3A_137 = arith.addi %rem3A_128, %select_n3A_127 : i32
      %select_n3A_138 = arith.select %and3A_136, %add3A_137, %rem3A_128 : i32
      %eq3A_139 = arith.constant 0 : i32
      %eq3A_140 = arith.cmpi eq, %select_n3A_138, %eq3A_139 : i32
      %eq3A_141 = arith.constant 0 : i32
      %eq3A_142 = arith.cmpi eq, %select_n3A_85, %eq3A_141 : i32
      %and3A_143 = arith.andi %eq3A_140, %eq3A_142 : i1
      %convert_element_type3A_144 = arith.extui %and3A_143 : i1 to i32
      %cond3A_145 = arith.constant 0 : i32
      %cond3A_146 = arith.cmpi ne, %convert_element_type3A_144, %cond3A_145 : i32
      scf.if %cond3A_146 {
        %parallel_loop3A = arith.constant 0 : i32
        %parallel_loop3A_244 = arith.constant 256 : i32
        %parallel_loop3A_245 = arith.constant 1 : i32
        scf.for %parallel_loop3A_252 = %parallel_loop3A to %parallel_loop3A_244 step %parallel_loop3A_245  : i32 {
          %parallel_loop3A_253 = arith.constant 4096 : i32
          %parallel_loop3A_254 = arith.muli %select_n3A_69, %parallel_loop3A_253 : i32
          %parallel_loop3A_255 = arith.constant 16 : i32
          %parallel_loop3A_256 = arith.muli %parallel_loop3A_252, %parallel_loop3A_255 : i32
          %parallel_loop3A_257 = arith.addi %parallel_loop3A_254, %parallel_loop3A_256 : i32
          %parallel_loop3A_258 = arith.index_cast %parallel_loop3A_257 : i32 to index
          %parallel_loop3A_259 = tpu.vector_load %arg5[%parallel_loop3A_258] {strides = array<i32>} : memref<16384xi32, #tpu.memory_space<vmem>>, vector<16xi32>,
          %parallel_loop3A_260 = arith.constant 0 : i32
          %parallel_loop3A_261 = vector.broadcast %parallel_loop3A_260 : i32 to vector<16xi32>
          %parallel_loop3A_262 = tpu.vector_load_idx %arg6[%parallel_loop3A_261, %parallel_loop3A_259] : memref<8x1000xf32, #tpu.memory_space<vmem>>[vector<16xi32>, vector<16xi32>], vector<16xf32>,
          %parallel_loop3A_263 = arith.constant 16 : i32
          %parallel_loop3A_264 = arith.muli %parallel_loop3A_252, %parallel_loop3A_263 : i32
          %parallel_loop3A_265 = arith.constant 0 : i32
          %parallel_loop3A_266 = arith.index_cast %parallel_loop3A_265 : i32 to index
          %parallel_loop3A_267 = arith.index_cast %parallel_loop3A_264 : i32 to index
          %parallel_loop3A_268 = tpu.vector_load %arg8[%parallel_loop3A_266, %parallel_loop3A_267] {strides = array<i32>} : memref<8x4096xf32, #tpu.memory_space<vmem>>, vector<16xf32>,
          tpu.vector_store %arg8[%parallel_loop3A_266, %parallel_loop3A_267], %parallel_loop3A_262 {strides = array<i32>} : memref<8x4096xf32, #tpu.memory_space<vmem>>, vector<16xf32>,
          %parallel_loop3A_269 = arith.constant 1 : i32
          %parallel_loop3A_270 = vector.broadcast %parallel_loop3A_269 : i32 to vector<16xi32>
          %parallel_loop3A_271 = tpu.vector_load_idx %arg6[%parallel_loop3A_270, %parallel_loop3A_259] : memref<8x1000xf32, #tpu.memory_space<vmem>>[vector<16xi32>, vector<16xi32>], vector<16xf32>,
          %parallel_loop3A_272 = arith.constant 16 : i32
          %parallel_loop3A_273 = arith.muli %parallel_loop3A_252, %parallel_loop3A_272 : i32
          %parallel_loop3A_274 = arith.constant 1 : i32
          %parallel_loop3A_275 = arith.index_cast %parallel_loop3A_274 : i32 to index
          %parallel_loop3A_276 = arith.index_cast %parallel_loop3A_273 : i32 to index
          %parallel_loop3A_277 = tpu.vector_load %arg8[%parallel_loop3A_275, %parallel_loop3A_276] {strides = array<i32>} : memref<8x4096xf32, #tpu.memory_space<vmem>>, vector<16xf32>,
          tpu.vector_store %arg8[%parallel_loop3A_275, %parallel_loop3A_276], %parallel_loop3A_271 {strides = array<i32>} : memref<8x4096xf32, #tpu.memory_space<vmem>>, vector<16xf32>,
          %parallel_loop3A_278 = arith.constant 2 : i32
          %parallel_loop3A_279 = vector.broadcast %parallel_loop3A_278 : i32 to vector<16xi32>
          %parallel_loop3A_280 = tpu.vector_load_idx %arg6[%parallel_loop3A_279, %parallel_loop3A_259] : memref<8x1000xf32, #tpu.memory_space<vmem>>[vector<16xi32>, vector<16xi32>], vector<16xf32>,
          %parallel_loop3A_281 = arith.constant 16 : i32
          %parallel_loop3A_282 = arith.muli %parallel_loop3A_252, %parallel_loop3A_281 : i32
          %parallel_loop3A_283 = arith.constant 2 : i32
          %parallel_loop3A_284 = arith.index_cast %parallel_loop3A_283 : i32 to index
          %parallel_loop3A_285 = arith.index_cast %parallel_loop3A_282 : i32 to index
          %parallel_loop3A_286 = tpu.vector_load %arg8[%parallel_loop3A_284, %parallel_loop3A_285] {strides = array<i32>} : memref<8x4096xf32, #tpu.memory_space<vmem>>, vector<16xf32>,
          tpu.vector_store %arg8[%parallel_loop3A_284, %parallel_loop3A_285], %parallel_loop3A_280 {strides = array<i32>} : memref<8x4096xf32, #tpu.memory_space<vmem>>, vector<16xf32>,
          %parallel_loop3A_287 = arith.constant 3 : i32
          %parallel_loop3A_288 = vector.broadcast %parallel_loop3A_287 : i32 to vector<16xi32>
          %parallel_loop3A_289 = tpu.vector_load_idx %arg6[%parallel_loop3A_288, %parallel_loop3A_259] : memref<8x1000xf32, #tpu.memory_space<vmem>>[vector<16xi32>, vector<16xi32>], vector<16xf32>,
          %parallel_loop3A_290 = arith.constant 16 : i32
          %parallel_loop3A_291 = arith.muli %parallel_loop3A_252, %parallel_loop3A_290 : i32
          %parallel_loop3A_292 = arith.constant 3 : i32
          %parallel_loop3A_293 = arith.index_cast %parallel_loop3A_292 : i32 to index
          %parallel_loop3A_294 = arith.index_cast %parallel_loop3A_291 : i32 to index
          %parallel_loop3A_295 = tpu.vector_load %arg8[%parallel_loop3A_293, %parallel_loop3A_294] {strides = array<i32>} : memref<8x4096xf32, #tpu.memory_space<vmem>>, vector<16xf32>,
          tpu.vector_store %arg8[%parallel_loop3A_293, %parallel_loop3A_294], %parallel_loop3A_289 {strides = array<i32>} : memref<8x4096xf32, #tpu.memory_space<vmem>>, vector<16xf32>,
          %parallel_loop3A_296 = arith.constant 4 : i32
          %parallel_loop3A_297 = vector.broadcast %parallel_loop3A_296 : i32 to vector<16xi32>
          %parallel_loop3A_298 = tpu.vector_load_idx %arg6[%parallel_loop3A_297, %parallel_loop3A_259] : memref<8x1000xf32, #tpu.memory_space<vmem>>[vector<16xi32>, vector<16xi32>], vector<16xf32>,
          %parallel_loop3A_299 = arith.constant 16 : i32
          %parallel_loop3A_300 = arith.muli %parallel_loop3A_252, %parallel_loop3A_299 : i32
          %parallel_loop3A_301 = arith.constant 4 : i32
          %parallel_loop3A_302 = arith.index_cast %parallel_loop3A_301 : i32 to index
          %parallel_loop3A_303 = arith.index_cast %parallel_loop3A_300 : i32 to index
          %parallel_loop3A_304 = tpu.vector_load %arg8[%parallel_loop3A_302, %parallel_loop3A_303] {strides = array<i32>} : memref<8x4096xf32, #tpu.memory_space<vmem>>, vector<16xf32>,
          tpu.vector_store %arg8[%parallel_loop3A_302, %parallel_loop3A_303], %parallel_loop3A_298 {strides = array<i32>} : memref<8x4096xf32, #tpu.memory_space<vmem>>, vector<16xf32>,
          %parallel_loop3A_305 = arith.constant 5 : i32
          %parallel_loop3A_306 = vector.broadcast %parallel_loop3A_305 : i32 to vector<16xi32>
          %parallel_loop3A_307 = tpu.vector_load_idx %arg6[%parallel_loop3A_306, %parallel_loop3A_259] : memref<8x1000xf32, #tpu.memory_space<vmem>>[vector<16xi32>, vector<16xi32>], vector<16xf32>,
          %parallel_loop3A_308 = arith.constant 16 : i32
          %parallel_loop3A_309 = arith.muli %parallel_loop3A_252, %parallel_loop3A_308 : i32
          %parallel_loop3A_310 = arith.constant 5 : i32
          %parallel_loop3A_311 = arith.index_cast %parallel_loop3A_310 : i32 to index
          %parallel_loop3A_312 = arith.index_cast %parallel_loop3A_309 : i32 to index
          %parallel_loop3A_313 = tpu.vector_load %arg8[%parallel_loop3A_311, %parallel_loop3A_312] {strides = array<i32>} : memref<8x4096xf32, #tpu.memory_space<vmem>>, vector<16xf32>,
          tpu.vector_store %arg8[%parallel_loop3A_311, %parallel_loop3A_312], %parallel_loop3A_307 {strides = array<i32>} : memref<8x4096xf32, #tpu.memory_space<vmem>>, vector<16xf32>,
          %parallel_loop3A_314 = arith.constant 6 : i32
          %parallel_loop3A_315 = vector.broadcast %parallel_loop3A_314 : i32 to vector<16xi32>
          %parallel_loop3A_316 = tpu.vector_load_idx %arg6[%parallel_loop3A_315, %parallel_loop3A_259] : memref<8x1000xf32, #tpu.memory_space<vmem>>[vector<16xi32>, vector<16xi32>], vector<16xf32>,
          %parallel_loop3A_317 = arith.constant 16 : i32
          %parallel_loop3A_318 = arith.muli %parallel_loop3A_252, %parallel_loop3A_317 : i32
          %parallel_loop3A_319 = arith.constant 6 : i32
          %parallel_loop3A_320 = arith.index_cast %parallel_loop3A_319 : i32 to index
          %parallel_loop3A_321 = arith.index_cast %parallel_loop3A_318 : i32 to index
          %parallel_loop3A_322 = tpu.vector_load %arg8[%parallel_loop3A_320, %parallel_loop3A_321] {strides = array<i32>} : memref<8x4096xf32, #tpu.memory_space<vmem>>, vector<16xf32>,
          tpu.vector_store %arg8[%parallel_loop3A_320, %parallel_loop3A_321], %parallel_loop3A_316 {strides = array<i32>} : memref<8x4096xf32, #tpu.memory_space<vmem>>, vector<16xf32>,
          %parallel_loop3A_323 = arith.constant 7 : i32
          %parallel_loop3A_324 = vector.broadcast %parallel_loop3A_323 : i32 to vector<16xi32>
          %parallel_loop3A_325 = tpu.vector_load_idx %arg6[%parallel_loop3A_324, %parallel_loop3A_259] : memref<8x1000xf32, #tpu.memory_space<vmem>>[vector<16xi32>, vector<16xi32>], vector<16xf32>,
          %parallel_loop3A_326 = arith.constant 16 : i32
          %parallel_loop3A_327 = arith.muli %parallel_loop3A_252, %parallel_loop3A_326 : i32
          %parallel_loop3A_328 = arith.constant 7 : i32
          %parallel_loop3A_329 = arith.index_cast %parallel_loop3A_328 : i32 to index
          %parallel_loop3A_330 = arith.index_cast %parallel_loop3A_327 : i32 to index
          %parallel_loop3A_331 = tpu.vector_load %arg8[%parallel_loop3A_329, %parallel_loop3A_330] {strides = array<i32>} : memref<8x4096xf32, #tpu.memory_space<vmem>>, vector<16xf32>,
          tpu.vector_store %arg8[%parallel_loop3A_329, %parallel_loop3A_330], %parallel_loop3A_325 {strides = array<i32>} : memref<8x4096xf32, #tpu.memory_space<vmem>>, vector<16xf32>,
        } {sc.loop_unroll_factor = 8 : i64, sc.parallel_access}
        %mul3A_246 = arith.constant 8 : i32
        %mul3A_247 = arith.muli %mul3A_246, %add3A_54 : i32
        %mul3A_248 = arith.constant 4096 : i32
        %mul3A_249 = arith.muli %select_n3A_69, %mul3A_248 : i32
        %dma_start3A_250 = tpu.memref_slice %arg4[%mul3A_247, %mul3A_249] : memref<1000x16384xf32, #tpu.memory_space<hbm>> -> memref<8x4096xf32, #tpu.memory_space<hbm>>
        %dma_start3A_251 = tpu.memref_slice %arg4[%mul3A_247, %mul3A_249] : memref<1000x16384xf32, #tpu.memory_space<hbm>> -> memref<8x4096xf32, #tpu.memory_space<hbm>>
        tpu.enqueue_dma source(%arg8 : memref<8x4096xf32, #tpu.memory_space<vmem>>) target(%dma_start3A_251 : memref<8x4096xf32, #tpu.memory_space<hbm>>) target_semaphore(%arg10 : memref<!tpu.dma_semaphore, #tpu.memory_space<semaphore_mem>>)
      } else {
      }
      %jit3A_147 = arith.constant 2 : i32
      %eq3A_148 = arith.constant 0 : i32
      %eq3A_149 = arith.cmpi eq, %jit3A_147, %eq3A_148 : i32
      %jit3A_150 = arith.constant 1 : i32
      %select_n3A_151 = arith.select %eq3A_149, %jit3A_150, %jit3A_147 : i32
      %rem3A_152 = arith.remsi %while3A_32, %select_n3A_151 : i32
      %ne3A_153 = arith.constant 0 : i32
      %ne3A_154 = arith.cmpi ne, %rem3A_152, %ne3A_153 : i32
      %lt3A_155 = arith.constant 0 : i32
      %lt3A_156 = arith.cmpi slt, %rem3A_152, %lt3A_155 : i32
      %lt3A_157 = arith.constant 0 : i32
      %lt3A_158 = arith.cmpi slt, %select_n3A_151, %lt3A_157 : i32
      %ne3A_159 = arith.xori %lt3A_156, %lt3A_158 : i1
      %and3A_160 = arith.andi %ne3A_159, %ne3A_154 : i1
      %add3A_161 = arith.addi %rem3A_152, %select_n3A_151 : i32
      %select_n3A_162 = arith.select %and3A_160, %add3A_161, %rem3A_152 : i32
      %eq3A_163 = arith.constant 0 : i32
      %eq3A_164 = arith.cmpi eq, %select_n3A_162, %eq3A_163 : i32
      %eq3A_165 = arith.constant 1 : i32
      %eq3A_166 = arith.cmpi eq, %select_n3A_85, %eq3A_165 : i32
      %and3A_167 = arith.andi %eq3A_164, %eq3A_166 : i1
      %convert_element_type3A_168 = arith.extui %and3A_167 : i1 to i32
      %cond3A_169 = arith.constant 0 : i32
      %cond3A_170 = arith.cmpi ne, %convert_element_type3A_168, %cond3A_169 : i32
      scf.if %cond3A_170 {
        %parallel_loop3A = arith.constant 0 : i32
        %parallel_loop3A_244 = arith.constant 256 : i32
        %parallel_loop3A_245 = arith.constant 1 : i32
        scf.for %parallel_loop3A_252 = %parallel_loop3A to %parallel_loop3A_244 step %parallel_loop3A_245  : i32 {
          %parallel_loop3A_253 = arith.constant 4096 : i32
          %parallel_loop3A_254 = arith.muli %select_n3A_69, %parallel_loop3A_253 : i32
          %parallel_loop3A_255 = arith.constant 16 : i32
          %parallel_loop3A_256 = arith.muli %parallel_loop3A_252, %parallel_loop3A_255 : i32
          %parallel_loop3A_257 = arith.addi %parallel_loop3A_254, %parallel_loop3A_256 : i32
          %parallel_loop3A_258 = arith.index_cast %parallel_loop3A_257 : i32 to index
          %parallel_loop3A_259 = tpu.vector_load %arg5[%parallel_loop3A_258] {strides = array<i32>} : memref<16384xi32, #tpu.memory_space<vmem>>, vector<16xi32>,
          %parallel_loop3A_260 = arith.constant 0 : i32
          %parallel_loop3A_261 = vector.broadcast %parallel_loop3A_260 : i32 to vector<16xi32>
          %parallel_loop3A_262 = tpu.vector_load_idx %arg7[%parallel_loop3A_261, %parallel_loop3A_259] : memref<8x1000xf32, #tpu.memory_space<vmem>>[vector<16xi32>, vector<16xi32>], vector<16xf32>,
          %parallel_loop3A_263 = arith.constant 16 : i32
          %parallel_loop3A_264 = arith.muli %parallel_loop3A_252, %parallel_loop3A_263 : i32
          %parallel_loop3A_265 = arith.constant 0 : i32
          %parallel_loop3A_266 = arith.index_cast %parallel_loop3A_265 : i32 to index
          %parallel_loop3A_267 = arith.index_cast %parallel_loop3A_264 : i32 to index
          %parallel_loop3A_268 = tpu.vector_load %arg8[%parallel_loop3A_266, %parallel_loop3A_267] {strides = array<i32>} : memref<8x4096xf32, #tpu.memory_space<vmem>>, vector<16xf32>,
          tpu.vector_store %arg8[%parallel_loop3A_266, %parallel_loop3A_267], %parallel_loop3A_262 {strides = array<i32>} : memref<8x4096xf32, #tpu.memory_space<vmem>>, vector<16xf32>,
          %parallel_loop3A_269 = arith.constant 1 : i32
          %parallel_loop3A_270 = vector.broadcast %parallel_loop3A_269 : i32 to vector<16xi32>
          %parallel_loop3A_271 = tpu.vector_load_idx %arg7[%parallel_loop3A_270, %parallel_loop3A_259] : memref<8x1000xf32, #tpu.memory_space<vmem>>[vector<16xi32>, vector<16xi32>], vector<16xf32>,
          %parallel_loop3A_272 = arith.constant 16 : i32
          %parallel_loop3A_273 = arith.muli %parallel_loop3A_252, %parallel_loop3A_272 : i32
          %parallel_loop3A_274 = arith.constant 1 : i32
          %parallel_loop3A_275 = arith.index_cast %parallel_loop3A_274 : i32 to index
          %parallel_loop3A_276 = arith.index_cast %parallel_loop3A_273 : i32 to index
          %parallel_loop3A_277 = tpu.vector_load %arg8[%parallel_loop3A_275, %parallel_loop3A_276] {strides = array<i32>} : memref<8x4096xf32, #tpu.memory_space<vmem>>, vector<16xf32>,
          tpu.vector_store %arg8[%parallel_loop3A_275, %parallel_loop3A_276], %parallel_loop3A_271 {strides = array<i32>} : memref<8x4096xf32, #tpu.memory_space<vmem>>, vector<16xf32>,
          %parallel_loop3A_278 = arith.constant 2 : i32
          %parallel_loop3A_279 = vector.broadcast %parallel_loop3A_278 : i32 to vector<16xi32>
          %parallel_loop3A_280 = tpu.vector_load_idx %arg7[%parallel_loop3A_279, %parallel_loop3A_259] : memref<8x1000xf32, #tpu.memory_space<vmem>>[vector<16xi32>, vector<16xi32>], vector<16xf32>,
          %parallel_loop3A_281 = arith.constant 16 : i32
          %parallel_loop3A_282 = arith.muli %parallel_loop3A_252, %parallel_loop3A_281 : i32
          %parallel_loop3A_283 = arith.constant 2 : i32
          %parallel_loop3A_284 = arith.index_cast %parallel_loop3A_283 : i32 to index
          %parallel_loop3A_285 = arith.index_cast %parallel_loop3A_282 : i32 to index
          %parallel_loop3A_286 = tpu.vector_load %arg8[%parallel_loop3A_284, %parallel_loop3A_285] {strides = array<i32>} : memref<8x4096xf32, #tpu.memory_space<vmem>>, vector<16xf32>,
          tpu.vector_store %arg8[%parallel_loop3A_284, %parallel_loop3A_285], %parallel_loop3A_280 {strides = array<i32>} : memref<8x4096xf32, #tpu.memory_space<vmem>>, vector<16xf32>,
          %parallel_loop3A_287 = arith.constant 3 : i32
          %parallel_loop3A_288 = vector.broadcast %parallel_loop3A_287 : i32 to vector<16xi32>
          %parallel_loop3A_289 = tpu.vector_load_idx %arg7[%parallel_loop3A_288, %parallel_loop3A_259] : memref<8x1000xf32, #tpu.memory_space<vmem>>[vector<16xi32>, vector<16xi32>], vector<16xf32>,
          %parallel_loop3A_290 = arith.constant 16 : i32
          %parallel_loop3A_291 = arith.muli %parallel_loop3A_252, %parallel_loop3A_290 : i32
          %parallel_loop3A_292 = arith.constant 3 : i32
          %parallel_loop3A_293 = arith.index_cast %parallel_loop3A_292 : i32 to index
          %parallel_loop3A_294 = arith.index_cast %parallel_loop3A_291 : i32 to index
          %parallel_loop3A_295 = tpu.vector_load %arg8[%parallel_loop3A_293, %parallel_loop3A_294] {strides = array<i32>} : memref<8x4096xf32, #tpu.memory_space<vmem>>, vector<16xf32>,
          tpu.vector_store %arg8[%parallel_loop3A_293, %parallel_loop3A_294], %parallel_loop3A_289 {strides = array<i32>} : memref<8x4096xf32, #tpu.memory_space<vmem>>, vector<16xf32>,
          %parallel_loop3A_296 = arith.constant 4 : i32
          %parallel_loop3A_297 = vector.broadcast %parallel_loop3A_296 : i32 to vector<16xi32>
          %parallel_loop3A_298 = tpu.vector_load_idx %arg7[%parallel_loop3A_297, %parallel_loop3A_259] : memref<8x1000xf32, #tpu.memory_space<vmem>>[vector<16xi32>, vector<16xi32>], vector<16xf32>,
          %parallel_loop3A_299 = arith.constant 16 : i32
          %parallel_loop3A_300 = arith.muli %parallel_loop3A_252, %parallel_loop3A_299 : i32
          %parallel_loop3A_301 = arith.constant 4 : i32
          %parallel_loop3A_302 = arith.index_cast %parallel_loop3A_301 : i32 to index
          %parallel_loop3A_303 = arith.index_cast %parallel_loop3A_300 : i32 to index
          %parallel_loop3A_304 = tpu.vector_load %arg8[%parallel_loop3A_302, %parallel_loop3A_303] {strides = array<i32>} : memref<8x4096xf32, #tpu.memory_space<vmem>>, vector<16xf32>,
          tpu.vector_store %arg8[%parallel_loop3A_302, %parallel_loop3A_303], %parallel_loop3A_298 {strides = array<i32>} : memref<8x4096xf32, #tpu.memory_space<vmem>>, vector<16xf32>,
          %parallel_loop3A_305 = arith.constant 5 : i32
          %parallel_loop3A_306 = vector.broadcast %parallel_loop3A_305 : i32 to vector<16xi32>
          %parallel_loop3A_307 = tpu.vector_load_idx %arg7[%parallel_loop3A_306, %parallel_loop3A_259] : memref<8x1000xf32, #tpu.memory_space<vmem>>[vector<16xi32>, vector<16xi32>], vector<16xf32>,
          %parallel_loop3A_308 = arith.constant 16 : i32
          %parallel_loop3A_309 = arith.muli %parallel_loop3A_252, %parallel_loop3A_308 : i32
          %parallel_loop3A_310 = arith.constant 5 : i32
          %parallel_loop3A_311 = arith.index_cast %parallel_loop3A_310 : i32 to index
          %parallel_loop3A_312 = arith.index_cast %parallel_loop3A_309 : i32 to index
          %parallel_loop3A_313 = tpu.vector_load %arg8[%parallel_loop3A_311, %parallel_loop3A_312] {strides = array<i32>} : memref<8x4096xf32, #tpu.memory_space<vmem>>, vector<16xf32>,
          tpu.vector_store %arg8[%parallel_loop3A_311, %parallel_loop3A_312], %parallel_loop3A_307 {strides = array<i32>} : memref<8x4096xf32, #tpu.memory_space<vmem>>, vector<16xf32>,
          %parallel_loop3A_314 = arith.constant 6 : i32
          %parallel_loop3A_315 = vector.broadcast %parallel_loop3A_314 : i32 to vector<16xi32>
          %parallel_loop3A_316 = tpu.vector_load_idx %arg7[%parallel_loop3A_315, %parallel_loop3A_259] : memref<8x1000xf32, #tpu.memory_space<vmem>>[vector<16xi32>, vector<16xi32>], vector<16xf32>,
          %parallel_loop3A_317 = arith.constant 16 : i32
          %parallel_loop3A_318 = arith.muli %parallel_loop3A_252, %parallel_loop3A_317 : i32
          %parallel_loop3A_319 = arith.constant 6 : i32
          %parallel_loop3A_320 = arith.index_cast %parallel_loop3A_319 : i32 to index
          %parallel_loop3A_321 = arith.index_cast %parallel_loop3A_318 : i32 to index
          %parallel_loop3A_322 = tpu.vector_load %arg8[%parallel_loop3A_320, %parallel_loop3A_321] {strides = array<i32>} : memref<8x4096xf32, #tpu.memory_space<vmem>>, vector<16xf32>,
          tpu.vector_store %arg8[%parallel_loop3A_320, %parallel_loop3A_321], %parallel_loop3A_316 {strides = array<i32>} : memref<8x4096xf32, #tpu.memory_space<vmem>>, vector<16xf32>,
          %parallel_loop3A_323 = arith.constant 7 : i32
          %parallel_loop3A_324 = vector.broadcast %parallel_loop3A_323 : i32 to vector<16xi32>
          %parallel_loop3A_325 = tpu.vector_load_idx %arg7[%parallel_loop3A_324, %parallel_loop3A_259] : memref<8x1000xf32, #tpu.memory_space<vmem>>[vector<16xi32>, vector<16xi32>], vector<16xf32>,
          %parallel_loop3A_326 = arith.constant 16 : i32
          %parallel_loop3A_327 = arith.muli %parallel_loop3A_252, %parallel_loop3A_326 : i32
          %parallel_loop3A_328 = arith.constant 7 : i32
          %parallel_loop3A_329 = arith.index_cast %parallel_loop3A_328 : i32 to index
          %parallel_loop3A_330 = arith.index_cast %parallel_loop3A_327 : i32 to index
          %parallel_loop3A_331 = tpu.vector_load %arg8[%parallel_loop3A_329, %parallel_loop3A_330] {strides = array<i32>} : memref<8x4096xf32, #tpu.memory_space<vmem>>, vector<16xf32>,
          tpu.vector_store %arg8[%parallel_loop3A_329, %parallel_loop3A_330], %parallel_loop3A_325 {strides = array<i32>} : memref<8x4096xf32, #tpu.memory_space<vmem>>, vector<16xf32>,
        } {sc.loop_unroll_factor = 8 : i64, sc.parallel_access}
        %mul3A_246 = arith.constant 8 : i32
        %mul3A_247 = arith.muli %mul3A_246, %add3A_54 : i32
        %mul3A_248 = arith.constant 4096 : i32
        %mul3A_249 = arith.muli %select_n3A_69, %mul3A_248 : i32
        %dma_start3A_250 = tpu.memref_slice %arg4[%mul3A_247, %mul3A_249] : memref<1000x16384xf32, #tpu.memory_space<hbm>> -> memref<8x4096xf32, #tpu.memory_space<hbm>>
        %dma_start3A_251 = tpu.memref_slice %arg4[%mul3A_247, %mul3A_249] : memref<1000x16384xf32, #tpu.memory_space<hbm>> -> memref<8x4096xf32, #tpu.memory_space<hbm>>
        tpu.enqueue_dma source(%arg8 : memref<8x4096xf32, #tpu.memory_space<vmem>>) target(%dma_start3A_251 : memref<8x4096xf32, #tpu.memory_space<hbm>>) target_semaphore(%arg10 : memref<!tpu.dma_semaphore, #tpu.memory_space<semaphore_mem>>)
      } else {
      }
      %jit3A_171 = arith.constant 2 : i32
      %eq3A_172 = arith.constant 0 : i32
      %eq3A_173 = arith.cmpi eq, %jit3A_171, %eq3A_172 : i32
      %jit3A_174 = arith.constant 1 : i32
      %select_n3A_175 = arith.select %eq3A_173, %jit3A_174, %jit3A_171 : i32
      %rem3A_176 = arith.remsi %while3A_32, %select_n3A_175 : i32
      %ne3A_177 = arith.constant 0 : i32
      %ne3A_178 = arith.cmpi ne, %rem3A_176, %ne3A_177 : i32
      %lt3A_179 = arith.constant 0 : i32
      %lt3A_180 = arith.cmpi slt, %rem3A_176, %lt3A_179 : i32
      %lt3A_181 = arith.constant 0 : i32
      %lt3A_182 = arith.cmpi slt, %select_n3A_175, %lt3A_181 : i32
      %ne3A_183 = arith.xori %lt3A_180, %lt3A_182 : i1
      %and3A_184 = arith.andi %ne3A_183, %ne3A_178 : i1
      %add3A_185 = arith.addi %rem3A_176, %select_n3A_175 : i32
      %select_n3A_186 = arith.select %and3A_184, %add3A_185, %rem3A_176 : i32
      %eq3A_187 = arith.constant 1 : i32
      %eq3A_188 = arith.cmpi eq, %select_n3A_186, %eq3A_187 : i32
      %ge3A_189 = arith.constant 2 : i32
      %ge3A_190 = arith.cmpi sge, %while3A_32, %ge3A_189 : i32
      %and3A_191 = arith.andi %eq3A_188, %ge3A_190 : i1
      %convert_element_type3A_192 = arith.extui %and3A_191 : i1 to i32
      %cond3A_193 = arith.constant 0 : i32
      %cond3A_194 = arith.cmpi ne, %convert_element_type3A_192, %cond3A_193 : i32
      scf.if %cond3A_194 {
        %dma_wait3A_244 = arith.constant 0 : i32
        %dma_wait3A_245 = arith.constant 0 : i32
        %dma_wait3A_246 = tpu.memref_slice %arg4[%dma_wait3A_244, %dma_wait3A_245] : memref<1000x16384xf32, #tpu.memory_space<hbm>> -> memref<8x4096xf32, #tpu.memory_space<hbm>>
        %dma_wait3A_247 = arith.constant 0 : i32
        %dma_wait3A_248 = arith.constant 0 : i32
        %dma_wait3A_249 = tpu.memref_slice %arg4[%dma_wait3A_247, %dma_wait3A_248] : memref<1000x16384xf32, #tpu.memory_space<hbm>> -> memref<8x4096xf32, #tpu.memory_space<hbm>>
        tpu.wait_dma2 semaphore(%arg11 : memref<!tpu.dma_semaphore, #tpu.memory_space<semaphore_mem>>) src(%arg9 : memref<8x4096xf32, #tpu.memory_space<vmem>>) dst(%dma_wait3A_249 : memref<8x4096xf32, #tpu.memory_space<hbm>>)
      } else {
      }
      %jit3A_195 = arith.constant 2 : i32
      %eq3A_196 = arith.constant 0 : i32
      %eq3A_197 = arith.cmpi eq, %jit3A_195, %eq3A_196 : i32
      %jit3A_198 = arith.constant 1 : i32
      %select_n3A_199 = arith.select %eq3A_197, %jit3A_198, %jit3A_195 : i32
      %rem3A_200 = arith.remsi %while3A_32, %select_n3A_199 : i32
      %ne3A_201 = arith.constant 0 : i32
      %ne3A_202 = arith.cmpi ne, %rem3A_200, %ne3A_201 : i32
      %lt3A_203 = arith.constant 0 : i32
      %lt3A_204 = arith.cmpi slt, %rem3A_200, %lt3A_203 : i32
      %lt3A_205 = arith.constant 0 : i32
      %lt3A_206 = arith.cmpi slt, %select_n3A_199, %lt3A_205 : i32
      %ne3A_207 = arith.xori %lt3A_204, %lt3A_206 : i1
      %and3A_208 = arith.andi %ne3A_207, %ne3A_202 : i1
      %add3A_209 = arith.addi %rem3A_200, %select_n3A_199 : i32
      %select_n3A_210 = arith.select %and3A_208, %add3A_209, %rem3A_200 : i32
      %eq3A_211 = arith.constant 1 : i32
      %eq3A_212 = arith.cmpi eq, %select_n3A_210, %eq3A_211 : i32
      %eq3A_213 = arith.constant 0 : i32
      %eq3A_214 = arith.cmpi eq, %select_n3A_85, %eq3A_213 : i32
      %and3A_215 = arith.andi %eq3A_212, %eq3A_214 : i1
      %convert_element_type3A_216 = arith.extui %and3A_215 : i1 to i32
      %cond3A_217 = arith.constant 0 : i32
      %cond3A_218 = arith.cmpi ne, %convert_element_type3A_216, %cond3A_217 : i32
      scf.if %cond3A_218 {
        %parallel_loop3A = arith.constant 0 : i32
        %parallel_loop3A_244 = arith.constant 256 : i32
        %parallel_loop3A_245 = arith.constant 1 : i32
        scf.for %parallel_loop3A_252 = %parallel_loop3A to %parallel_loop3A_244 step %parallel_loop3A_245  : i32 {
          %parallel_loop3A_253 = arith.constant 4096 : i32
          %parallel_loop3A_254 = arith.muli %select_n3A_69, %parallel_loop3A_253 : i32
          %parallel_loop3A_255 = arith.constant 16 : i32
          %parallel_loop3A_256 = arith.muli %parallel_loop3A_252, %parallel_loop3A_255 : i32
          %parallel_loop3A_257 = arith.addi %parallel_loop3A_254, %parallel_loop3A_256 : i32
          %parallel_loop3A_258 = arith.index_cast %parallel_loop3A_257 : i32 to index
          %parallel_loop3A_259 = tpu.vector_load %arg5[%parallel_loop3A_258] {strides = array<i32>} : memref<16384xi32, #tpu.memory_space<vmem>>, vector<16xi32>,
          %parallel_loop3A_260 = arith.constant 0 : i32
          %parallel_loop3A_261 = vector.broadcast %parallel_loop3A_260 : i32 to vector<16xi32>
          %parallel_loop3A_262 = tpu.vector_load_idx %arg6[%parallel_loop3A_261, %parallel_loop3A_259] : memref<8x1000xf32, #tpu.memory_space<vmem>>[vector<16xi32>, vector<16xi32>], vector<16xf32>,
          %parallel_loop3A_263 = arith.constant 16 : i32
          %parallel_loop3A_264 = arith.muli %parallel_loop3A_252, %parallel_loop3A_263 : i32
          %parallel_loop3A_265 = arith.constant 0 : i32
          %parallel_loop3A_266 = arith.index_cast %parallel_loop3A_265 : i32 to index
          %parallel_loop3A_267 = arith.index_cast %parallel_loop3A_264 : i32 to index
          %parallel_loop3A_268 = tpu.vector_load %arg9[%parallel_loop3A_266, %parallel_loop3A_267] {strides = array<i32>} : memref<8x4096xf32, #tpu.memory_space<vmem>>, vector<16xf32>,
          tpu.vector_store %arg9[%parallel_loop3A_266, %parallel_loop3A_267], %parallel_loop3A_262 {strides = array<i32>} : memref<8x4096xf32, #tpu.memory_space<vmem>>, vector<16xf32>,
          %parallel_loop3A_269 = arith.constant 1 : i32
          %parallel_loop3A_270 = vector.broadcast %parallel_loop3A_269 : i32 to vector<16xi32>
          %parallel_loop3A_271 = tpu.vector_load_idx %arg6[%parallel_loop3A_270, %parallel_loop3A_259] : memref<8x1000xf32, #tpu.memory_space<vmem>>[vector<16xi32>, vector<16xi32>], vector<16xf32>,
          %parallel_loop3A_272 = arith.constant 16 : i32
          %parallel_loop3A_273 = arith.muli %parallel_loop3A_252, %parallel_loop3A_272 : i32
          %parallel_loop3A_274 = arith.constant 1 : i32
          %parallel_loop3A_275 = arith.index_cast %parallel_loop3A_274 : i32 to index
          %parallel_loop3A_276 = arith.index_cast %parallel_loop3A_273 : i32 to index
          %parallel_loop3A_277 = tpu.vector_load %arg9[%parallel_loop3A_275, %parallel_loop3A_276] {strides = array<i32>} : memref<8x4096xf32, #tpu.memory_space<vmem>>, vector<16xf32>,
          tpu.vector_store %arg9[%parallel_loop3A_275, %parallel_loop3A_276], %parallel_loop3A_271 {strides = array<i32>} : memref<8x4096xf32, #tpu.memory_space<vmem>>, vector<16xf32>,
          %parallel_loop3A_278 = arith.constant 2 : i32
          %parallel_loop3A_279 = vector.broadcast %parallel_loop3A_278 : i32 to vector<16xi32>
          %parallel_loop3A_280 = tpu.vector_load_idx %arg6[%parallel_loop3A_279, %parallel_loop3A_259] : memref<8x1000xf32, #tpu.memory_space<vmem>>[vector<16xi32>, vector<16xi32>], vector<16xf32>,
          %parallel_loop3A_281 = arith.constant 16 : i32
          %parallel_loop3A_282 = arith.muli %parallel_loop3A_252, %parallel_loop3A_281 : i32
          %parallel_loop3A_283 = arith.constant 2 : i32
          %parallel_loop3A_284 = arith.index_cast %parallel_loop3A_283 : i32 to index
          %parallel_loop3A_285 = arith.index_cast %parallel_loop3A_282 : i32 to index
          %parallel_loop3A_286 = tpu.vector_load %arg9[%parallel_loop3A_284, %parallel_loop3A_285] {strides = array<i32>} : memref<8x4096xf32, #tpu.memory_space<vmem>>, vector<16xf32>,
          tpu.vector_store %arg9[%parallel_loop3A_284, %parallel_loop3A_285], %parallel_loop3A_280 {strides = array<i32>} : memref<8x4096xf32, #tpu.memory_space<vmem>>, vector<16xf32>,
          %parallel_loop3A_287 = arith.constant 3 : i32
          %parallel_loop3A_288 = vector.broadcast %parallel_loop3A_287 : i32 to vector<16xi32>
          %parallel_loop3A_289 = tpu.vector_load_idx %arg6[%parallel_loop3A_288, %parallel_loop3A_259] : memref<8x1000xf32, #tpu.memory_space<vmem>>[vector<16xi32>, vector<16xi32>], vector<16xf32>,
          %parallel_loop3A_290 = arith.constant 16 : i32
          %parallel_loop3A_291 = arith.muli %parallel_loop3A_252, %parallel_loop3A_290 : i32
          %parallel_loop3A_292 = arith.constant 3 : i32
          %parallel_loop3A_293 = arith.index_cast %parallel_loop3A_292 : i32 to index
          %parallel_loop3A_294 = arith.index_cast %parallel_loop3A_291 : i32 to index
          %parallel_loop3A_295 = tpu.vector_load %arg9[%parallel_loop3A_293, %parallel_loop3A_294] {strides = array<i32>} : memref<8x4096xf32, #tpu.memory_space<vmem>>, vector<16xf32>,
          tpu.vector_store %arg9[%parallel_loop3A_293, %parallel_loop3A_294], %parallel_loop3A_289 {strides = array<i32>} : memref<8x4096xf32, #tpu.memory_space<vmem>>, vector<16xf32>,
          %parallel_loop3A_296 = arith.constant 4 : i32
          %parallel_loop3A_297 = vector.broadcast %parallel_loop3A_296 : i32 to vector<16xi32>
          %parallel_loop3A_298 = tpu.vector_load_idx %arg6[%parallel_loop3A_297, %parallel_loop3A_259] : memref<8x1000xf32, #tpu.memory_space<vmem>>[vector<16xi32>, vector<16xi32>], vector<16xf32>,
          %parallel_loop3A_299 = arith.constant 16 : i32
          %parallel_loop3A_300 = arith.muli %parallel_loop3A_252, %parallel_loop3A_299 : i32
          %parallel_loop3A_301 = arith.constant 4 : i32
          %parallel_loop3A_302 = arith.index_cast %parallel_loop3A_301 : i32 to index
          %parallel_loop3A_303 = arith.index_cast %parallel_loop3A_300 : i32 to index
          %parallel_loop3A_304 = tpu.vector_load %arg9[%parallel_loop3A_302, %parallel_loop3A_303] {strides = array<i32>} : memref<8x4096xf32, #tpu.memory_space<vmem>>, vector<16xf32>,
          tpu.vector_store %arg9[%parallel_loop3A_302, %parallel_loop3A_303], %parallel_loop3A_298 {strides = array<i32>} : memref<8x4096xf32, #tpu.memory_space<vmem>>, vector<16xf32>,
          %parallel_loop3A_305 = arith.constant 5 : i32
          %parallel_loop3A_306 = vector.broadcast %parallel_loop3A_305 : i32 to vector<16xi32>
          %parallel_loop3A_307 = tpu.vector_load_idx %arg6[%parallel_loop3A_306, %parallel_loop3A_259] : memref<8x1000xf32, #tpu.memory_space<vmem>>[vector<16xi32>, vector<16xi32>], vector<16xf32>,
          %parallel_loop3A_308 = arith.constant 16 : i32
          %parallel_loop3A_309 = arith.muli %parallel_loop3A_252, %parallel_loop3A_308 : i32
          %parallel_loop3A_310 = arith.constant 5 : i32
          %parallel_loop3A_311 = arith.index_cast %parallel_loop3A_310 : i32 to index
          %parallel_loop3A_312 = arith.index_cast %parallel_loop3A_309 : i32 to index
          %parallel_loop3A_313 = tpu.vector_load %arg9[%parallel_loop3A_311, %parallel_loop3A_312] {strides = array<i32>} : memref<8x4096xf32, #tpu.memory_space<vmem>>, vector<16xf32>,
          tpu.vector_store %arg9[%parallel_loop3A_311, %parallel_loop3A_312], %parallel_loop3A_307 {strides = array<i32>} : memref<8x4096xf32, #tpu.memory_space<vmem>>, vector<16xf32>,
          %parallel_loop3A_314 = arith.constant 6 : i32
          %parallel_loop3A_315 = vector.broadcast %parallel_loop3A_314 : i32 to vector<16xi32>
          %parallel_loop3A_316 = tpu.vector_load_idx %arg6[%parallel_loop3A_315, %parallel_loop3A_259] : memref<8x1000xf32, #tpu.memory_space<vmem>>[vector<16xi32>, vector<16xi32>], vector<16xf32>,
          %parallel_loop3A_317 = arith.constant 16 : i32
          %parallel_loop3A_318 = arith.muli %parallel_loop3A_252, %parallel_loop3A_317 : i32
          %parallel_loop3A_319 = arith.constant 6 : i32
          %parallel_loop3A_320 = arith.index_cast %parallel_loop3A_319 : i32 to index
          %parallel_loop3A_321 = arith.index_cast %parallel_loop3A_318 : i32 to index
          %parallel_loop3A_322 = tpu.vector_load %arg9[%parallel_loop3A_320, %parallel_loop3A_321] {strides = array<i32>} : memref<8x4096xf32, #tpu.memory_space<vmem>>, vector<16xf32>,
          tpu.vector_store %arg9[%parallel_loop3A_320, %parallel_loop3A_321], %parallel_loop3A_316 {strides = array<i32>} : memref<8x4096xf32, #tpu.memory_space<vmem>>, vector<16xf32>,
          %parallel_loop3A_323 = arith.constant 7 : i32
          %parallel_loop3A_324 = vector.broadcast %parallel_loop3A_323 : i32 to vector<16xi32>
          %parallel_loop3A_325 = tpu.vector_load_idx %arg6[%parallel_loop3A_324, %parallel_loop3A_259] : memref<8x1000xf32, #tpu.memory_space<vmem>>[vector<16xi32>, vector<16xi32>], vector<16xf32>,
          %parallel_loop3A_326 = arith.constant 16 : i32
          %parallel_loop3A_327 = arith.muli %parallel_loop3A_252, %parallel_loop3A_326 : i32
          %parallel_loop3A_328 = arith.constant 7 : i32
          %parallel_loop3A_329 = arith.index_cast %parallel_loop3A_328 : i32 to index
          %parallel_loop3A_330 = arith.index_cast %parallel_loop3A_327 : i32 to index
          %parallel_loop3A_331 = tpu.vector_load %arg9[%parallel_loop3A_329, %parallel_loop3A_330] {strides = array<i32>} : memref<8x4096xf32, #tpu.memory_space<vmem>>, vector<16xf32>,
          tpu.vector_store %arg9[%parallel_loop3A_329, %parallel_loop3A_330], %parallel_loop3A_325 {strides = array<i32>} : memref<8x4096xf32, #tpu.memory_space<vmem>>, vector<16xf32>,
        } {sc.loop_unroll_factor = 8 : i64, sc.parallel_access}
        %mul3A_246 = arith.constant 8 : i32
        %mul3A_247 = arith.muli %mul3A_246, %add3A_54 : i32
        %mul3A_248 = arith.constant 4096 : i32
        %mul3A_249 = arith.muli %select_n3A_69, %mul3A_248 : i32
        %dma_start3A_250 = tpu.memref_slice %arg4[%mul3A_247, %mul3A_249] : memref<1000x16384xf32, #tpu.memory_space<hbm>> -> memref<8x4096xf32, #tpu.memory_space<hbm>>
        %dma_start3A_251 = tpu.memref_slice %arg4[%mul3A_247, %mul3A_249] : memref<1000x16384xf32, #tpu.memory_space<hbm>> -> memref<8x4096xf32, #tpu.memory_space<hbm>>
        tpu.enqueue_dma source(%arg9 : memref<8x4096xf32, #tpu.memory_space<vmem>>) target(%dma_start3A_251 : memref<8x4096xf32, #tpu.memory_space<hbm>>) target_semaphore(%arg11 : memref<!tpu.dma_semaphore, #tpu.memory_space<semaphore_mem>>)
      } else {
      }
      %jit3A_219 = arith.constant 2 : i32
      %eq3A_220 = arith.constant 0 : i32
      %eq3A_221 = arith.cmpi eq, %jit3A_219, %eq3A_220 : i32
      %jit3A_222 = arith.constant 1 : i32
      %select_n3A_223 = arith.select %eq3A_221, %jit3A_222, %jit3A_219 : i32
      %rem3A_224 = arith.remsi %while3A_32, %select_n3A_223 : i32
      %ne3A_225 = arith.constant 0 : i32
      %ne3A_226 = arith.cmpi ne, %rem3A_224, %ne3A_225 : i32
      %lt3A_227 = arith.constant 0 : i32
      %lt3A_228 = arith.cmpi slt, %rem3A_224, %lt3A_227 : i32
      %lt3A_229 = arith.constant 0 : i32
      %lt3A_230 = arith.cmpi slt, %select_n3A_223, %lt3A_229 : i32
      %ne3A_231 = arith.xori %lt3A_228, %lt3A_230 : i1
      %and3A_232 = arith.andi %ne3A_231, %ne3A_226 : i1
      %add3A_233 = arith.addi %rem3A_224, %select_n3A_223 : i32
      %select_n3A_234 = arith.select %and3A_232, %add3A_233, %rem3A_224 : i32
      %eq3A_235 = arith.constant 1 : i32
      %eq3A_236 = arith.cmpi eq, %select_n3A_234, %eq3A_235 : i32
      %eq3A_237 = arith.constant 1 : i32
      %eq3A_238 = arith.cmpi eq, %select_n3A_85, %eq3A_237 : i32
      %and3A_239 = arith.andi %eq3A_236, %eq3A_238 : i1
      %convert_element_type3A_240 = arith.extui %and3A_239 : i1 to i32
      %cond3A_241 = arith.constant 0 : i32
      %cond3A_242 = arith.cmpi ne, %convert_element_type3A_240, %cond3A_241 : i32
      scf.if %cond3A_242 {
        %parallel_loop3A = arith.constant 0 : i32
        %parallel_loop3A_244 = arith.constant 256 : i32
        %parallel_loop3A_245 = arith.constant 1 : i32
        scf.for %parallel_loop3A_252 = %parallel_loop3A to %parallel_loop3A_244 step %parallel_loop3A_245  : i32 {
          %parallel_loop3A_253 = arith.constant 4096 : i32
          %parallel_loop3A_254 = arith.muli %select_n3A_69, %parallel_loop3A_253 : i32
          %parallel_loop3A_255 = arith.constant 16 : i32
          %parallel_loop3A_256 = arith.muli %parallel_loop3A_252, %parallel_loop3A_255 : i32
          %parallel_loop3A_257 = arith.addi %parallel_loop3A_254, %parallel_loop3A_256 : i32
          %parallel_loop3A_258 = arith.index_cast %parallel_loop3A_257 : i32 to index
          %parallel_loop3A_259 = tpu.vector_load %arg5[%parallel_loop3A_258] {strides = array<i32>} : memref<16384xi32, #tpu.memory_space<vmem>>, vector<16xi32>,
          %parallel_loop3A_260 = arith.constant 0 : i32
          %parallel_loop3A_261 = vector.broadcast %parallel_loop3A_260 : i32 to vector<16xi32>
          %parallel_loop3A_262 = tpu.vector_load_idx %arg7[%parallel_loop3A_261, %parallel_loop3A_259] : memref<8x1000xf32, #tpu.memory_space<vmem>>[vector<16xi32>, vector<16xi32>], vector<16xf32>,
          %parallel_loop3A_263 = arith.constant 16 : i32
          %parallel_loop3A_264 = arith.muli %parallel_loop3A_252, %parallel_loop3A_263 : i32
          %parallel_loop3A_265 = arith.constant 0 : i32
          %parallel_loop3A_266 = arith.index_cast %parallel_loop3A_265 : i32 to index
          %parallel_loop3A_267 = arith.index_cast %parallel_loop3A_264 : i32 to index
          %parallel_loop3A_268 = tpu.vector_load %arg9[%parallel_loop3A_266, %parallel_loop3A_267] {strides = array<i32>} : memref<8x4096xf32, #tpu.memory_space<vmem>>, vector<16xf32>,
          tpu.vector_store %arg9[%parallel_loop3A_266, %parallel_loop3A_267], %parallel_loop3A_262 {strides = array<i32>} : memref<8x4096xf32, #tpu.memory_space<vmem>>, vector<16xf32>,
          %parallel_loop3A_269 = arith.constant 1 : i32
          %parallel_loop3A_270 = vector.broadcast %parallel_loop3A_269 : i32 to vector<16xi32>
          %parallel_loop3A_271 = tpu.vector_load_idx %arg7[%parallel_loop3A_270, %parallel_loop3A_259] : memref<8x1000xf32, #tpu.memory_space<vmem>>[vector<16xi32>, vector<16xi32>], vector<16xf32>,
          %parallel_loop3A_272 = arith.constant 16 : i32
          %parallel_loop3A_273 = arith.muli %parallel_loop3A_252, %parallel_loop3A_272 : i32
          %parallel_loop3A_274 = arith.constant 1 : i32
          %parallel_loop3A_275 = arith.index_cast %parallel_loop3A_274 : i32 to index
          %parallel_loop3A_276 = arith.index_cast %parallel_loop3A_273 : i32 to index
          %parallel_loop3A_277 = tpu.vector_load %arg9[%parallel_loop3A_275, %parallel_loop3A_276] {strides = array<i32>} : memref<8x4096xf32, #tpu.memory_space<vmem>>, vector<16xf32>,
          tpu.vector_store %arg9[%parallel_loop3A_275, %parallel_loop3A_276], %parallel_loop3A_271 {strides = array<i32>} : memref<8x4096xf32, #tpu.memory_space<vmem>>, vector<16xf32>,
          %parallel_loop3A_278 = arith.constant 2 : i32
          %parallel_loop3A_279 = vector.broadcast %parallel_loop3A_278 : i32 to vector<16xi32>
          %parallel_loop3A_280 = tpu.vector_load_idx %arg7[%parallel_loop3A_279, %parallel_loop3A_259] : memref<8x1000xf32, #tpu.memory_space<vmem>>[vector<16xi32>, vector<16xi32>], vector<16xf32>,
          %parallel_loop3A_281 = arith.constant 16 : i32
          %parallel_loop3A_282 = arith.muli %parallel_loop3A_252, %parallel_loop3A_281 : i32
          %parallel_loop3A_283 = arith.constant 2 : i32
          %parallel_loop3A_284 = arith.index_cast %parallel_loop3A_283 : i32 to index
          %parallel_loop3A_285 = arith.index_cast %parallel_loop3A_282 : i32 to index
          %parallel_loop3A_286 = tpu.vector_load %arg9[%parallel_loop3A_284, %parallel_loop3A_285] {strides = array<i32>} : memref<8x4096xf32, #tpu.memory_space<vmem>>, vector<16xf32>,
          tpu.vector_store %arg9[%parallel_loop3A_284, %parallel_loop3A_285], %parallel_loop3A_280 {strides = array<i32>} : memref<8x4096xf32, #tpu.memory_space<vmem>>, vector<16xf32>,
          %parallel_loop3A_287 = arith.constant 3 : i32
          %parallel_loop3A_288 = vector.broadcast %parallel_loop3A_287 : i32 to vector<16xi32>
          %parallel_loop3A_289 = tpu.vector_load_idx %arg7[%parallel_loop3A_288, %parallel_loop3A_259] : memref<8x1000xf32, #tpu.memory_space<vmem>>[vector<16xi32>, vector<16xi32>], vector<16xf32>,
          %parallel_loop3A_290 = arith.constant 16 : i32
          %parallel_loop3A_291 = arith.muli %parallel_loop3A_252, %parallel_loop3A_290 : i32
          %parallel_loop3A_292 = arith.constant 3 : i32
          %parallel_loop3A_293 = arith.index_cast %parallel_loop3A_292 : i32 to index
          %parallel_loop3A_294 = arith.index_cast %parallel_loop3A_291 : i32 to index
          %parallel_loop3A_295 = tpu.vector_load %arg9[%parallel_loop3A_293, %parallel_loop3A_294] {strides = array<i32>} : memref<8x4096xf32, #tpu.memory_space<vmem>>, vector<16xf32>,
          tpu.vector_store %arg9[%parallel_loop3A_293, %parallel_loop3A_294], %parallel_loop3A_289 {strides = array<i32>} : memref<8x4096xf32, #tpu.memory_space<vmem>>, vector<16xf32>,
          %parallel_loop3A_296 = arith.constant 4 : i32
          %parallel_loop3A_297 = vector.broadcast %parallel_loop3A_296 : i32 to vector<16xi32>
          %parallel_loop3A_298 = tpu.vector_load_idx %arg7[%parallel_loop3A_297, %parallel_loop3A_259] : memref<8x1000xf32, #tpu.memory_space<vmem>>[vector<16xi32>, vector<16xi32>], vector<16xf32>,
          %parallel_loop3A_299 = arith.constant 16 : i32
          %parallel_loop3A_300 = arith.muli %parallel_loop3A_252, %parallel_loop3A_299 : i32
          %parallel_loop3A_301 = arith.constant 4 : i32
          %parallel_loop3A_302 = arith.index_cast %parallel_loop3A_301 : i32 to index
          %parallel_loop3A_303 = arith.index_cast %parallel_loop3A_300 : i32 to index
          %parallel_loop3A_304 = tpu.vector_load %arg9[%parallel_loop3A_302, %parallel_loop3A_303] {strides = array<i32>} : memref<8x4096xf32, #tpu.memory_space<vmem>>, vector<16xf32>,
          tpu.vector_store %arg9[%parallel_loop3A_302, %parallel_loop3A_303], %parallel_loop3A_298 {strides = array<i32>} : memref<8x4096xf32, #tpu.memory_space<vmem>>, vector<16xf32>,
          %parallel_loop3A_305 = arith.constant 5 : i32
          %parallel_loop3A_306 = vector.broadcast %parallel_loop3A_305 : i32 to vector<16xi32>
          %parallel_loop3A_307 = tpu.vector_load_idx %arg7[%parallel_loop3A_306, %parallel_loop3A_259] : memref<8x1000xf32, #tpu.memory_space<vmem>>[vector<16xi32>, vector<16xi32>], vector<16xf32>,
          %parallel_loop3A_308 = arith.constant 16 : i32
          %parallel_loop3A_309 = arith.muli %parallel_loop3A_252, %parallel_loop3A_308 : i32
          %parallel_loop3A_310 = arith.constant 5 : i32
          %parallel_loop3A_311 = arith.index_cast %parallel_loop3A_310 : i32 to index
          %parallel_loop3A_312 = arith.index_cast %parallel_loop3A_309 : i32 to index
          %parallel_loop3A_313 = tpu.vector_load %arg9[%parallel_loop3A_311, %parallel_loop3A_312] {strides = array<i32>} : memref<8x4096xf32, #tpu.memory_space<vmem>>, vector<16xf32>,
          tpu.vector_store %arg9[%parallel_loop3A_311, %parallel_loop3A_312], %parallel_loop3A_307 {strides = array<i32>} : memref<8x4096xf32, #tpu.memory_space<vmem>>, vector<16xf32>,
          %parallel_loop3A_314 = arith.constant 6 : i32
          %parallel_loop3A_315 = vector.broadcast %parallel_loop3A_314 : i32 to vector<16xi32>
          %parallel_loop3A_316 = tpu.vector_load_idx %arg7[%parallel_loop3A_315, %parallel_loop3A_259] : memref<8x1000xf32, #tpu.memory_space<vmem>>[vector<16xi32>, vector<16xi32>], vector<16xf32>,
          %parallel_loop3A_317 = arith.constant 16 : i32
          %parallel_loop3A_318 = arith.muli %parallel_loop3A_252, %parallel_loop3A_317 : i32
          %parallel_loop3A_319 = arith.constant 6 : i32
          %parallel_loop3A_320 = arith.index_cast %parallel_loop3A_319 : i32 to index
          %parallel_loop3A_321 = arith.index_cast %parallel_loop3A_318 : i32 to index
          %parallel_loop3A_322 = tpu.vector_load %arg9[%parallel_loop3A_320, %parallel_loop3A_321] {strides = array<i32>} : memref<8x4096xf32, #tpu.memory_space<vmem>>, vector<16xf32>,
          tpu.vector_store %arg9[%parallel_loop3A_320, %parallel_loop3A_321], %parallel_loop3A_316 {strides = array<i32>} : memref<8x4096xf32, #tpu.memory_space<vmem>>, vector<16xf32>,
          %parallel_loop3A_323 = arith.constant 7 : i32
          %parallel_loop3A_324 = vector.broadcast %parallel_loop3A_323 : i32 to vector<16xi32>
          %parallel_loop3A_325 = tpu.vector_load_idx %arg7[%parallel_loop3A_324, %parallel_loop3A_259] : memref<8x1000xf32, #tpu.memory_space<vmem>>[vector<16xi32>, vector<16xi32>], vector<16xf32>,
          %parallel_loop3A_326 = arith.constant 16 : i32
          %parallel_loop3A_327 = arith.muli %parallel_loop3A_252, %parallel_loop3A_326 : i32
          %parallel_loop3A_328 = arith.constant 7 : i32
          %parallel_loop3A_329 = arith.index_cast %parallel_loop3A_328 : i32 to index
          %parallel_loop3A_330 = arith.index_cast %parallel_loop3A_327 : i32 to index
          %parallel_loop3A_331 = tpu.vector_load %arg9[%parallel_loop3A_329, %parallel_loop3A_330] {strides = array<i32>} : memref<8x4096xf32, #tpu.memory_space<vmem>>, vector<16xf32>,
          tpu.vector_store %arg9[%parallel_loop3A_329, %parallel_loop3A_330], %parallel_loop3A_325 {strides = array<i32>} : memref<8x4096xf32, #tpu.memory_space<vmem>>, vector<16xf32>,
        } {sc.loop_unroll_factor = 8 : i64, sc.parallel_access}
        %mul3A_246 = arith.constant 8 : i32
        %mul3A_247 = arith.muli %mul3A_246, %add3A_54 : i32
        %mul3A_248 = arith.constant 4096 : i32
        %mul3A_249 = arith.muli %select_n3A_69, %mul3A_248 : i32
        %dma_start3A_250 = tpu.memref_slice %arg4[%mul3A_247, %mul3A_249] : memref<1000x16384xf32, #tpu.memory_space<hbm>> -> memref<8x4096xf32, #tpu.memory_space<hbm>>
        %dma_start3A_251 = tpu.memref_slice %arg4[%mul3A_247, %mul3A_249] : memref<1000x16384xf32, #tpu.memory_space<hbm>> -> memref<8x4096xf32, #tpu.memory_space<hbm>>
        tpu.enqueue_dma source(%arg9 : memref<8x4096xf32, #tpu.memory_space<vmem>>) target(%dma_start3A_251 : memref<8x4096xf32, #tpu.memory_space<hbm>>) target_semaphore(%arg11 : memref<!tpu.dma_semaphore, #tpu.memory_space<semaphore_mem>>)
      } else {
      }
      %while3A_243 = arith.constant 0 : i32
      scf.yield %while3A_243 : i32
    }
    %while3A_19 = arith.constant 1 : i32
    %while3A_20 = scf.for %while3A_32 = %while3A_16 to %while3A_12 step %while3A_19 iter_args(%while3A_33 = %while3A_18) -> (i32)  : i32 {
      %jit3A_34 = arith.constant 4 : i32
      %div3A = arith.divsi %while3A_32, %jit3A_34 : i32
      %sign3A = arith.constant 0 : i32
      %sign3A_35 = arith.cmpi sgt, %while3A_32, %sign3A : i32
      %sign3A_36 = arith.extui %sign3A_35 : i1 to i32
      %sign3A_37 = arith.constant 0 : i32
      %sign3A_38 = arith.cmpi slt, %while3A_32, %sign3A_37 : i32
      %sign3A_39 = arith.extui %sign3A_38 : i1 to i32
      %sign3A_40 = arith.subi %sign3A_36, %sign3A_39 : i32
      %sign3A_41 = arith.constant 0 : i32
      %sign3A_42 = arith.cmpi sgt, %jit3A_34, %sign3A_41 : i32
      %sign3A_43 = arith.extui %sign3A_42 : i1 to i32
      %sign3A_44 = arith.constant 0 : i32
      %sign3A_45 = arith.cmpi slt, %jit3A_34, %sign3A_44 : i32
      %sign3A_46 = arith.extui %sign3A_45 : i1 to i32
      %sign3A_47 = arith.subi %sign3A_43, %sign3A_46 : i32
      %ne3A = arith.cmpi ne, %sign3A_40, %sign3A_47 : i32
      %rem3A = arith.remsi %while3A_32, %jit3A_34 : i32
      %ne3A_48 = arith.constant 0 : i32
      %ne3A_49 = arith.cmpi ne, %rem3A, %ne3A_48 : i32
      %and3A = arith.andi %ne3A, %ne3A_49 : i1
      %sub3A = arith.constant 1 : i32
      %sub3A_50 = arith.subi %div3A, %sub3A : i32
      %select_n3A_51 = arith.select %and3A, %sub3A_50, %div3A : i32
      %mul3A_52 = arith.constant 32 : i32
      %mul3A_53 = arith.muli %mul3A_52, %select_n3A_51 : i32
      %add3A_54 = arith.addi %add3A, %mul3A_53 : i32
      %jit3A_55 = arith.constant 4 : i32
      %eq3A = arith.constant 0 : i32
      %eq3A_56 = arith.cmpi eq, %jit3A_55, %eq3A : i32
      %jit3A_57 = arith.constant 1 : i32
      %select_n3A_58 = arith.select %eq3A_56, %jit3A_57, %jit3A_55 : i32
      %rem3A_59 = arith.remsi %while3A_32, %select_n3A_58 : i32
      %ne3A_60 = arith.constant 0 : i32
      %ne3A_61 = arith.cmpi ne, %rem3A_59, %ne3A_60 : i32
      %lt3A_62 = arith.constant 0 : i32
      %lt3A_63 = arith.cmpi slt, %rem3A_59, %lt3A_62 : i32
      %lt3A_64 = arith.constant 0 : i32
      %lt3A_65 = arith.cmpi slt, %select_n3A_58, %lt3A_64 : i32
      %ne3A_66 = arith.xori %lt3A_63, %lt3A_65 : i1
      %and3A_67 = arith.andi %ne3A_66, %ne3A_61 : i1
      %add3A_68 = arith.addi %rem3A_59, %select_n3A_58 : i32
      %select_n3A_69 = arith.select %and3A_67, %add3A_68, %rem3A_59 : i32
      %jit3A_70 = arith.constant 2 : i32
      %eq3A_71 = arith.constant 0 : i32
      %eq3A_72 = arith.cmpi eq, %jit3A_70, %eq3A_71 : i32
      %jit3A_73 = arith.constant 1 : i32
      %select_n3A_74 = arith.select %eq3A_72, %jit3A_73, %jit3A_70 : i32
      %rem3A_75 = arith.remsi %select_n3A_51, %select_n3A_74 : i32
      %ne3A_76 = arith.constant 0 : i32
      %ne3A_77 = arith.cmpi ne, %rem3A_75, %ne3A_76 : i32
      %lt3A_78 = arith.constant 0 : i32
      %lt3A_79 = arith.cmpi slt, %rem3A_75, %lt3A_78 : i32
      %lt3A_80 = arith.constant 0 : i32
      %lt3A_81 = arith.cmpi slt, %select_n3A_74, %lt3A_80 : i32
      %ne3A_82 = arith.xori %lt3A_79, %lt3A_81 : i1
      %and3A_83 = arith.andi %ne3A_82, %ne3A_77 : i1
      %add3A_84 = arith.addi %rem3A_75, %select_n3A_74 : i32
      %select_n3A_85 = arith.select %and3A_83, %add3A_84, %rem3A_75 : i32
      %eq3A_86 = arith.constant 0 : i32
      %eq3A_87 = arith.cmpi eq, %select_n3A_69, %eq3A_86 : i32
      %eq3A_88 = arith.constant 0 : i32
      %eq3A_89 = arith.cmpi eq, %select_n3A_85, %eq3A_88 : i32
      %and3A_90 = arith.andi %eq3A_87, %eq3A_89 : i1
      %convert_element_type3A = arith.extui %and3A_90 : i1 to i32
      %cond3A = arith.constant 0 : i32
      %cond3A_91 = arith.cmpi ne, %convert_element_type3A, %cond3A : i32
      scf.if %cond3A_91 {
        %mul3A_244 = arith.constant 8 : i32
        %mul3A_245 = arith.muli %mul3A_244, %add3A_54 : i32
        %dma_wait3A_246 = arith.constant 0 : i32
        %dma_wait3A_247 = tpu.memref_slice %arg3[%mul3A_245, %dma_wait3A_246] : memref<1000x1000xf32, #tpu.memory_space<hbm>> -> memref<8x1000xf32, #tpu.memory_space<hbm>>
        %dma_wait3A_248 = arith.constant 0 : i32
        %dma_wait3A_249 = tpu.memref_slice %arg3[%mul3A_245, %dma_wait3A_248] : memref<1000x1000xf32, #tpu.memory_space<hbm>> -> memref<8x1000xf32, #tpu.memory_space<hbm>>
        tpu.wait_dma2 semaphore(%arg12 : memref<!tpu.dma_semaphore, #tpu.memory_space<semaphore_mem>>) src(%dma_wait3A_249 : memref<8x1000xf32, #tpu.memory_space<hbm>>) dst(%arg6 : memref<8x1000xf32, #tpu.memory_space<vmem>>)
        %add3A_250 = arith.constant 1 : i32
        %add3A_251 = arith.addi %select_n3A_51, %add3A_250 : i32
        %lt3A_252 = arith.cmpi slt, %add3A_251, %select_n3A : i32
        %convert_element_type3A_253 = arith.extui %lt3A_252 : i1 to i32
        %cond3A_254 = arith.constant 0 : i32
        %cond3A_255 = arith.cmpi ne, %convert_element_type3A_253, %cond3A_254 : i32
        scf.if %cond3A_255 {
          %add3A_256 = arith.constant 32 : i32
          %add3A_257 = arith.addi %add3A_54, %add3A_256 : i32
          %mul3A_258 = arith.constant 8 : i32
          %mul3A_259 = arith.muli %mul3A_258, %add3A_257 : i32
          %dma_start3A_260 = arith.constant 0 : i32
          %dma_start3A_261 = tpu.memref_slice %arg3[%mul3A_259, %dma_start3A_260] : memref<1000x1000xf32, #tpu.memory_space<hbm>> -> memref<8x1000xf32, #tpu.memory_space<hbm>>
          %dma_start3A_262 = arith.constant 0 : i32
          %dma_start3A_263 = tpu.memref_slice %arg3[%mul3A_259, %dma_start3A_262] : memref<1000x1000xf32, #tpu.memory_space<hbm>> -> memref<8x1000xf32, #tpu.memory_space<hbm>>
          tpu.enqueue_dma source(%dma_start3A_263 : memref<8x1000xf32, #tpu.memory_space<hbm>>) target(%arg7 : memref<8x1000xf32, #tpu.memory_space<vmem>>) target_semaphore(%arg13 : memref<!tpu.dma_semaphore, #tpu.memory_space<semaphore_mem>>)
        } else {
        }
      } else {
      }
      %eq3A_92 = arith.constant 0 : i32
      %eq3A_93 = arith.cmpi eq, %select_n3A_69, %eq3A_92 : i32
      %eq3A_94 = arith.constant 1 : i32
      %eq3A_95 = arith.cmpi eq, %select_n3A_85, %eq3A_94 : i32
      %and3A_96 = arith.andi %eq3A_93, %eq3A_95 : i1
      %convert_element_type3A_97 = arith.extui %and3A_96 : i1 to i32
      %cond3A_98 = arith.constant 0 : i32
      %cond3A_99 = arith.cmpi ne, %convert_element_type3A_97, %cond3A_98 : i32
      scf.if %cond3A_99 {
        %mul3A_244 = arith.constant 8 : i32
        %mul3A_245 = arith.muli %mul3A_244, %add3A_54 : i32
        %dma_wait3A_246 = arith.constant 0 : i32
        %dma_wait3A_247 = tpu.memref_slice %arg3[%mul3A_245, %dma_wait3A_246] : memref<1000x1000xf32, #tpu.memory_space<hbm>> -> memref<8x1000xf32, #tpu.memory_space<hbm>>
        %dma_wait3A_248 = arith.constant 0 : i32
        %dma_wait3A_249 = tpu.memref_slice %arg3[%mul3A_245, %dma_wait3A_248] : memref<1000x1000xf32, #tpu.memory_space<hbm>> -> memref<8x1000xf32, #tpu.memory_space<hbm>>
        tpu.wait_dma2 semaphore(%arg13 : memref<!tpu.dma_semaphore, #tpu.memory_space<semaphore_mem>>) src(%dma_wait3A_249 : memref<8x1000xf32, #tpu.memory_space<hbm>>) dst(%arg7 : memref<8x1000xf32, #tpu.memory_space<vmem>>)
        %add3A_250 = arith.constant 1 : i32
        %add3A_251 = arith.addi %select_n3A_51, %add3A_250 : i32
        %lt3A_252 = arith.cmpi slt, %add3A_251, %select_n3A : i32
        %convert_element_type3A_253 = arith.extui %lt3A_252 : i1 to i32
        %cond3A_254 = arith.constant 0 : i32
        %cond3A_255 = arith.cmpi ne, %convert_element_type3A_253, %cond3A_254 : i32
        scf.if %cond3A_255 {
          %add3A_256 = arith.constant 32 : i32
          %add3A_257 = arith.addi %add3A_54, %add3A_256 : i32
          %mul3A_258 = arith.constant 8 : i32
          %mul3A_259 = arith.muli %mul3A_258, %add3A_257 : i32
          %dma_start3A_260 = arith.constant 0 : i32
          %dma_start3A_261 = tpu.memref_slice %arg3[%mul3A_259, %dma_start3A_260] : memref<1000x1000xf32, #tpu.memory_space<hbm>> -> memref<8x1000xf32, #tpu.memory_space<hbm>>
          %dma_start3A_262 = arith.constant 0 : i32
          %dma_start3A_263 = tpu.memref_slice %arg3[%mul3A_259, %dma_start3A_262] : memref<1000x1000xf32, #tpu.memory_space<hbm>> -> memref<8x1000xf32, #tpu.memory_space<hbm>>
          tpu.enqueue_dma source(%dma_start3A_263 : memref<8x1000xf32, #tpu.memory_space<hbm>>) target(%arg6 : memref<8x1000xf32, #tpu.memory_space<vmem>>) target_semaphore(%arg12 : memref<!tpu.dma_semaphore, #tpu.memory_space<semaphore_mem>>)
        } else {
        }
      } else {
      }
      %jit3A_100 = arith.constant 2 : i32
      %eq3A_101 = arith.constant 0 : i32
      %eq3A_102 = arith.cmpi eq, %jit3A_100, %eq3A_101 : i32
      %jit3A_103 = arith.constant 1 : i32
      %select_n3A_104 = arith.select %eq3A_102, %jit3A_103, %jit3A_100 : i32
      %rem3A_105 = arith.remsi %while3A_32, %select_n3A_104 : i32
      %ne3A_106 = arith.constant 0 : i32
      %ne3A_107 = arith.cmpi ne, %rem3A_105, %ne3A_106 : i32
      %lt3A_108 = arith.constant 0 : i32
      %lt3A_109 = arith.cmpi slt, %rem3A_105, %lt3A_108 : i32
      %lt3A_110 = arith.constant 0 : i32
      %lt3A_111 = arith.cmpi slt, %select_n3A_104, %lt3A_110 : i32
      %ne3A_112 = arith.xori %lt3A_109, %lt3A_111 : i1
      %and3A_113 = arith.andi %ne3A_112, %ne3A_107 : i1
      %add3A_114 = arith.addi %rem3A_105, %select_n3A_104 : i32
      %select_n3A_115 = arith.select %and3A_113, %add3A_114, %rem3A_105 : i32
      %eq3A_116 = arith.constant 0 : i32
      %eq3A_117 = arith.cmpi eq, %select_n3A_115, %eq3A_116 : i32
      %ge3A = arith.constant 2 : i32
      %ge3A_118 = arith.cmpi sge, %while3A_32, %ge3A : i32
      %and3A_119 = arith.andi %eq3A_117, %ge3A_118 : i1
      %convert_element_type3A_120 = arith.extui %and3A_119 : i1 to i32
      %cond3A_121 = arith.constant 0 : i32
      %cond3A_122 = arith.cmpi ne, %convert_element_type3A_120, %cond3A_121 : i32
      scf.if %cond3A_122 {
        %dma_wait3A_244 = arith.constant 0 : i32
        %dma_wait3A_245 = arith.constant 0 : i32
        %dma_wait3A_246 = tpu.memref_slice %arg4[%dma_wait3A_244, %dma_wait3A_245] : memref<1000x16384xf32, #tpu.memory_space<hbm>> -> memref<8x4096xf32, #tpu.memory_space<hbm>>
        %dma_wait3A_247 = arith.constant 0 : i32
        %dma_wait3A_248 = arith.constant 0 : i32
        %dma_wait3A_249 = tpu.memref_slice %arg4[%dma_wait3A_247, %dma_wait3A_248] : memref<1000x16384xf32, #tpu.memory_space<hbm>> -> memref<8x4096xf32, #tpu.memory_space<hbm>>
        tpu.wait_dma2 semaphore(%arg10 : memref<!tpu.dma_semaphore, #tpu.memory_space<semaphore_mem>>) src(%arg8 : memref<8x4096xf32, #tpu.memory_space<vmem>>) dst(%dma_wait3A_249 : memref<8x4096xf32, #tpu.memory_space<hbm>>)
      } else {
      }
      %jit3A_123 = arith.constant 2 : i32
      %eq3A_124 = arith.constant 0 : i32
      %eq3A_125 = arith.cmpi eq, %jit3A_123, %eq3A_124 : i32
      %jit3A_126 = arith.constant 1 : i32
      %select_n3A_127 = arith.select %eq3A_125, %jit3A_126, %jit3A_123 : i32
      %rem3A_128 = arith.remsi %while3A_32, %select_n3A_127 : i32
      %ne3A_129 = arith.constant 0 : i32
      %ne3A_130 = arith.cmpi ne, %rem3A_128, %ne3A_129 : i32
      %lt3A_131 = arith.constant 0 : i32
      %lt3A_132 = arith.cmpi slt, %rem3A_128, %lt3A_131 : i32
      %lt3A_133 = arith.constant 0 : i32
      %lt3A_134 = arith.cmpi slt, %select_n3A_127, %lt3A_133 : i32
      %ne3A_135 = arith.xori %lt3A_132, %lt3A_134 : i1
      %and3A_136 = arith.andi %ne3A_135, %ne3A_130 : i1
      %add3A_137 = arith.addi %rem3A_128, %select_n3A_127 : i32
      %select_n3A_138 = arith.select %and3A_136, %add3A_137, %rem3A_128 : i32
      %eq3A_139 = arith.constant 0 : i32
      %eq3A_140 = arith.cmpi eq, %select_n3A_138, %eq3A_139 : i32
      %eq3A_141 = arith.constant 0 : i32
      %eq3A_142 = arith.cmpi eq, %select_n3A_85, %eq3A_141 : i32
      %and3A_143 = arith.andi %eq3A_140, %eq3A_142 : i1
      %convert_element_type3A_144 = arith.extui %and3A_143 : i1 to i32
      %cond3A_145 = arith.constant 0 : i32
      %cond3A_146 = arith.cmpi ne, %convert_element_type3A_144, %cond3A_145 : i32
      scf.if %cond3A_146 {
        %parallel_loop3A = arith.constant 0 : i32
        %parallel_loop3A_244 = arith.constant 256 : i32
        %parallel_loop3A_245 = arith.constant 1 : i32
        scf.for %parallel_loop3A_252 = %parallel_loop3A to %parallel_loop3A_244 step %parallel_loop3A_245  : i32 {
          %parallel_loop3A_253 = arith.constant 4096 : i32
          %parallel_loop3A_254 = arith.muli %select_n3A_69, %parallel_loop3A_253 : i32
          %parallel_loop3A_255 = arith.constant 16 : i32
          %parallel_loop3A_256 = arith.muli %parallel_loop3A_252, %parallel_loop3A_255 : i32
          %parallel_loop3A_257 = arith.addi %parallel_loop3A_254, %parallel_loop3A_256 : i32
          %parallel_loop3A_258 = arith.index_cast %parallel_loop3A_257 : i32 to index
          %parallel_loop3A_259 = tpu.vector_load %arg5[%parallel_loop3A_258] {strides = array<i32>} : memref<16384xi32, #tpu.memory_space<vmem>>, vector<16xi32>,
          %parallel_loop3A_260 = arith.constant 0 : i32
          %parallel_loop3A_261 = vector.broadcast %parallel_loop3A_260 : i32 to vector<16xi32>
          %parallel_loop3A_262 = tpu.vector_load_idx %arg6[%parallel_loop3A_261, %parallel_loop3A_259] : memref<8x1000xf32, #tpu.memory_space<vmem>>[vector<16xi32>, vector<16xi32>], vector<16xf32>,
          %parallel_loop3A_263 = arith.constant 16 : i32
          %parallel_loop3A_264 = arith.muli %parallel_loop3A_252, %parallel_loop3A_263 : i32
          %parallel_loop3A_265 = arith.constant 0 : i32
          %parallel_loop3A_266 = arith.index_cast %parallel_loop3A_265 : i32 to index
          %parallel_loop3A_267 = arith.index_cast %parallel_loop3A_264 : i32 to index
          %parallel_loop3A_268 = tpu.vector_load %arg8[%parallel_loop3A_266, %parallel_loop3A_267] {strides = array<i32>} : memref<8x4096xf32, #tpu.memory_space<vmem>>, vector<16xf32>,
          tpu.vector_store %arg8[%parallel_loop3A_266, %parallel_loop3A_267], %parallel_loop3A_262 {strides = array<i32>} : memref<8x4096xf32, #tpu.memory_space<vmem>>, vector<16xf32>,
          %parallel_loop3A_269 = arith.constant 1 : i32
          %parallel_loop3A_270 = vector.broadcast %parallel_loop3A_269 : i32 to vector<16xi32>
          %parallel_loop3A_271 = tpu.vector_load_idx %arg6[%parallel_loop3A_270, %parallel_loop3A_259] : memref<8x1000xf32, #tpu.memory_space<vmem>>[vector<16xi32>, vector<16xi32>], vector<16xf32>,
          %parallel_loop3A_272 = arith.constant 16 : i32
          %parallel_loop3A_273 = arith.muli %parallel_loop3A_252, %parallel_loop3A_272 : i32
          %parallel_loop3A_274 = arith.constant 1 : i32
          %parallel_loop3A_275 = arith.index_cast %parallel_loop3A_274 : i32 to index
          %parallel_loop3A_276 = arith.index_cast %parallel_loop3A_273 : i32 to index
          %parallel_loop3A_277 = tpu.vector_load %arg8[%parallel_loop3A_275, %parallel_loop3A_276] {strides = array<i32>} : memref<8x4096xf32, #tpu.memory_space<vmem>>, vector<16xf32>,
          tpu.vector_store %arg8[%parallel_loop3A_275, %parallel_loop3A_276], %parallel_loop3A_271 {strides = array<i32>} : memref<8x4096xf32, #tpu.memory_space<vmem>>, vector<16xf32>,
          %parallel_loop3A_278 = arith.constant 2 : i32
          %parallel_loop3A_279 = vector.broadcast %parallel_loop3A_278 : i32 to vector<16xi32>
          %parallel_loop3A_280 = tpu.vector_load_idx %arg6[%parallel_loop3A_279, %parallel_loop3A_259] : memref<8x1000xf32, #tpu.memory_space<vmem>>[vector<16xi32>, vector<16xi32>], vector<16xf32>,
          %parallel_loop3A_281 = arith.constant 16 : i32
          %parallel_loop3A_282 = arith.muli %parallel_loop3A_252, %parallel_loop3A_281 : i32
          %parallel_loop3A_283 = arith.constant 2 : i32
          %parallel_loop3A_284 = arith.index_cast %parallel_loop3A_283 : i32 to index
          %parallel_loop3A_285 = arith.index_cast %parallel_loop3A_282 : i32 to index
          %parallel_loop3A_286 = tpu.vector_load %arg8[%parallel_loop3A_284, %parallel_loop3A_285] {strides = array<i32>} : memref<8x4096xf32, #tpu.memory_space<vmem>>, vector<16xf32>,
          tpu.vector_store %arg8[%parallel_loop3A_284, %parallel_loop3A_285], %parallel_loop3A_280 {strides = array<i32>} : memref<8x4096xf32, #tpu.memory_space<vmem>>, vector<16xf32>,
          %parallel_loop3A_287 = arith.constant 3 : i32
          %parallel_loop3A_288 = vector.broadcast %parallel_loop3A_287 : i32 to vector<16xi32>
          %parallel_loop3A_289 = tpu.vector_load_idx %arg6[%parallel_loop3A_288, %parallel_loop3A_259] : memref<8x1000xf32, #tpu.memory_space<vmem>>[vector<16xi32>, vector<16xi32>], vector<16xf32>,
          %parallel_loop3A_290 = arith.constant 16 : i32
          %parallel_loop3A_291 = arith.muli %parallel_loop3A_252, %parallel_loop3A_290 : i32
          %parallel_loop3A_292 = arith.constant 3 : i32
          %parallel_loop3A_293 = arith.index_cast %parallel_loop3A_292 : i32 to index
          %parallel_loop3A_294 = arith.index_cast %parallel_loop3A_291 : i32 to index
          %parallel_loop3A_295 = tpu.vector_load %arg8[%parallel_loop3A_293, %parallel_loop3A_294] {strides = array<i32>} : memref<8x4096xf32, #tpu.memory_space<vmem>>, vector<16xf32>,
          tpu.vector_store %arg8[%parallel_loop3A_293, %parallel_loop3A_294], %parallel_loop3A_289 {strides = array<i32>} : memref<8x4096xf32, #tpu.memory_space<vmem>>, vector<16xf32>,
          %parallel_loop3A_296 = arith.constant 4 : i32
          %parallel_loop3A_297 = vector.broadcast %parallel_loop3A_296 : i32 to vector<16xi32>
          %parallel_loop3A_298 = tpu.vector_load_idx %arg6[%parallel_loop3A_297, %parallel_loop3A_259] : memref<8x1000xf32, #tpu.memory_space<vmem>>[vector<16xi32>, vector<16xi32>], vector<16xf32>,
          %parallel_loop3A_299 = arith.constant 16 : i32
          %parallel_loop3A_300 = arith.muli %parallel_loop3A_252, %parallel_loop3A_299 : i32
          %parallel_loop3A_301 = arith.constant 4 : i32
          %parallel_loop3A_302 = arith.index_cast %parallel_loop3A_301 : i32 to index
          %parallel_loop3A_303 = arith.index_cast %parallel_loop3A_300 : i32 to index
          %parallel_loop3A_304 = tpu.vector_load %arg8[%parallel_loop3A_302, %parallel_loop3A_303] {strides = array<i32>} : memref<8x4096xf32, #tpu.memory_space<vmem>>, vector<16xf32>,
          tpu.vector_store %arg8[%parallel_loop3A_302, %parallel_loop3A_303], %parallel_loop3A_298 {strides = array<i32>} : memref<8x4096xf32, #tpu.memory_space<vmem>>, vector<16xf32>,
          %parallel_loop3A_305 = arith.constant 5 : i32
          %parallel_loop3A_306 = vector.broadcast %parallel_loop3A_305 : i32 to vector<16xi32>
          %parallel_loop3A_307 = tpu.vector_load_idx %arg6[%parallel_loop3A_306, %parallel_loop3A_259] : memref<8x1000xf32, #tpu.memory_space<vmem>>[vector<16xi32>, vector<16xi32>], vector<16xf32>,
          %parallel_loop3A_308 = arith.constant 16 : i32
          %parallel_loop3A_309 = arith.muli %parallel_loop3A_252, %parallel_loop3A_308 : i32
          %parallel_loop3A_310 = arith.constant 5 : i32
          %parallel_loop3A_311 = arith.index_cast %parallel_loop3A_310 : i32 to index
          %parallel_loop3A_312 = arith.index_cast %parallel_loop3A_309 : i32 to index
          %parallel_loop3A_313 = tpu.vector_load %arg8[%parallel_loop3A_311, %parallel_loop3A_312] {strides = array<i32>} : memref<8x4096xf32, #tpu.memory_space<vmem>>, vector<16xf32>,
          tpu.vector_store %arg8[%parallel_loop3A_311, %parallel_loop3A_312], %parallel_loop3A_307 {strides = array<i32>} : memref<8x4096xf32, #tpu.memory_space<vmem>>, vector<16xf32>,
          %parallel_loop3A_314 = arith.constant 6 : i32
          %parallel_loop3A_315 = vector.broadcast %parallel_loop3A_314 : i32 to vector<16xi32>
          %parallel_loop3A_316 = tpu.vector_load_idx %arg6[%parallel_loop3A_315, %parallel_loop3A_259] : memref<8x1000xf32, #tpu.memory_space<vmem>>[vector<16xi32>, vector<16xi32>], vector<16xf32>,
          %parallel_loop3A_317 = arith.constant 16 : i32
          %parallel_loop3A_318 = arith.muli %parallel_loop3A_252, %parallel_loop3A_317 : i32
          %parallel_loop3A_319 = arith.constant 6 : i32
          %parallel_loop3A_320 = arith.index_cast %parallel_loop3A_319 : i32 to index
          %parallel_loop3A_321 = arith.index_cast %parallel_loop3A_318 : i32 to index
          %parallel_loop3A_322 = tpu.vector_load %arg8[%parallel_loop3A_320, %parallel_loop3A_321] {strides = array<i32>} : memref<8x4096xf32, #tpu.memory_space<vmem>>, vector<16xf32>,
          tpu.vector_store %arg8[%parallel_loop3A_320, %parallel_loop3A_321], %parallel_loop3A_316 {strides = array<i32>} : memref<8x4096xf32, #tpu.memory_space<vmem>>, vector<16xf32>,
          %parallel_loop3A_323 = arith.constant 7 : i32
          %parallel_loop3A_324 = vector.broadcast %parallel_loop3A_323 : i32 to vector<16xi32>
          %parallel_loop3A_325 = tpu.vector_load_idx %arg6[%parallel_loop3A_324, %parallel_loop3A_259] : memref<8x1000xf32, #tpu.memory_space<vmem>>[vector<16xi32>, vector<16xi32>], vector<16xf32>,
          %parallel_loop3A_326 = arith.constant 16 : i32
          %parallel_loop3A_327 = arith.muli %parallel_loop3A_252, %parallel_loop3A_326 : i32
          %parallel_loop3A_328 = arith.constant 7 : i32
          %parallel_loop3A_329 = arith.index_cast %parallel_loop3A_328 : i32 to index
          %parallel_loop3A_330 = arith.index_cast %parallel_loop3A_327 : i32 to index
          %parallel_loop3A_331 = tpu.vector_load %arg8[%parallel_loop3A_329, %parallel_loop3A_330] {strides = array<i32>} : memref<8x4096xf32, #tpu.memory_space<vmem>>, vector<16xf32>,
          tpu.vector_store %arg8[%parallel_loop3A_329, %parallel_loop3A_330], %parallel_loop3A_325 {strides = array<i32>} : memref<8x4096xf32, #tpu.memory_space<vmem>>, vector<16xf32>,
        } {sc.loop_unroll_factor = 8 : i64, sc.parallel_access}
        %mul3A_246 = arith.constant 8 : i32
        %mul3A_247 = arith.muli %mul3A_246, %add3A_54 : i32
        %mul3A_248 = arith.constant 4096 : i32
        %mul3A_249 = arith.muli %select_n3A_69, %mul3A_248 : i32
        %dma_start3A_250 = tpu.memref_slice %arg4[%mul3A_247, %mul3A_249] : memref<1000x16384xf32, #tpu.memory_space<hbm>> -> memref<8x4096xf32, #tpu.memory_space<hbm>>
        %dma_start3A_251 = tpu.memref_slice %arg4[%mul3A_247, %mul3A_249] : memref<1000x16384xf32, #tpu.memory_space<hbm>> -> memref<8x4096xf32, #tpu.memory_space<hbm>>
        tpu.enqueue_dma source(%arg8 : memref<8x4096xf32, #tpu.memory_space<vmem>>) target(%dma_start3A_251 : memref<8x4096xf32, #tpu.memory_space<hbm>>) target_semaphore(%arg10 : memref<!tpu.dma_semaphore, #tpu.memory_space<semaphore_mem>>)
      } else {
      }
      %jit3A_147 = arith.constant 2 : i32
      %eq3A_148 = arith.constant 0 : i32
      %eq3A_149 = arith.cmpi eq, %jit3A_147, %eq3A_148 : i32
      %jit3A_150 = arith.constant 1 : i32
      %select_n3A_151 = arith.select %eq3A_149, %jit3A_150, %jit3A_147 : i32
      %rem3A_152 = arith.remsi %while3A_32, %select_n3A_151 : i32
      %ne3A_153 = arith.constant 0 : i32
      %ne3A_154 = arith.cmpi ne, %rem3A_152, %ne3A_153 : i32
      %lt3A_155 = arith.constant 0 : i32
      %lt3A_156 = arith.cmpi slt, %rem3A_152, %lt3A_155 : i32
      %lt3A_157 = arith.constant 0 : i32
      %lt3A_158 = arith.cmpi slt, %select_n3A_151, %lt3A_157 : i32
      %ne3A_159 = arith.xori %lt3A_156, %lt3A_158 : i1
      %and3A_160 = arith.andi %ne3A_159, %ne3A_154 : i1
      %add3A_161 = arith.addi %rem3A_152, %select_n3A_151 : i32
      %select_n3A_162 = arith.select %and3A_160, %add3A_161, %rem3A_152 : i32
      %eq3A_163 = arith.constant 0 : i32
      %eq3A_164 = arith.cmpi eq, %select_n3A_162, %eq3A_163 : i32
      %eq3A_165 = arith.constant 1 : i32
      %eq3A_166 = arith.cmpi eq, %select_n3A_85, %eq3A_165 : i32
      %and3A_167 = arith.andi %eq3A_164, %eq3A_166 : i1
      %convert_element_type3A_168 = arith.extui %and3A_167 : i1 to i32
      %cond3A_169 = arith.constant 0 : i32
      %cond3A_170 = arith.cmpi ne, %convert_element_type3A_168, %cond3A_169 : i32
      scf.if %cond3A_170 {
        %parallel_loop3A = arith.constant 0 : i32
        %parallel_loop3A_244 = arith.constant 256 : i32
        %parallel_loop3A_245 = arith.constant 1 : i32
        scf.for %parallel_loop3A_252 = %parallel_loop3A to %parallel_loop3A_244 step %parallel_loop3A_245  : i32 {
          %parallel_loop3A_253 = arith.constant 4096 : i32
          %parallel_loop3A_254 = arith.muli %select_n3A_69, %parallel_loop3A_253 : i32
          %parallel_loop3A_255 = arith.constant 16 : i32
          %parallel_loop3A_256 = arith.muli %parallel_loop3A_252, %parallel_loop3A_255 : i32
          %parallel_loop3A_257 = arith.addi %parallel_loop3A_254, %parallel_loop3A_256 : i32
          %parallel_loop3A_258 = arith.index_cast %parallel_loop3A_257 : i32 to index
          %parallel_loop3A_259 = tpu.vector_load %arg5[%parallel_loop3A_258] {strides = array<i32>} : memref<16384xi32, #tpu.memory_space<vmem>>, vector<16xi32>,
          %parallel_loop3A_260 = arith.constant 0 : i32
          %parallel_loop3A_261 = vector.broadcast %parallel_loop3A_260 : i32 to vector<16xi32>
          %parallel_loop3A_262 = tpu.vector_load_idx %arg7[%parallel_loop3A_261, %parallel_loop3A_259] : memref<8x1000xf32, #tpu.memory_space<vmem>>[vector<16xi32>, vector<16xi32>], vector<16xf32>,
          %parallel_loop3A_263 = arith.constant 16 : i32
          %parallel_loop3A_264 = arith.muli %parallel_loop3A_252, %parallel_loop3A_263 : i32
          %parallel_loop3A_265 = arith.constant 0 : i32
          %parallel_loop3A_266 = arith.index_cast %parallel_loop3A_265 : i32 to index
          %parallel_loop3A_267 = arith.index_cast %parallel_loop3A_264 : i32 to index
          %parallel_loop3A_268 = tpu.vector_load %arg8[%parallel_loop3A_266, %parallel_loop3A_267] {strides = array<i32>} : memref<8x4096xf32, #tpu.memory_space<vmem>>, vector<16xf32>,
          tpu.vector_store %arg8[%parallel_loop3A_266, %parallel_loop3A_267], %parallel_loop3A_262 {strides = array<i32>} : memref<8x4096xf32, #tpu.memory_space<vmem>>, vector<16xf32>,
          %parallel_loop3A_269 = arith.constant 1 : i32
          %parallel_loop3A_270 = vector.broadcast %parallel_loop3A_269 : i32 to vector<16xi32>
          %parallel_loop3A_271 = tpu.vector_load_idx %arg7[%parallel_loop3A_270, %parallel_loop3A_259] : memref<8x1000xf32, #tpu.memory_space<vmem>>[vector<16xi32>, vector<16xi32>], vector<16xf32>,
          %parallel_loop3A_272 = arith.constant 16 : i32
          %parallel_loop3A_273 = arith.muli %parallel_loop3A_252, %parallel_loop3A_272 : i32
          %parallel_loop3A_274 = arith.constant 1 : i32
          %parallel_loop3A_275 = arith.index_cast %parallel_loop3A_274 : i32 to index
          %parallel_loop3A_276 = arith.index_cast %parallel_loop3A_273 : i32 to index
          %parallel_loop3A_277 = tpu.vector_load %arg8[%parallel_loop3A_275, %parallel_loop3A_276] {strides = array<i32>} : memref<8x4096xf32, #tpu.memory_space<vmem>>, vector<16xf32>,
          tpu.vector_store %arg8[%parallel_loop3A_275, %parallel_loop3A_276], %parallel_loop3A_271 {strides = array<i32>} : memref<8x4096xf32, #tpu.memory_space<vmem>>, vector<16xf32>,
          %parallel_loop3A_278 = arith.constant 2 : i32
          %parallel_loop3A_279 = vector.broadcast %parallel_loop3A_278 : i32 to vector<16xi32>
          %parallel_loop3A_280 = tpu.vector_load_idx %arg7[%parallel_loop3A_279, %parallel_loop3A_259] : memref<8x1000xf32, #tpu.memory_space<vmem>>[vector<16xi32>, vector<16xi32>], vector<16xf32>,
          %parallel_loop3A_281 = arith.constant 16 : i32
          %parallel_loop3A_282 = arith.muli %parallel_loop3A_252, %parallel_loop3A_281 : i32
          %parallel_loop3A_283 = arith.constant 2 : i32
          %parallel_loop3A_284 = arith.index_cast %parallel_loop3A_283 : i32 to index
          %parallel_loop3A_285 = arith.index_cast %parallel_loop3A_282 : i32 to index
          %parallel_loop3A_286 = tpu.vector_load %arg8[%parallel_loop3A_284, %parallel_loop3A_285] {strides = array<i32>} : memref<8x4096xf32, #tpu.memory_space<vmem>>, vector<16xf32>,
          tpu.vector_store %arg8[%parallel_loop3A_284, %parallel_loop3A_285], %parallel_loop3A_280 {strides = array<i32>} : memref<8x4096xf32, #tpu.memory_space<vmem>>, vector<16xf32>,
          %parallel_loop3A_287 = arith.constant 3 : i32
          %parallel_loop3A_288 = vector.broadcast %parallel_loop3A_287 : i32 to vector<16xi32>
          %parallel_loop3A_289 = tpu.vector_load_idx %arg7[%parallel_loop3A_288, %parallel_loop3A_259] : memref<8x1000xf32, #tpu.memory_space<vmem>>[vector<16xi32>, vector<16xi32>], vector<16xf32>,
          %parallel_loop3A_290 = arith.constant 16 : i32
          %parallel_loop3A_291 = arith.muli %parallel_loop3A_252, %parallel_loop3A_290 : i32
          %parallel_loop3A_292 = arith.constant 3 : i32
          %parallel_loop3A_293 = arith.index_cast %parallel_loop3A_292 : i32 to index
          %parallel_loop3A_294 = arith.index_cast %parallel_loop3A_291 : i32 to index
          %parallel_loop3A_295 = tpu.vector_load %arg8[%parallel_loop3A_293, %parallel_loop3A_294] {strides = array<i32>} : memref<8x4096xf32, #tpu.memory_space<vmem>>, vector<16xf32>,
          tpu.vector_store %arg8[%parallel_loop3A_293, %parallel_loop3A_294], %parallel_loop3A_289 {strides = array<i32>} : memref<8x4096xf32, #tpu.memory_space<vmem>>, vector<16xf32>,
          %parallel_loop3A_296 = arith.constant 4 : i32
          %parallel_loop3A_297 = vector.broadcast %parallel_loop3A_296 : i32 to vector<16xi32>
          %parallel_loop3A_298 = tpu.vector_load_idx %arg7[%parallel_loop3A_297, %parallel_loop3A_259] : memref<8x1000xf32, #tpu.memory_space<vmem>>[vector<16xi32>, vector<16xi32>], vector<16xf32>,
          %parallel_loop3A_299 = arith.constant 16 : i32
          %parallel_loop3A_300 = arith.muli %parallel_loop3A_252, %parallel_loop3A_299 : i32
          %parallel_loop3A_301 = arith.constant 4 : i32
          %parallel_loop3A_302 = arith.index_cast %parallel_loop3A_301 : i32 to index
          %parallel_loop3A_303 = arith.index_cast %parallel_loop3A_300 : i32 to index
          %parallel_loop3A_304 = tpu.vector_load %arg8[%parallel_loop3A_302, %parallel_loop3A_303] {strides = array<i32>} : memref<8x4096xf32, #tpu.memory_space<vmem>>, vector<16xf32>,
          tpu.vector_store %arg8[%parallel_loop3A_302, %parallel_loop3A_303], %parallel_loop3A_298 {strides = array<i32>} : memref<8x4096xf32, #tpu.memory_space<vmem>>, vector<16xf32>,
          %parallel_loop3A_305 = arith.constant 5 : i32
          %parallel_loop3A_306 = vector.broadcast %parallel_loop3A_305 : i32 to vector<16xi32>
          %parallel_loop3A_307 = tpu.vector_load_idx %arg7[%parallel_loop3A_306, %parallel_loop3A_259] : memref<8x1000xf32, #tpu.memory_space<vmem>>[vector<16xi32>, vector<16xi32>], vector<16xf32>,
          %parallel_loop3A_308 = arith.constant 16 : i32
          %parallel_loop3A_309 = arith.muli %parallel_loop3A_252, %parallel_loop3A_308 : i32
          %parallel_loop3A_310 = arith.constant 5 : i32
          %parallel_loop3A_311 = arith.index_cast %parallel_loop3A_310 : i32 to index
          %parallel_loop3A_312 = arith.index_cast %parallel_loop3A_309 : i32 to index
          %parallel_loop3A_313 = tpu.vector_load %arg8[%parallel_loop3A_311, %parallel_loop3A_312] {strides = array<i32>} : memref<8x4096xf32, #tpu.memory_space<vmem>>, vector<16xf32>,
          tpu.vector_store %arg8[%parallel_loop3A_311, %parallel_loop3A_312], %parallel_loop3A_307 {strides = array<i32>} : memref<8x4096xf32, #tpu.memory_space<vmem>>, vector<16xf32>,
          %parallel_loop3A_314 = arith.constant 6 : i32
          %parallel_loop3A_315 = vector.broadcast %parallel_loop3A_314 : i32 to vector<16xi32>
          %parallel_loop3A_316 = tpu.vector_load_idx %arg7[%parallel_loop3A_315, %parallel_loop3A_259] : memref<8x1000xf32, #tpu.memory_space<vmem>>[vector<16xi32>, vector<16xi32>], vector<16xf32>,
          %parallel_loop3A_317 = arith.constant 16 : i32
          %parallel_loop3A_318 = arith.muli %parallel_loop3A_252, %parallel_loop3A_317 : i32
          %parallel_loop3A_319 = arith.constant 6 : i32
          %parallel_loop3A_320 = arith.index_cast %parallel_loop3A_319 : i32 to index
          %parallel_loop3A_321 = arith.index_cast %parallel_loop3A_318 : i32 to index
          %parallel_loop3A_322 = tpu.vector_load %arg8[%parallel_loop3A_320, %parallel_loop3A_321] {strides = array<i32>} : memref<8x4096xf32, #tpu.memory_space<vmem>>, vector<16xf32>,
          tpu.vector_store %arg8[%parallel_loop3A_320, %parallel_loop3A_321], %parallel_loop3A_316 {strides = array<i32>} : memref<8x4096xf32, #tpu.memory_space<vmem>>, vector<16xf32>,
          %parallel_loop3A_323 = arith.constant 7 : i32
          %parallel_loop3A_324 = vector.broadcast %parallel_loop3A_323 : i32 to vector<16xi32>
          %parallel_loop3A_325 = tpu.vector_load_idx %arg7[%parallel_loop3A_324, %parallel_loop3A_259] : memref<8x1000xf32, #tpu.memory_space<vmem>>[vector<16xi32>, vector<16xi32>], vector<16xf32>,
          %parallel_loop3A_326 = arith.constant 16 : i32
          %parallel_loop3A_327 = arith.muli %parallel_loop3A_252, %parallel_loop3A_326 : i32
          %parallel_loop3A_328 = arith.constant 7 : i32
          %parallel_loop3A_329 = arith.index_cast %parallel_loop3A_328 : i32 to index
          %parallel_loop3A_330 = arith.index_cast %parallel_loop3A_327 : i32 to index
          %parallel_loop3A_331 = tpu.vector_load %arg8[%parallel_loop3A_329, %parallel_loop3A_330] {strides = array<i32>} : memref<8x4096xf32, #tpu.memory_space<vmem>>, vector<16xf32>,
          tpu.vector_store %arg8[%parallel_loop3A_329, %parallel_loop3A_330], %parallel_loop3A_325 {strides = array<i32>} : memref<8x4096xf32, #tpu.memory_space<vmem>>, vector<16xf32>,
        } {sc.loop_unroll_factor = 8 : i64, sc.parallel_access}
        %mul3A_246 = arith.constant 8 : i32
        %mul3A_247 = arith.muli %mul3A_246, %add3A_54 : i32
        %mul3A_248 = arith.constant 4096 : i32
        %mul3A_249 = arith.muli %select_n3A_69, %mul3A_248 : i32
        %dma_start3A_250 = tpu.memref_slice %arg4[%mul3A_247, %mul3A_249] : memref<1000x16384xf32, #tpu.memory_space<hbm>> -> memref<8x4096xf32, #tpu.memory_space<hbm>>
        %dma_start3A_251 = tpu.memref_slice %arg4[%mul3A_247, %mul3A_249] : memref<1000x16384xf32, #tpu.memory_space<hbm>> -> memref<8x4096xf32, #tpu.memory_space<hbm>>
        tpu.enqueue_dma source(%arg8 : memref<8x4096xf32, #tpu.memory_space<vmem>>) target(%dma_start3A_251 : memref<8x4096xf32, #tpu.memory_space<hbm>>) target_semaphore(%arg10 : memref<!tpu.dma_semaphore, #tpu.memory_space<semaphore_mem>>)
      } else {
      }
      %jit3A_171 = arith.constant 2 : i32
      %eq3A_172 = arith.constant 0 : i32
      %eq3A_173 = arith.cmpi eq, %jit3A_171, %eq3A_172 : i32
      %jit3A_174 = arith.constant 1 : i32
      %select_n3A_175 = arith.select %eq3A_173, %jit3A_174, %jit3A_171 : i32
      %rem3A_176 = arith.remsi %while3A_32, %select_n3A_175 : i32
      %ne3A_177 = arith.constant 0 : i32
      %ne3A_178 = arith.cmpi ne, %rem3A_176, %ne3A_177 : i32
      %lt3A_179 = arith.constant 0 : i32
      %lt3A_180 = arith.cmpi slt, %rem3A_176, %lt3A_179 : i32
      %lt3A_181 = arith.constant 0 : i32
      %lt3A_182 = arith.cmpi slt, %select_n3A_175, %lt3A_181 : i32
      %ne3A_183 = arith.xori %lt3A_180, %lt3A_182 : i1
      %and3A_184 = arith.andi %ne3A_183, %ne3A_178 : i1
      %add3A_185 = arith.addi %rem3A_176, %select_n3A_175 : i32
      %select_n3A_186 = arith.select %and3A_184, %add3A_185, %rem3A_176 : i32
      %eq3A_187 = arith.constant 1 : i32
      %eq3A_188 = arith.cmpi eq, %select_n3A_186, %eq3A_187 : i32
      %ge3A_189 = arith.constant 2 : i32
      %ge3A_190 = arith.cmpi sge, %while3A_32, %ge3A_189 : i32
      %and3A_191 = arith.andi %eq3A_188, %ge3A_190 : i1
      %convert_element_type3A_192 = arith.extui %and3A_191 : i1 to i32
      %cond3A_193 = arith.constant 0 : i32
      %cond3A_194 = arith.cmpi ne, %convert_element_type3A_192, %cond3A_193 : i32
      scf.if %cond3A_194 {
        %dma_wait3A_244 = arith.constant 0 : i32
        %dma_wait3A_245 = arith.constant 0 : i32
        %dma_wait3A_246 = tpu.memref_slice %arg4[%dma_wait3A_244, %dma_wait3A_245] : memref<1000x16384xf32, #tpu.memory_space<hbm>> -> memref<8x4096xf32, #tpu.memory_space<hbm>>
        %dma_wait3A_247 = arith.constant 0 : i32
        %dma_wait3A_248 = arith.constant 0 : i32
        %dma_wait3A_249 = tpu.memref_slice %arg4[%dma_wait3A_247, %dma_wait3A_248] : memref<1000x16384xf32, #tpu.memory_space<hbm>> -> memref<8x4096xf32, #tpu.memory_space<hbm>>
        tpu.wait_dma2 semaphore(%arg11 : memref<!tpu.dma_semaphore, #tpu.memory_space<semaphore_mem>>) src(%arg9 : memref<8x4096xf32, #tpu.memory_space<vmem>>) dst(%dma_wait3A_249 : memref<8x4096xf32, #tpu.memory_space<hbm>>)
      } else {
      }
      %jit3A_195 = arith.constant 2 : i32
      %eq3A_196 = arith.constant 0 : i32
      %eq3A_197 = arith.cmpi eq, %jit3A_195, %eq3A_196 : i32
      %jit3A_198 = arith.constant 1 : i32
      %select_n3A_199 = arith.select %eq3A_197, %jit3A_198, %jit3A_195 : i32
      %rem3A_200 = arith.remsi %while3A_32, %select_n3A_199 : i32
      %ne3A_201 = arith.constant 0 : i32
      %ne3A_202 = arith.cmpi ne, %rem3A_200, %ne3A_201 : i32
      %lt3A_203 = arith.constant 0 : i32
      %lt3A_204 = arith.cmpi slt, %rem3A_200, %lt3A_203 : i32
      %lt3A_205 = arith.constant 0 : i32
      %lt3A_206 = arith.cmpi slt, %select_n3A_199, %lt3A_205 : i32
      %ne3A_207 = arith.xori %lt3A_204, %lt3A_206 : i1
      %and3A_208 = arith.andi %ne3A_207, %ne3A_202 : i1
      %add3A_209 = arith.addi %rem3A_200, %select_n3A_199 : i32
      %select_n3A_210 = arith.select %and3A_208, %add3A_209, %rem3A_200 : i32
      %eq3A_211 = arith.constant 1 : i32
      %eq3A_212 = arith.cmpi eq, %select_n3A_210, %eq3A_211 : i32
      %eq3A_213 = arith.constant 0 : i32
      %eq3A_214 = arith.cmpi eq, %select_n3A_85, %eq3A_213 : i32
      %and3A_215 = arith.andi %eq3A_212, %eq3A_214 : i1
      %convert_element_type3A_216 = arith.extui %and3A_215 : i1 to i32
      %cond3A_217 = arith.constant 0 : i32
      %cond3A_218 = arith.cmpi ne, %convert_element_type3A_216, %cond3A_217 : i32
      scf.if %cond3A_218 {
        %parallel_loop3A = arith.constant 0 : i32
        %parallel_loop3A_244 = arith.constant 256 : i32
        %parallel_loop3A_245 = arith.constant 1 : i32
        scf.for %parallel_loop3A_252 = %parallel_loop3A to %parallel_loop3A_244 step %parallel_loop3A_245  : i32 {
          %parallel_loop3A_253 = arith.constant 4096 : i32
          %parallel_loop3A_254 = arith.muli %select_n3A_69, %parallel_loop3A_253 : i32
          %parallel_loop3A_255 = arith.constant 16 : i32
          %parallel_loop3A_256 = arith.muli %parallel_loop3A_252, %parallel_loop3A_255 : i32
          %parallel_loop3A_257 = arith.addi %parallel_loop3A_254, %parallel_loop3A_256 : i32
          %parallel_loop3A_258 = arith.index_cast %parallel_loop3A_257 : i32 to index
          %parallel_loop3A_259 = tpu.vector_load %arg5[%parallel_loop3A_258] {strides = array<i32>} : memref<16384xi32, #tpu.memory_space<vmem>>, vector<16xi32>,
          %parallel_loop3A_260 = arith.constant 0 : i32
          %parallel_loop3A_261 = vector.broadcast %parallel_loop3A_260 : i32 to vector<16xi32>
          %parallel_loop3A_262 = tpu.vector_load_idx %arg6[%parallel_loop3A_261, %parallel_loop3A_259] : memref<8x1000xf32, #tpu.memory_space<vmem>>[vector<16xi32>, vector<16xi32>], vector<16xf32>,
          %parallel_loop3A_263 = arith.constant 16 : i32
          %parallel_loop3A_264 = arith.muli %parallel_loop3A_252, %parallel_loop3A_263 : i32
          %parallel_loop3A_265 = arith.constant 0 : i32
          %parallel_loop3A_266 = arith.index_cast %parallel_loop3A_265 : i32 to index
          %parallel_loop3A_267 = arith.index_cast %parallel_loop3A_264 : i32 to index
          %parallel_loop3A_268 = tpu.vector_load %arg9[%parallel_loop3A_266, %parallel_loop3A_267] {strides = array<i32>} : memref<8x4096xf32, #tpu.memory_space<vmem>>, vector<16xf32>,
          tpu.vector_store %arg9[%parallel_loop3A_266, %parallel_loop3A_267], %parallel_loop3A_262 {strides = array<i32>} : memref<8x4096xf32, #tpu.memory_space<vmem>>, vector<16xf32>,
          %parallel_loop3A_269 = arith.constant 1 : i32
          %parallel_loop3A_270 = vector.broadcast %parallel_loop3A_269 : i32 to vector<16xi32>
          %parallel_loop3A_271 = tpu.vector_load_idx %arg6[%parallel_loop3A_270, %parallel_loop3A_259] : memref<8x1000xf32, #tpu.memory_space<vmem>>[vector<16xi32>, vector<16xi32>], vector<16xf32>,
          %parallel_loop3A_272 = arith.constant 16 : i32
          %parallel_loop3A_273 = arith.muli %parallel_loop3A_252, %parallel_loop3A_272 : i32
          %parallel_loop3A_274 = arith.constant 1 : i32
          %parallel_loop3A_275 = arith.index_cast %parallel_loop3A_274 : i32 to index
          %parallel_loop3A_276 = arith.index_cast %parallel_loop3A_273 : i32 to index
          %parallel_loop3A_277 = tpu.vector_load %arg9[%parallel_loop3A_275, %parallel_loop3A_276] {strides = array<i32>} : memref<8x4096xf32, #tpu.memory_space<vmem>>, vector<16xf32>,
          tpu.vector_store %arg9[%parallel_loop3A_275, %parallel_loop3A_276], %parallel_loop3A_271 {strides = array<i32>} : memref<8x4096xf32, #tpu.memory_space<vmem>>, vector<16xf32>,
          %parallel_loop3A_278 = arith.constant 2 : i32
          %parallel_loop3A_279 = vector.broadcast %parallel_loop3A_278 : i32 to vector<16xi32>
          %parallel_loop3A_280 = tpu.vector_load_idx %arg6[%parallel_loop3A_279, %parallel_loop3A_259] : memref<8x1000xf32, #tpu.memory_space<vmem>>[vector<16xi32>, vector<16xi32>], vector<16xf32>,
          %parallel_loop3A_281 = arith.constant 16 : i32
          %parallel_loop3A_282 = arith.muli %parallel_loop3A_252, %parallel_loop3A_281 : i32
          %parallel_loop3A_283 = arith.constant 2 : i32
          %parallel_loop3A_284 = arith.index_cast %parallel_loop3A_283 : i32 to index
          %parallel_loop3A_285 = arith.index_cast %parallel_loop3A_282 : i32 to index
          %parallel_loop3A_286 = tpu.vector_load %arg9[%parallel_loop3A_284, %parallel_loop3A_285] {strides = array<i32>} : memref<8x4096xf32, #tpu.memory_space<vmem>>, vector<16xf32>,
          tpu.vector_store %arg9[%parallel_loop3A_284, %parallel_loop3A_285], %parallel_loop3A_280 {strides = array<i32>} : memref<8x4096xf32, #tpu.memory_space<vmem>>, vector<16xf32>,
          %parallel_loop3A_287 = arith.constant 3 : i32
          %parallel_loop3A_288 = vector.broadcast %parallel_loop3A_287 : i32 to vector<16xi32>
          %parallel_loop3A_289 = tpu.vector_load_idx %arg6[%parallel_loop3A_288, %parallel_loop3A_259] : memref<8x1000xf32, #tpu.memory_space<vmem>>[vector<16xi32>, vector<16xi32>], vector<16xf32>,
          %parallel_loop3A_290 = arith.constant 16 : i32
          %parallel_loop3A_291 = arith.muli %parallel_loop3A_252, %parallel_loop3A_290 : i32
          %parallel_loop3A_292 = arith.constant 3 : i32
          %parallel_loop3A_293 = arith.index_cast %parallel_loop3A_292 : i32 to index
          %parallel_loop3A_294 = arith.index_cast %parallel_loop3A_291 : i32 to index
          %parallel_loop3A_295 = tpu.vector_load %arg9[%parallel_loop3A_293, %parallel_loop3A_294] {strides = array<i32>} : memref<8x4096xf32, #tpu.memory_space<vmem>>, vector<16xf32>,
          tpu.vector_store %arg9[%parallel_loop3A_293, %parallel_loop3A_294], %parallel_loop3A_289 {strides = array<i32>} : memref<8x4096xf32, #tpu.memory_space<vmem>>, vector<16xf32>,
          %parallel_loop3A_296 = arith.constant 4 : i32
          %parallel_loop3A_297 = vector.broadcast %parallel_loop3A_296 : i32 to vector<16xi32>
          %parallel_loop3A_298 = tpu.vector_load_idx %arg6[%parallel_loop3A_297, %parallel_loop3A_259] : memref<8x1000xf32, #tpu.memory_space<vmem>>[vector<16xi32>, vector<16xi32>], vector<16xf32>,
          %parallel_loop3A_299 = arith.constant 16 : i32
          %parallel_loop3A_300 = arith.muli %parallel_loop3A_252, %parallel_loop3A_299 : i32
          %parallel_loop3A_301 = arith.constant 4 : i32
          %parallel_loop3A_302 = arith.index_cast %parallel_loop3A_301 : i32 to index
          %parallel_loop3A_303 = arith.index_cast %parallel_loop3A_300 : i32 to index
          %parallel_loop3A_304 = tpu.vector_load %arg9[%parallel_loop3A_302, %parallel_loop3A_303] {strides = array<i32>} : memref<8x4096xf32, #tpu.memory_space<vmem>>, vector<16xf32>,
          tpu.vector_store %arg9[%parallel_loop3A_302, %parallel_loop3A_303], %parallel_loop3A_298 {strides = array<i32>} : memref<8x4096xf32, #tpu.memory_space<vmem>>, vector<16xf32>,
          %parallel_loop3A_305 = arith.constant 5 : i32
          %parallel_loop3A_306 = vector.broadcast %parallel_loop3A_305 : i32 to vector<16xi32>
          %parallel_loop3A_307 = tpu.vector_load_idx %arg6[%parallel_loop3A_306, %parallel_loop3A_259] : memref<8x1000xf32, #tpu.memory_space<vmem>>[vector<16xi32>, vector<16xi32>], vector<16xf32>,
          %parallel_loop3A_308 = arith.constant 16 : i32
          %parallel_loop3A_309 = arith.muli %parallel_loop3A_252, %parallel_loop3A_308 : i32
          %parallel_loop3A_310 = arith.constant 5 : i32
          %parallel_loop3A_311 = arith.index_cast %parallel_loop3A_310 : i32 to index
          %parallel_loop3A_312 = arith.index_cast %parallel_loop3A_309 : i32 to index
          %parallel_loop3A_313 = tpu.vector_load %arg9[%parallel_loop3A_311, %parallel_loop3A_312] {strides = array<i32>} : memref<8x4096xf32, #tpu.memory_space<vmem>>, vector<16xf32>,
          tpu.vector_store %arg9[%parallel_loop3A_311, %parallel_loop3A_312], %parallel_loop3A_307 {strides = array<i32>} : memref<8x4096xf32, #tpu.memory_space<vmem>>, vector<16xf32>,
          %parallel_loop3A_314 = arith.constant 6 : i32
          %parallel_loop3A_315 = vector.broadcast %parallel_loop3A_314 : i32 to vector<16xi32>
          %parallel_loop3A_316 = tpu.vector_load_idx %arg6[%parallel_loop3A_315, %parallel_loop3A_259] : memref<8x1000xf32, #tpu.memory_space<vmem>>[vector<16xi32>, vector<16xi32>], vector<16xf32>,
          %parallel_loop3A_317 = arith.constant 16 : i32
          %parallel_loop3A_318 = arith.muli %parallel_loop3A_252, %parallel_loop3A_317 : i32
          %parallel_loop3A_319 = arith.constant 6 : i32
          %parallel_loop3A_320 = arith.index_cast %parallel_loop3A_319 : i32 to index
          %parallel_loop3A_321 = arith.index_cast %parallel_loop3A_318 : i32 to index
          %parallel_loop3A_322 = tpu.vector_load %arg9[%parallel_loop3A_320, %parallel_loop3A_321] {strides = array<i32>} : memref<8x4096xf32, #tpu.memory_space<vmem>>, vector<16xf32>,
          tpu.vector_store %arg9[%parallel_loop3A_320, %parallel_loop3A_321], %parallel_loop3A_316 {strides = array<i32>} : memref<8x4096xf32, #tpu.memory_space<vmem>>, vector<16xf32>,
          %parallel_loop3A_323 = arith.constant 7 : i32
          %parallel_loop3A_324 = vector.broadcast %parallel_loop3A_323 : i32 to vector<16xi32>
          %parallel_loop3A_325 = tpu.vector_load_idx %arg6[%parallel_loop3A_324, %parallel_loop3A_259] : memref<8x1000xf32, #tpu.memory_space<vmem>>[vector<16xi32>, vector<16xi32>], vector<16xf32>,
          %parallel_loop3A_326 = arith.constant 16 : i32
          %parallel_loop3A_327 = arith.muli %parallel_loop3A_252, %parallel_loop3A_326 : i32
          %parallel_loop3A_328 = arith.constant 7 : i32
          %parallel_loop3A_329 = arith.index_cast %parallel_loop3A_328 : i32 to index
          %parallel_loop3A_330 = arith.index_cast %parallel_loop3A_327 : i32 to index
          %parallel_loop3A_331 = tpu.vector_load %arg9[%parallel_loop3A_329, %parallel_loop3A_330] {strides = array<i32>} : memref<8x4096xf32, #tpu.memory_space<vmem>>, vector<16xf32>,
          tpu.vector_store %arg9[%parallel_loop3A_329, %parallel_loop3A_330], %parallel_loop3A_325 {strides = array<i32>} : memref<8x4096xf32, #tpu.memory_space<vmem>>, vector<16xf32>,
        } {sc.loop_unroll_factor = 8 : i64, sc.parallel_access}
        %mul3A_246 = arith.constant 8 : i32
        %mul3A_247 = arith.muli %mul3A_246, %add3A_54 : i32
        %mul3A_248 = arith.constant 4096 : i32
        %mul3A_249 = arith.muli %select_n3A_69, %mul3A_248 : i32
        %dma_start3A_250 = tpu.memref_slice %arg4[%mul3A_247, %mul3A_249] : memref<1000x16384xf32, #tpu.memory_space<hbm>> -> memref<8x4096xf32, #tpu.memory_space<hbm>>
        %dma_start3A_251 = tpu.memref_slice %arg4[%mul3A_247, %mul3A_249] : memref<1000x16384xf32, #tpu.memory_space<hbm>> -> memref<8x4096xf32, #tpu.memory_space<hbm>>
        tpu.enqueue_dma source(%arg9 : memref<8x4096xf32, #tpu.memory_space<vmem>>) target(%dma_start3A_251 : memref<8x4096xf32, #tpu.memory_space<hbm>>) target_semaphore(%arg11 : memref<!tpu.dma_semaphore, #tpu.memory_space<semaphore_mem>>)
      } else {
      }
      %jit3A_219 = arith.constant 2 : i32
      %eq3A_220 = arith.constant 0 : i32
      %eq3A_221 = arith.cmpi eq, %jit3A_219, %eq3A_220 : i32
      %jit3A_222 = arith.constant 1 : i32
      %select_n3A_223 = arith.select %eq3A_221, %jit3A_222, %jit3A_219 : i32
      %rem3A_224 = arith.remsi %while3A_32, %select_n3A_223 : i32
      %ne3A_225 = arith.constant 0 : i32
      %ne3A_226 = arith.cmpi ne, %rem3A_224, %ne3A_225 : i32
      %lt3A_227 = arith.constant 0 : i32
      %lt3A_228 = arith.cmpi slt, %rem3A_224, %lt3A_227 : i32
      %lt3A_229 = arith.constant 0 : i32
      %lt3A_230 = arith.cmpi slt, %select_n3A_223, %lt3A_229 : i32
      %ne3A_231 = arith.xori %lt3A_228, %lt3A_230 : i1
      %and3A_232 = arith.andi %ne3A_231, %ne3A_226 : i1
      %add3A_233 = arith.addi %rem3A_224, %select_n3A_223 : i32
      %select_n3A_234 = arith.select %and3A_232, %add3A_233, %rem3A_224 : i32
      %eq3A_235 = arith.constant 1 : i32
      %eq3A_236 = arith.cmpi eq, %select_n3A_234, %eq3A_235 : i32
      %eq3A_237 = arith.constant 1 : i32
      %eq3A_238 = arith.cmpi eq, %select_n3A_85, %eq3A_237 : i32
      %and3A_239 = arith.andi %eq3A_236, %eq3A_238 : i1
      %convert_element_type3A_240 = arith.extui %and3A_239 : i1 to i32
      %cond3A_241 = arith.constant 0 : i32
      %cond3A_242 = arith.cmpi ne, %convert_element_type3A_240, %cond3A_241 : i32
      scf.if %cond3A_242 {
        %parallel_loop3A = arith.constant 0 : i32
        %parallel_loop3A_244 = arith.constant 256 : i32
        %parallel_loop3A_245 = arith.constant 1 : i32
        scf.for %parallel_loop3A_252 = %parallel_loop3A to %parallel_loop3A_244 step %parallel_loop3A_245  : i32 {
          %parallel_loop3A_253 = arith.constant 4096 : i32
          %parallel_loop3A_254 = arith.muli %select_n3A_69, %parallel_loop3A_253 : i32
          %parallel_loop3A_255 = arith.constant 16 : i32
          %parallel_loop3A_256 = arith.muli %parallel_loop3A_252, %parallel_loop3A_255 : i32
          %parallel_loop3A_257 = arith.addi %parallel_loop3A_254, %parallel_loop3A_256 : i32
          %parallel_loop3A_258 = arith.index_cast %parallel_loop3A_257 : i32 to index
          %parallel_loop3A_259 = tpu.vector_load %arg5[%parallel_loop3A_258] {strides = array<i32>} : memref<16384xi32, #tpu.memory_space<vmem>>, vector<16xi32>,
          %parallel_loop3A_260 = arith.constant 0 : i32
          %parallel_loop3A_261 = vector.broadcast %parallel_loop3A_260 : i32 to vector<16xi32>
          %parallel_loop3A_262 = tpu.vector_load_idx %arg7[%parallel_loop3A_261, %parallel_loop3A_259] : memref<8x1000xf32, #tpu.memory_space<vmem>>[vector<16xi32>, vector<16xi32>], vector<16xf32>,
          %parallel_loop3A_263 = arith.constant 16 : i32
          %parallel_loop3A_264 = arith.muli %parallel_loop3A_252, %parallel_loop3A_263 : i32
          %parallel_loop3A_265 = arith.constant 0 : i32
          %parallel_loop3A_266 = arith.index_cast %parallel_loop3A_265 : i32 to index
          %parallel_loop3A_267 = arith.index_cast %parallel_loop3A_264 : i32 to index
          %parallel_loop3A_268 = tpu.vector_load %arg9[%parallel_loop3A_266, %parallel_loop3A_267] {strides = array<i32>} : memref<8x4096xf32, #tpu.memory_space<vmem>>, vector<16xf32>,
          tpu.vector_store %arg9[%parallel_loop3A_266, %parallel_loop3A_267], %parallel_loop3A_262 {strides = array<i32>} : memref<8x4096xf32, #tpu.memory_space<vmem>>, vector<16xf32>,
          %parallel_loop3A_269 = arith.constant 1 : i32
          %parallel_loop3A_270 = vector.broadcast %parallel_loop3A_269 : i32 to vector<16xi32>
          %parallel_loop3A_271 = tpu.vector_load_idx %arg7[%parallel_loop3A_270, %parallel_loop3A_259] : memref<8x1000xf32, #tpu.memory_space<vmem>>[vector<16xi32>, vector<16xi32>], vector<16xf32>,
          %parallel_loop3A_272 = arith.constant 16 : i32
          %parallel_loop3A_273 = arith.muli %parallel_loop3A_252, %parallel_loop3A_272 : i32
          %parallel_loop3A_274 = arith.constant 1 : i32
          %parallel_loop3A_275 = arith.index_cast %parallel_loop3A_274 : i32 to index
          %parallel_loop3A_276 = arith.index_cast %parallel_loop3A_273 : i32 to index
          %parallel_loop3A_277 = tpu.vector_load %arg9[%parallel_loop3A_275, %parallel_loop3A_276] {strides = array<i32>} : memref<8x4096xf32, #tpu.memory_space<vmem>>, vector<16xf32>,
          tpu.vector_store %arg9[%parallel_loop3A_275, %parallel_loop3A_276], %parallel_loop3A_271 {strides = array<i32>} : memref<8x4096xf32, #tpu.memory_space<vmem>>, vector<16xf32>,
          %parallel_loop3A_278 = arith.constant 2 : i32
          %parallel_loop3A_279 = vector.broadcast %parallel_loop3A_278 : i32 to vector<16xi32>
          %parallel_loop3A_280 = tpu.vector_load_idx %arg7[%parallel_loop3A_279, %parallel_loop3A_259] : memref<8x1000xf32, #tpu.memory_space<vmem>>[vector<16xi32>, vector<16xi32>], vector<16xf32>,
          %parallel_loop3A_281 = arith.constant 16 : i32
          %parallel_loop3A_282 = arith.muli %parallel_loop3A_252, %parallel_loop3A_281 : i32
          %parallel_loop3A_283 = arith.constant 2 : i32
          %parallel_loop3A_284 = arith.index_cast %parallel_loop3A_283 : i32 to index
          %parallel_loop3A_285 = arith.index_cast %parallel_loop3A_282 : i32 to index
          %parallel_loop3A_286 = tpu.vector_load %arg9[%parallel_loop3A_284, %parallel_loop3A_285] {strides = array<i32>} : memref<8x4096xf32, #tpu.memory_space<vmem>>, vector<16xf32>,
          tpu.vector_store %arg9[%parallel_loop3A_284, %parallel_loop3A_285], %parallel_loop3A_280 {strides = array<i32>} : memref<8x4096xf32, #tpu.memory_space<vmem>>, vector<16xf32>,
          %parallel_loop3A_287 = arith.constant 3 : i32
          %parallel_loop3A_288 = vector.broadcast %parallel_loop3A_287 : i32 to vector<16xi32>
          %parallel_loop3A_289 = tpu.vector_load_idx %arg7[%parallel_loop3A_288, %parallel_loop3A_259] : memref<8x1000xf32, #tpu.memory_space<vmem>>[vector<16xi32>, vector<16xi32>], vector<16xf32>,
          %parallel_loop3A_290 = arith.constant 16 : i32
          %parallel_loop3A_291 = arith.muli %parallel_loop3A_252, %parallel_loop3A_290 : i32
          %parallel_loop3A_292 = arith.constant 3 : i32
          %parallel_loop3A_293 = arith.index_cast %parallel_loop3A_292 : i32 to index
          %parallel_loop3A_294 = arith.index_cast %parallel_loop3A_291 : i32 to index
          %parallel_loop3A_295 = tpu.vector_load %arg9[%parallel_loop3A_293, %parallel_loop3A_294] {strides = array<i32>} : memref<8x4096xf32, #tpu.memory_space<vmem>>, vector<16xf32>,
          tpu.vector_store %arg9[%parallel_loop3A_293, %parallel_loop3A_294], %parallel_loop3A_289 {strides = array<i32>} : memref<8x4096xf32, #tpu.memory_space<vmem>>, vector<16xf32>,
          %parallel_loop3A_296 = arith.constant 4 : i32
          %parallel_loop3A_297 = vector.broadcast %parallel_loop3A_296 : i32 to vector<16xi32>
          %parallel_loop3A_298 = tpu.vector_load_idx %arg7[%parallel_loop3A_297, %parallel_loop3A_259] : memref<8x1000xf32, #tpu.memory_space<vmem>>[vector<16xi32>, vector<16xi32>], vector<16xf32>,
          %parallel_loop3A_299 = arith.constant 16 : i32
          %parallel_loop3A_300 = arith.muli %parallel_loop3A_252, %parallel_loop3A_299 : i32
          %parallel_loop3A_301 = arith.constant 4 : i32
          %parallel_loop3A_302 = arith.index_cast %parallel_loop3A_301 : i32 to index
          %parallel_loop3A_303 = arith.index_cast %parallel_loop3A_300 : i32 to index
          %parallel_loop3A_304 = tpu.vector_load %arg9[%parallel_loop3A_302, %parallel_loop3A_303] {strides = array<i32>} : memref<8x4096xf32, #tpu.memory_space<vmem>>, vector<16xf32>,
          tpu.vector_store %arg9[%parallel_loop3A_302, %parallel_loop3A_303], %parallel_loop3A_298 {strides = array<i32>} : memref<8x4096xf32, #tpu.memory_space<vmem>>, vector<16xf32>,
          %parallel_loop3A_305 = arith.constant 5 : i32
          %parallel_loop3A_306 = vector.broadcast %parallel_loop3A_305 : i32 to vector<16xi32>
          %parallel_loop3A_307 = tpu.vector_load_idx %arg7[%parallel_loop3A_306, %parallel_loop3A_259] : memref<8x1000xf32, #tpu.memory_space<vmem>>[vector<16xi32>, vector<16xi32>], vector<16xf32>,
          %parallel_loop3A_308 = arith.constant 16 : i32
          %parallel_loop3A_309 = arith.muli %parallel_loop3A_252, %parallel_loop3A_308 : i32
          %parallel_loop3A_310 = arith.constant 5 : i32
          %parallel_loop3A_311 = arith.index_cast %parallel_loop3A_310 : i32 to index
          %parallel_loop3A_312 = arith.index_cast %parallel_loop3A_309 : i32 to index
          %parallel_loop3A_313 = tpu.vector_load %arg9[%parallel_loop3A_311, %parallel_loop3A_312] {strides = array<i32>} : memref<8x4096xf32, #tpu.memory_space<vmem>>, vector<16xf32>,
          tpu.vector_store %arg9[%parallel_loop3A_311, %parallel_loop3A_312], %parallel_loop3A_307 {strides = array<i32>} : memref<8x4096xf32, #tpu.memory_space<vmem>>, vector<16xf32>,
          %parallel_loop3A_314 = arith.constant 6 : i32
          %parallel_loop3A_315 = vector.broadcast %parallel_loop3A_314 : i32 to vector<16xi32>
          %parallel_loop3A_316 = tpu.vector_load_idx %arg7[%parallel_loop3A_315, %parallel_loop3A_259] : memref<8x1000xf32, #tpu.memory_space<vmem>>[vector<16xi32>, vector<16xi32>], vector<16xf32>,
          %parallel_loop3A_317 = arith.constant 16 : i32
          %parallel_loop3A_318 = arith.muli %parallel_loop3A_252, %parallel_loop3A_317 : i32
          %parallel_loop3A_319 = arith.constant 6 : i32
          %parallel_loop3A_320 = arith.index_cast %parallel_loop3A_319 : i32 to index
          %parallel_loop3A_321 = arith.index_cast %parallel_loop3A_318 : i32 to index
          %parallel_loop3A_322 = tpu.vector_load %arg9[%parallel_loop3A_320, %parallel_loop3A_321] {strides = array<i32>} : memref<8x4096xf32, #tpu.memory_space<vmem>>, vector<16xf32>,
          tpu.vector_store %arg9[%parallel_loop3A_320, %parallel_loop3A_321], %parallel_loop3A_316 {strides = array<i32>} : memref<8x4096xf32, #tpu.memory_space<vmem>>, vector<16xf32>,
          %parallel_loop3A_323 = arith.constant 7 : i32
          %parallel_loop3A_324 = vector.broadcast %parallel_loop3A_323 : i32 to vector<16xi32>
          %parallel_loop3A_325 = tpu.vector_load_idx %arg7[%parallel_loop3A_324, %parallel_loop3A_259] : memref<8x1000xf32, #tpu.memory_space<vmem>>[vector<16xi32>, vector<16xi32>], vector<16xf32>,
          %parallel_loop3A_326 = arith.constant 16 : i32
          %parallel_loop3A_327 = arith.muli %parallel_loop3A_252, %parallel_loop3A_326 : i32
          %parallel_loop3A_328 = arith.constant 7 : i32
          %parallel_loop3A_329 = arith.index_cast %parallel_loop3A_328 : i32 to index
          %parallel_loop3A_330 = arith.index_cast %parallel_loop3A_327 : i32 to index
          %parallel_loop3A_331 = tpu.vector_load %arg9[%parallel_loop3A_329, %parallel_loop3A_330] {strides = array<i32>} : memref<8x4096xf32, #tpu.memory_space<vmem>>, vector<16xf32>,
          tpu.vector_store %arg9[%parallel_loop3A_329, %parallel_loop3A_330], %parallel_loop3A_325 {strides = array<i32>} : memref<8x4096xf32, #tpu.memory_space<vmem>>, vector<16xf32>,
        } {sc.loop_unroll_factor = 8 : i64, sc.parallel_access}
        %mul3A_246 = arith.constant 8 : i32
        %mul3A_247 = arith.muli %mul3A_246, %add3A_54 : i32
        %mul3A_248 = arith.constant 4096 : i32
        %mul3A_249 = arith.muli %select_n3A_69, %mul3A_248 : i32
        %dma_start3A_250 = tpu.memref_slice %arg4[%mul3A_247, %mul3A_249] : memref<1000x16384xf32, #tpu.memory_space<hbm>> -> memref<8x4096xf32, #tpu.memory_space<hbm>>
        %dma_start3A_251 = tpu.memref_slice %arg4[%mul3A_247, %mul3A_249] : memref<1000x16384xf32, #tpu.memory_space<hbm>> -> memref<8x4096xf32, #tpu.memory_space<hbm>>
        tpu.enqueue_dma source(%arg9 : memref<8x4096xf32, #tpu.memory_space<vmem>>) target(%dma_start3A_251 : memref<8x4096xf32, #tpu.memory_space<hbm>>) target_semaphore(%arg11 : memref<!tpu.dma_semaphore, #tpu.memory_space<semaphore_mem>>)
      } else {
      }
      %while3A_243 = arith.constant 0 : i32
      scf.yield %while3A_243 : i32
    }
    %dma_wait3A = arith.constant 0 : i32
    %dma_wait3A_21 = arith.constant 0 : i32
    %dma_wait3A_22 = tpu.memref_slice %arg4[%dma_wait3A, %dma_wait3A_21] : memref<1000x16384xf32, #tpu.memory_space<hbm>> -> memref<8x4096xf32, #tpu.memory_space<hbm>>
    %dma_wait3A_23 = arith.constant 0 : i32
    %dma_wait3A_24 = arith.constant 0 : i32
    %dma_wait3A_25 = tpu.memref_slice %arg4[%dma_wait3A_23, %dma_wait3A_24] : memref<1000x16384xf32, #tpu.memory_space<hbm>> -> memref<8x4096xf32, #tpu.memory_space<hbm>>
    tpu.wait_dma2 semaphore(%arg10 : memref<!tpu.dma_semaphore, #tpu.memory_space<semaphore_mem>>) src(%arg8 : memref<8x4096xf32, #tpu.memory_space<vmem>>) dst(%dma_wait3A_25 : memref<8x4096xf32, #tpu.memory_space<hbm>>)
    %dma_wait3A_26 = arith.constant 0 : i32
    %dma_wait3A_27 = arith.constant 0 : i32
    %dma_wait3A_28 = tpu.memref_slice %arg4[%dma_wait3A_26, %dma_wait3A_27] : memref<1000x16384xf32, #tpu.memory_space<hbm>> -> memref<8x4096xf32, #tpu.memory_space<hbm>>
    %dma_wait3A_29 = arith.constant 0 : i32
    %dma_wait3A_30 = arith.constant 0 : i32
    %dma_wait3A_31 = tpu.memref_slice %arg4[%dma_wait3A_29, %dma_wait3A_30] : memref<1000x16384xf32, #tpu.memory_space<hbm>> -> memref<8x4096xf32, #tpu.memory_space<hbm>>
    tpu.wait_dma2 semaphore(%arg11 : memref<!tpu.dma_semaphore, #tpu.memory_space<semaphore_mem>>) src(%arg9 : memref<8x4096xf32, #tpu.memory_space<vmem>>) dst(%dma_wait3A_31 : memref<8x4096xf32, #tpu.memory_space<hbm>>)
    return
  }
}

</mosaic_0001>

<sc_bundles>
// kernel: kernel.3.cloned.1.call-start
scs
__scs_entry_jumppad:
0x0: {  	(pc) =	sbr.rel $0x88, $3  }
0x1: {  	(tag) =	ssettag $0x0;
	lr =	simm.s32 $0x1  }
0x2: {  	[smem:$0x3F9F] =	sst lr;
	_ =	strace $0xD0000000  }
0x3: {  	_ = 	snop  }
0x4: {  	_ = 	snop  }
0x5: {  	_ = 	snop  }
0x6: {  	_ = 	snop  }
0x7: {  	_ = 	snop  }
__scs_overlays_trampoline_lowered:
0x8: {  	[smem:$0x3FAE] =	sst s0  }
0x9: {  	[smem:$0x3FAF] =	sst s1  }
0xa: {  	[smem:$0x3FB0] =	sst s2  }
0xb: {  	[smem:$0x3FB1] =	sst s3  }
0xc: {  	[smem:$0x3FB2] =	sst s4  }
0xd: {  	[smem:$0x3FB3] =	sst s5  }
0xe: {  	[smem:$0x3FB4] =	sst s6  }
0xf: {  	[smem:$0x3FB5] =	sst s7  }
0x10: {  	[smem:$0x3FB6] =	sst s8  }
0x11: {  	[smem:$0x3FB7] =	sst s9;
	s0 =	simm.s32 @!p0 $0x0  }
0x12: {  	s1 =	sld [smem:$0x3F9D];
	s0 =	simm.s32 @p0 $0x1  }
0x13: {  	[smem:$0x3FB8] =	sst s0;
	s0 =	simm.s32 @!p1 $0x0  }
0x14: {  	s2 =	sld [smem:$0x3F9C];
	s0 =	simm.s32 @p1 $0x1  }
0x15: {  	[smem:$0x3FB9] =	sst s0;
	s0 =	simm.s32 @!p2 $0x0  }
0x16: {  	s3 =	sld [smem:$0x3FDB];
	s0 =	simm.s32 @p2 $0x1  }
0x17: {  	s4 =	simm.s32 $0x1BF5;
	[smem:$0x3FBB] =	sst s0  }
0x18: {  	s0 =	sld [smem:$0x3F9E];
	_ =	swait.ge [sflag:s4], $0x0  }
0x19: {  	s7 =	sld [smem:$0x3F9F]  }
0x1a: {  	s8 =	sadd.s32 $0xFFFFE003, lr  }
0x1b: {  	s9 =	sadd.s32 $0xFFFFFEF7, lr;
	s5 =	simm.s32 $0xFFFFFFFF;
	p2 =	slt.u32 s8, $0xFFFFF086  }
0x1c: {  	p1 =	slt.u32 s9, $0xF7A;
	s5 =	simm.s32 @!p2 $0x0  }
0x1d: {  	s5 =	simm.s32 @p1 $0x1;
	p0 =	seq.s32 s7, s2  }
0x1e: {  	s7 =	smul.u32 @!p0 $0xF7A, s2;
	p2 =	seq.s32 @!p0 s5, $0x0  }
0x1f: {  	s9 =	smul.u32 $0xF7A, s1;
	s8 =	simm.s32 @!p0 $0x1BF5;
	p2 =	por !p2, p0  }
0x20: {  	[sflag:s8] =	ssyncset.s32 @!p0 $0xFFFFF086;
	s6 =	sadd.s32 @!p0 s3, s7;
	s7 =	simm.s32 @!p0 $0x108  }
0x21: {  	s3 =	sadd.s32 s3, s9;
	s6 =	sadd.s32 @!p0 $0x88, s6;
	s7 =	simm.s32 @p2 $0x1082  }
0x22: {  	[simem:s7], [sflag:s8] =	dma.local @!p0 [hbm:s6], $0xF7A  }
0x23: {  	s9 =	sor.u32 $0xD0000000, s2;
	s6 =	simm.s32 $0x108;
	_ =	swait.ge @!p0 [sflag:s8], $0x0  }
0x24: {  	s3 =	sadd.s32 $0x88, s3;
	s6 =	simm.s32 @!p1 $0x1082;
	[sflag:s4] =	ssyncset.s32 $0xFFFFF086  }
0x25: {  	[simem:s6], [sflag:s4] =	dma.local [hbm:s3], $0xF7A  }
0x26: {  	[smem:$0x3F9F] =	sst s1;
	(tag) =	ssettag s2;
	_ =	strace s9  }
0x27: {  	s1 =	sld [smem:$0x3FAF]  }
0x28: {  	s2 =	sld [smem:$0x3FB0]  }
0x29: {  	s4 =	sld [smem:$0x3FB2]  }
0x2a: {  	p0 =	seq.s32 s5, $0x0;
	s5 =	sld [smem:$0x3FB3]  }
0x2b: {  	s6 =	sld [smem:$0x3FB4]  }
0x2c: {  	s7 =	sld [smem:$0x3FB5]  }
0x2d: {  	s3 =	simm.s32 $0x108;
	s8 =	sld [smem:$0x3FB6]  }
0x2e: {  	s3 =	simm.s32 @!p0 $0x1082;
	s9 =	sld [smem:$0x3FB7]  }
0x2f: {  	lr =	sadd.s32 s0, s3;
	s0 =	sld [smem:$0x3FAE]  }
0x30: {  	s3 =	sld [smem:$0x3FB1]  }
0x31: {  	[smem:$0x3FBA] =	sst s10  }
0x32: {  	s10 =	sld [smem:$0x3FB8];
	_ =	sdelay $0x3  }
0x33: {  	p0 =	seq.s32 s10, $0x1;
	s10 =	sld [smem:$0x3FBA];
	_ =	sdelay $0x3  }
0x34: {  	[smem:$0x3FBA] =	sst s10  }
0x35: {  	s10 =	sld [smem:$0x3FB9];
	_ =	sdelay $0x3  }
0x36: {  	p1 =	seq.s32 s10, $0x1;
	s10 =	sld [smem:$0x3FBA];
	_ =	sdelay $0x3  }
0x37: {  	[smem:$0x3FBA] =	sst s10  }
0x38: {  	s10 =	sld [smem:$0x3FBB]  }
0x39: {  	_ = 	snop;
	(pc) =	sbr.ind lr, $3  }
0x3a: {  	_ = 	snop  }
0x3b: {  	_ = 	snop  }
0x3c: {  	p2 =	seq.s32 s10, $0x1;
	s10 =	sld [smem:$0x3FBA]  }
0x3d: {  	_ =	shalt  }
0x3e: {  	_ =	shalt  }
0x3f: {  	_ =	shalt  }
0x40: {  	_ =	shalt  }
0x41: {  	_ =	shalt  }
0x42: {  	_ =	shalt  }
0x43: {  	_ =	shalt  }
0x44: {  	_ =	shalt  }
0x45: {  	_ =	shalt  }
0x46: {  	_ =	shalt  }
0x47: {  	_ =	shalt  }
0x48: {  	_ =	shalt  }
0x49: {  	_ =	shalt  }
0x4a: {  	_ =	shalt  }
0x4b: {  	_ =	shalt  }
0x4c: {  	_ =	shalt  }
0x4d: {  	_ =	shalt  }
0x4e: {  	_ =	shalt  }
0x4f: {  	_ =	shalt  }
0x50: {  	_ =	shalt  }
0x51: {  	_ =	shalt  }
0x52: {  	_ =	shalt  }
0x53: {  	_ =	shalt  }
0x54: {  	_ =	shalt  }
0x55: {  	_ =	shalt  }
0x56: {  	_ =	shalt  }
0x57: {  	_ =	shalt  }
0x58: {  	_ =	shalt  }
0x59: {  	_ =	shalt  }
0x5a: {  	_ =	shalt  }
0x5b: {  	_ =	shalt  }
0x5c: {  	_ =	shalt  }
0x5d: {  	_ =	shalt  }
0x5e: {  	_ =	shalt  }
0x5f: {  	_ =	shalt  }
0x60: {  	_ =	shalt  }
0x61: {  	_ =	shalt  }
0x62: {  	_ =	shalt  }
0x63: {  	_ =	shalt  }
0x64: {  	_ =	shalt  }
0x65: {  	_ =	shalt  }
0x66: {  	_ =	shalt  }
0x67: {  	_ =	shalt  }
0x68: {  	_ =	shalt  }
0x69: {  	_ =	shalt  }
0x6a: {  	_ =	shalt  }
0x6b: {  	_ =	shalt  }
0x6c: {  	_ =	shalt  }
0x6d: {  	_ =	shalt  }
0x6e: {  	_ =	shalt  }
0x6f: {  	_ =	shalt  }
0x70: {  	_ =	shalt  }
0x71: {  	_ =	shalt  }
0x72: {  	_ =	shalt  }
0x73: {  	_ =	shalt  }
0x74: {  	_ =	shalt  }
0x75: {  	_ =	shalt  }
0x76: {  	_ =	shalt  }
0x77: {  	_ =	shalt  }
0x78: {  	_ =	shalt  }
0x79: {  	_ =	shalt  }
0x7a: {  	_ =	shalt  }
0x7b: {  	_ =	shalt  }
0x7c: {  	_ =	shalt  }
0x7d: {  	_ =	shalt  }
0x7e: {  	_ =	shalt  }
0x7f: {  	_ =	shalt  }
0x80: {  	_ =	shalt  }
0x81: {  	_ =	shalt  }
0x82: {  	_ =	shalt  }
0x83: {  	_ =	shalt  }
0x84: {  	_ =	shalt  }
0x85: {  	_ =	shalt  }
0x86: {  	_ =	shalt  }
0x87: {  	_ =	shalt  }
.Lfunc_end0:
.L_simem_size_0:
called_computation_lowered:
.L_overlay_start_0:
0x88: {  	s2 =	sld [smem:$0x3FD9]  }
0x89: {  	s3 =	sld [smem:$0x3FFE];
	_ =	sdelay $0x1  }
0x8a: {  	s1 =	srdreg.scid  }
0x8b: {  	s0 =	sand.u32 $0x1, s1  }
0x8c: {  	s17 =	sshll.u32 s0, $0xA;
	s2 =	sadd.s32 s3, s2  }
0x8d: {  	s2 =	sadd.s32 s2, s17  }
0x8e: {  	[smem:$0x3FC6] =	sst s2  }
0x8f: {  	_ = 	snop  }
0x90: {  	s2 =	sld [smem:$0x3FC9]  }
0x91: {  	s18 =	sld [smem:$0x3FD0];
	(tm) =	ssettm $0x1  }
0x92: {  	s4 =	sld [smem:$0x3FFB];
	_ =	sdelay $0x3  }
0x93: {  	_ =	strace s4  }
0x94: {  	s4 =	sld [smem:$0x3FFC];
	_ =	sdelay $0x3  }
0x95: {  	_ =	strace s4  }
0x96: {  	s4 =	sld [smem:$0x3FFD];
	_ =	sdelay $0x3  }
0x97: {  	_ =	strace s4  }
0x98: {  	_ =	strace $0x8FFFFFFF  }
0x99: {  	s19 =	sld [smem:$0x3FDB];
	_ =	sdelay $0x1  }
0x9a: {  	s5 =	simm.s32 $_scs_section_size  }
0x9b: {  	s6 =	simm.s32 $_size__tile_overlayer_lowered;
	s7 =	simm.s32 $_tile_overlayer_lowered  }
0x9c: {  	s22 =	simm.s32 $0x1BFF;
	s21 =	sshll.u32 s7, $0x1;
	s4 =	sadd.s32 s5, s19  }
0x9d: {  	s8 =	simm.s32 $0x0;
	s20 =	sshll.u32 s6, $0x1;
	s6 =	sadd.s32 s21, s4  }
0x9e: {  	[timem:s8], [sflag:s22] =	dma.local [hbm:s6], s20  }
0x9f: {  	_ =	swait.ge [sflag:s22], s20  }
0xa0: {  	s5 =	ssub.s32 $0x0, s20;
	[sflag:s22] =	ssyncset.done $0x0  }
0xa1: {  	[sflag:s22] =	ssyncadd.s32 s5;
	_ =	sdelay $0x1  }
0xa2: {  	s23 =	simm.s32 $0x1B8B  }
0xa3: {  	_ =	swait.ge [sflag:s23], $0x1  }
0xa4: {  	[sflag:s23] =	ssyncset.done $0x0  }
0xa5: {  	s25 =	simm.s32 $0x1B8E;
	s24 =	sld [smem:$0x3FFE];
	[sflag:s23] =	ssyncadd.s32 $0xFFFFFFFF  }
0xa6: {  	s26 =	simm.s32 $execute0_lowered;
	[smem:$0x3FD2] =	sst s25  }
0xa7: {  	s6 =	sshll.u32 s26, $0x1;
	_ =	strace $0x80000046;
	[dreg:$0x1] =	wrdreg $0xFFFFFFFF  }
0xa8: {  	s28 =	simm.s32 $_size_execute0_lowered;
	s4 =	sadd.s32 s4, s6;
	[dreg:$0x0] =	wrdreg $0x0  }
0xa9: {  	s6 =	sshll.u32 s28, $0x1;
	[dreg:$0x2] =	wrdreg s4  }
0xaa: {  	[dreg:$0x3] =	wrdreg s6  }
0xab: {  	[dreg:$0x4] =	wrdreg $0xC0  }
0xac: {  	_ =	task [dreg:s8], $0x5FFFF  }
0xad: {  	[dreg:$0x1] =	wrdreg $0xFFFFFFFF  }
0xae: {  	[dreg:$0x0] =	wrdreg $0x60  }
0xaf: {  	[dreg:$0x2] =	wrdreg s2  }
0xb0: {  	[dreg:$0x3] =	wrdreg s24  }
0xb1: {  	[dreg:$0x4] =	wrdreg s18  }
0xb2: {  	[dreg:$0x5] =	wrdreg $0x9  }
0xb3: {  	_ =	task.clear_ibuf [dreg:s8], $0x6FFFF;
	_ =	strace $0x90000046  }
0xb4: {  	s29 =	simm.s32 $0x9;
	_ =	strace $0x80000048  }
0xb5: {  	_ =	swait.ge [sflag:s29], $0x1  }
0xb6: {  	[sflag:s29] =	ssyncadd.s32 $0xFFFFFFFF  }
0xb7: {  	_ =	strace $0x90000048  }
0xb8: {  	_ =	sfence  }
0xb9: {  	s30 =	sld [smem:$0x0];
	_ =	sdelay $0x2  }
0xba: {  	s31 =	sshll.u32 s1, $0xD;
	s1 =	sshrl.u32 s1, $0x2  }
0xbb: {  	s3 =	sand.u32 $0x4000, s31;
	s1 =	sadd.s32 s1, s30  }
0xbc: {  	s0 =	sor.u32 s3, s0;
	s1 =	sshll.u32 s1, $0x11  }
0xbd: {  	s0 =	sor.u32 s1, s0  }
0xbe: {  	s0 =	sadd.s32 $0x8F2B, s0  }
0xbf: {  	[sflag:s0] =	ssyncadd.remote.s32 $0x1  }
0xc0: {  	_ =	sfence.sel $0xFFFF  }
0xc1: {  	[dreg:$0x0] =	wrdreg $0xFFFFFFFF;
	(pc) =	sbr.abs _section_cstart, $3  }
0xc2: {  	[dreg:$0x1] =	wrdreg $0xFFFFFFFF  }
0xc3: {  	_ =	task.clear_ibuf [dreg:s8], $0x2FFFF;
	_ =	strace $0x9FFFFFFF  }
0xc4: {  	(tm) =	ssettm $0x7FFFFFFF  }
0xc5: {  	_ =	shalt  }
tec
execute0_lowered:
.L_overlay_start_1:
0x0: {  	(tag) =	ssettag $0x1  }
0x1: {  	s1 =	rddreg [dreg:$0x0]  }
0x2: {  	s5 =	rddreg [dreg:$0x1]  }
0x3: {  	s2 =	rddreg [dreg:$0x2]  }
0x4: {  	s0 =	rddreg [dreg:$0x3];
	s4 =	simm.s32 $0x0;
	s6 =	srdreg.scid  }
0x5: {  	s3 =	stileid.u32;
	s9 =	simm.s32 $0x4;
	s11 =	simm.s32 $0x4000  }
0x6: {  	s12 =	simm.s32 $0x5;
	s13 =	simm.s32 $0x8000;
	s14 =	simm.s32 $0x6000  }
0x7: {  	s15 =	simm.s32 $0x10000;
	s16 =	simm.s32 $0x1;
	s17 =	simm.s32 $0x2  }
0x8: {  	s18 =	simm.s32 $0x0;
	[smem:$0x7FF] =	sst s4;
	s6 =	sand.u32 $0x1, s6  }
.Ltmp0:
0x9: {  	s7 =	sshll.u32 s3, $0x1;
	s5 =	sadd.s32 $0x400, s5;
	(pc) =	sbr.rel .LBB2_1-.Ltmp0, $4  }
0xa: {  	_ =	strace $0x80000047;
	s8 =	ssub.s32 $0x2, s6;
	s6 =	sor.u32 s6, s7  }
0xb: {  	s30 =	sshrl.u32 s8, $0x1;
	p0 =	slt.u32 s6, $0x1D;
	s31 =	sshll.u32 s6, $0xA  }
0xc: {  	s10 =	ssub.s32 s8, s30;
	s9 =	simm.s32 @!p0 $0x3;
	s8 =	sadd.s32 s5, s31  }
0xd: {  	s7 =	sshll.u32 s9, $0x2;
	s9 =	sadd.s32 $0xFFFFFFFF, s9;
	s10 =	smax.u32 s10, $0x1  }
.LBB2_19:
0xe: {  	s18 =	sadd.s32 $0x1, s18  }
0xf: {  	_ =	swait.ge [sflag:s16], $0x8000;
	p0 =	sne.s32 s18, s10  }
.Ltmp1:
0x10: {  	[sflag:s16] =	ssyncset.done $0x0;
	(pc) =	sbr.rel @!p0 .LBB2_20-.Ltmp1, $4  }
0x11: {  	[sflag:s16] =	ssyncadd.s32 $0xFFFF8000  }
0x12: {  	_ =	swait.ge [sflag:s17], $0x8000  }
0x13: {  	[sflag:s17] =	ssyncset.done $0x0  }
0x14: {  	[sflag:s17] =	ssyncadd.s32 $0xFFFF8000  }
.LBB2_1:
0x15: {  	[tilespmem:s11], [sflag:$0x3] =	stream.linear.gather [hbm4b:s8+s4], $0x2000, $0x38;
	[tilespmem:$0x18000] =	vst v63  }
.Ltmp2:
0x16: {  	_ = 	snop;
	(pc) =	sbr.rel .LBB2_2-.Ltmp2, $4  }
0x17: {  	[tilespmem:s4], [sflag:$0x5] =	stream.linear.gather [hbm4b:s1+s4], $0x4000, $0x38;
	[tilespmem:$0x18000] =	vst v63  }
0x18: {  	_ =	swait.ge [sflag:s12], $0x4000  }
0x19: {  	[sflag:s12] =	ssyncset.done $0x0  }
0x1a: {  	s19 =	simm.s32 $0x0;
	s20 =	simm.s32 $0x0;
	[sflag:s12] =	ssyncadd.s32 $0xFFFFC000  }
.LBB2_18:
0x1b: {  	s20 =	sadd.s32 $0x1, s20  }
0x1c: {  	p0 =	sne.s32 s20, s7  }
.Ltmp3:
0x1d: {  	_ = 	snop;
	(pc) =	sbr.rel @!p0 .LBB2_19-.Ltmp3, $2  }
0x1e: {  	_ =	sdelay $0x2  }
0x1f: {  	s19 =	sadd.s32 $0x1, s19  }
.LBB2_2:
0x20: {  	s23 =	sshrl.u32 s20, $0x2  }
0x21: {  	s21 =	sand.u32 $0x3, s20;
	s25 =	sand.u32 $0x1, s23  }
0x22: {  	s22 =	sor.u32 s21, s25  }
0x23: {  	p0 =	sne.s32 s22, $0x0  }
0x24: {  	s30 =	sshll.u32 s23, $0x5;
	p1 =	sge.u32 @!p0 s23, s9  }
0x25: {  	s22 =	sor.u32 s6, s30;
	s24 =	simm.s32 @!p0 $0x3;
	p1 =	por p1, p0  }
0x26: {  	_ =	swait.ge @!p0 [sflag:s24], $0x2000;
	s26 =	sshll.u32 @!p1 s22, $0xD  }
0x27: {  	[sflag:s24] =	ssyncset.done @!p0 $0x0;
	s26 =	sadd.s32 @!p1 $0x40000, s26  }
0x28: {  	[sflag:s24] =	ssyncadd.s32 @!p0 $0xFFFFE000;
	s24 =	sshrl.u32 @!p1 s26, $0x3  }
0x29: {  	s28 =	simm.s32 @!p1 $0x6000;
	s26 =	simm.s32 @!p1 $0x0;
	s24 =	sadd.s32 @!p1 s5, s24  }
0x2a: {  	[tilespmem:s28], [sflag:$0x4] =	stream.linear.gather @!p1 [hbm4b:s24+s26], $0x2000, $0x38;
	[tilespmem:$0x18000] =	vst v63  }
0x2b: {  	p0 =	sne.s32 s21, $0x0;
	p1 =	seq.s32 s25, $0x1  }
0x2c: {  	p2 =	por !p1, p0  }
0x2d: {  	p3 =	sge.u32 @!p2 s23, s9  }
0x2e: {  	p3 =	por @!p0 p3, !p1  }
0x2f: {  	s23 =	simm.s32 @!p2 $0x4;
	p0 =	por p3, p0  }
0x30: {  	_ =	swait.ge @!p2 [sflag:s23], $0x2000;
	s24 =	sshll.u32 @!p0 s22, $0xD  }
0x31: {  	[sflag:s23] =	ssyncset.done @!p2 $0x0;
	s24 =	sadd.s32 @!p0 $0x40000, s24  }
0x32: {  	[sflag:s23] =	ssyncadd.s32 @!p2 $0xFFFFE000;
	s23 =	sshrl.u32 @!p0 s24, $0x3  }
0x33: {  	s26 =	simm.s32 @!p0 $0x4000;
	s24 =	simm.s32 @!p0 $0x0;
	s23 =	sadd.s32 @!p0 s5, s23  }
0x34: {  	[tilespmem:s26], [sflag:$0x3] =	stream.linear.gather @!p0 [hbm4b:s23+s24], $0x2000, $0x38;
	[tilespmem:$0x18000] =	vst v63  }
0x35: {  	s26 =	sand.u32 $0x1, s20;
	p0 =	slt.u32 s20, $0x2;
	s24 =	sand.u32 $0x5, s20  }
0x36: {  	p2 =	sne.s32 @!p0 s26, $0x0;
	p3 =	sne.s32 s24, $0x0  }
.Ltmp4:
0x37: {  	p2 =	por p2, p0;
	(pc) =	sbr.rel @p3 .LBB2_6-.Ltmp4, $4  }
0x38: {  	s23 =	simm.s32 @!p2 $0x1  }
0x39: {  	s31 =	sand.u32 $0x3, s19;
	_ =	swait.ge @!p2 [sflag:s23], $0x8000  }
0x3a: {  	s28 =	sshll.u32 s31, $0xC;
	[sflag:s23] =	ssyncset.done @!p2 $0x0  }
0x3b: {  	[sflag:s23] =	ssyncadd.s32 @!p2 $0xFFFF8000;
	s23 =	sor.u32 $0x40, s28  }
0x3c: {  	v0 =	vld [tilespmem:s23+$0x30];
	_ =	sdelay $0x3  }
0x3d: {  	v1 =	vld [tilespmem:s23+$0xFFFFFFD0]  }
0x3e: {  	v2 =	vshll.u32 v0, $0x3  }
0x3f: {  	v3 =	vld [tilespmem:s23+$0xFFFFFFE0];
	v0 =	vand.u32 $0x7F, v0;
	v2 =	vand.u32 $0xFFFFFC00, v2  }
0x40: {  	v5 =	vld [tilespmem:s23+$0xFFFFFFC0];
	v4 =	vor.u32 v0, v2;
	_ =	sdelay $0x1  }
0x41: {  	v2 =	vld [tilespmem:s23+$0xFFFFFFF0];
	v0 =	vshll.u32 v1, $0x3  }
0x42: {  	v7 =	vld [tilespmem:s23+$0x10];
	v1 =	vand.u32 $0x7F, v1;
	v8 =	vand.u32 $0xFFFFFC00, v0  }
0x43: {  	v6 =	vld [tilespmem:s23+$0x0];
	v0 =	vshll.u32 v3, $0x3;
	v1 =	vor.u32 v1, v8  }
0x44: {  	v11 =	vor.u32 $0x80, v4;
	v9 =	vand.u32 $0xFFFFFC00, v0;
	v0 =	vshll.u32 v5, $0x3;
	v10 =	vld.idx.msk [tilespmem:v4+s11+$0x0], $0xffff  }
0x45: {  	v12 =	vld [tilespmem:s23+$0x20];
	v3 =	vand.u32 $0x7F, v3;
	v5 =	vand.u32 $0x7F, v5;
	v0 =	vand.u32 $0xFFFFFC00, v0  }
0x46: {  	v0 =	vor.u32 v5, v0;
	v13 =	vshll.u32 v2, $0x3;
	v8 =	vand.u32 $0x7F, v2  }
0x47: {  	v2 =	vor.u32 v3, v9;
	v9 =	vshll.u32 v7, $0x3;
	v5 =	vand.u32 $0xFFFFFC00, v13  }
0x48: {  	s28 =	simm.s32 $0x8200;
	v13 =	vshll.u32 v6, $0x3;
	v3 =	vor.u32 v8, v5;
	v5 =	vand.u32 $0xFFFFFC00, v9;
	v9 =	vld.idx.msk [tilespmem:v1+s11+$0x0], $0xffff  }
0x49: {  	v15 =	vor.u32 $0x80, v1;
	v6 =	vand.u32 $0x7F, v6;
	v13 =	vand.u32 $0xFFFFFC00, v13;
	[tilespmem:s28+$0xFFFFFE70] =	vst v10  }
0x4a: {  	v7 =	vand.u32 $0x7F, v7;
	v8 =	vshll.u32 v12, $0x3;
	v10 =	vor.u32 v6, v13;
	v6 =	vld.idx.msk [tilespmem:v11+s11+$0x0], $0xffff  }
0x4b: {  	v11 =	vor.u32 v7, v5;
	v5 =	vld.idx.msk [tilespmem:v0+s11+$0x0], $0xffff;
	v7 =	vand.u32 $0xFFFFFC00, v8;
	v8 =	vand.u32 $0x7F, v12  }
0x4c: {  	v13 =	vor.u32 $0x100, v4;
	v12 =	vor.u32 v8, v7;
	v7 =	vld.idx.msk [tilespmem:v2+s11+$0x0], $0xffff  }
0x4d: {  	v8 =	vor.u32 $0x80, v0;
	v14 =	vld.idx.msk [tilespmem:v3+s11+$0x0], $0xffff;
	[tilespmem:s28+$0xFFFFFE10] =	vst v9  }
0x4e: {  	v15 =	vld.idx.msk [tilespmem:v15+s11+$0x0], $0xffff  }
0x4f: {  	v17 =	vor.u32 $0x80, v2;
	v16 =	vld.idx.msk [tilespmem:v10+s11+$0x0], $0xffff  }
0x50: {  	v18 =	vld.idx.msk [tilespmem:v11+s11+$0x0], $0xffff;
	[tilespmem:s28+$0xFFFFFEF0] =	vst v6;
	v6 =	vor.u32 $0x80, v3  }
0x51: {  	[tilespmem:s28+$0xFFFFFE00] =	vst v5;
	v5 =	vld.idx.msk [tilespmem:v13+s11+$0x0], $0xffff;
	v13 =	vor.u32 $0x80, v10  }
0x52: {  	v19 =	vor.u32 $0x80, v11;
	v8 =	vld.idx.msk [tilespmem:v8+s11+$0x0], $0xffff;
	[tilespmem:s28+$0xFFFFFE20] =	vst v7  }
0x53: {  	v9 =	vld.idx.msk [tilespmem:v12+s11+$0x0], $0xffff;
	v7 =	vor.u32 $0x180, v4;
	[tilespmem:s28+$0xFFFFFE30] =	vst v14  }
0x54: {  	v14 =	vor.u32 $0x80, v12;
	v17 =	vld.idx.msk [tilespmem:v17+s11+$0x0], $0xffff;
	[tilespmem:s28+$0xFFFFFE40] =	vst v16  }
0x55: {  	v16 =	vor.u32 $0x100, v0;
	v6 =	vld.idx.msk [tilespmem:v6+s11+$0x0], $0xffff;
	[tilespmem:s28+$0xFFFFFE50] =	vst v18  }
0x56: {  	v18 =	vor.u32 $0x100, v1;
	v13 =	vld.idx.msk [tilespmem:v13+s11+$0x0], $0xffff;
	[tilespmem:s28+$0xFFFFFF70] =	vst v5  }
0x57: {  	v5 =	vor.u32 $0x100, v2;
	[tilespmem:s28+$0xFFFFFE80] =	vst v8;
	v8 =	vld.idx.msk [tilespmem:v19+s11+$0x0], $0xffff  }
0x58: {  	[tilespmem:s28+$0xFFFFFE60] =	vst v9;
	v9 =	vor.u32 $0x100, v3;
	v7 =	vld.idx.msk [tilespmem:v7+s11+$0x0], $0xffff  }
0x59: {  	[tilespmem:s28+$0xFFFFFE90] =	vst v15;
	v19 =	vor.u32 $0x100, v10;
	v14 =	vld.idx.msk [tilespmem:v14+s11+$0x0], $0xffff  }
0x5a: {  	[tilespmem:s28+$0xFFFFFEA0] =	vst v17;
	v17 =	vor.u32 $0x100, v11;
	v16 =	vld.idx.msk [tilespmem:v16+s11+$0x0], $0xffff  }
0x5b: {  	v15 =	vor.u32 $0x200, v4;
	v18 =	vld.idx.msk [tilespmem:v18+s11+$0x0], $0xffff;
	[tilespmem:s28+$0xFFFFFEB0] =	vst v6  }
0x5c: {  	v6 =	vor.u32 $0x100, v12;
	v5 =	vld.idx.msk [tilespmem:v5+s11+$0x0], $0xffff;
	[tilespmem:s28+$0xFFFFFEC0] =	vst v13  }
0x5d: {  	v13 =	vor.u32 $0x180, v0;
	v9 =	vld.idx.msk [tilespmem:v9+s11+$0x0], $0xffff;
	[tilespmem:s28+$0xFFFFFED0] =	vst v8  }
0x5e: {  	[tilespmem:s28+$0xFFFFFFF0] =	vst v7;
	v7 =	vor.u32 $0x180, v1;
	v19 =	vld.idx.msk [tilespmem:v19+s11+$0x0], $0xffff  }
0x5f: {  	[tilespmem:s28+$0xFFFFFEE0] =	vst v14;
	v14 =	vld.idx.msk [tilespmem:v17+s11+$0x0], $0xffff;
	v17 =	vor.u32 $0x180, v3  }
0x60: {  	v8 =	vld.idx.msk [tilespmem:v15+s11+$0x0], $0xffff;
	v15 =	vor.u32 $0x180, v2;
	[tilespmem:s28+$0xFFFFFF00] =	vst v16  }
0x61: {  	v16 =	vor.u32 $0x280, v4;
	[tilespmem:s28+$0xFFFFFF10] =	vst v18;
	v6 =	vld.idx.msk [tilespmem:v6+s11+$0x0], $0xffff  }
0x62: {  	v18 =	vor.u32 $0x180, v10;
	v13 =	vld.idx.msk [tilespmem:v13+s11+$0x0], $0xffff;
	[tilespmem:s28+$0xFFFFFF20] =	vst v5  }
0x63: {  	v5 =	vor.u32 $0x180, v11;
	[tilespmem:s28+$0xFFFFFF30] =	vst v9;
	v7 =	vld.idx.msk [tilespmem:v7+s11+$0x0], $0xffff  }
0x64: {  	v9 =	vor.u32 $0x180, v12;
	[tilespmem:s28+$0xFFFFFF40] =	vst v19;
	v17 =	vld.idx.msk [tilespmem:v17+s11+$0x0], $0xffff  }
0x65: {  	v15 =	vld.idx.msk [tilespmem:v15+s11+$0x0], $0xffff;
	[tilespmem:s28+$0x70] =	vst v8;
	v8 =	vor.u32 $0x200, v0  }
0x66: {  	v19 =	vor.u32 $0x200, v1;
	[tilespmem:s28+$0xFFFFFF50] =	vst v14;
	v16 =	vld.idx.msk [tilespmem:v16+s11+$0x0], $0xffff  }
0x67: {  	v14 =	vld.idx.msk [tilespmem:v18+s11+$0x0], $0xffff;
	[tilespmem:s28+$0xFFFFFF60] =	vst v6;
	v6 =	vor.u32 $0x300, v4  }
0x68: {  	v18 =	vor.u32 $0x200, v2;
	[tilespmem:s28+$0xFFFFFF80] =	vst v13;
	v5 =	vld.idx.msk [tilespmem:v5+s11+$0x0], $0xffff  }
0x69: {  	v13 =	vor.u32 $0x200, v3;
	[tilespmem:s28+$0xFFFFFF90] =	vst v7;
	v7 =	vld.idx.msk [tilespmem:v9+s11+$0x0], $0xffff  }
0x6a: {  	v9 =	vor.u32 $0x200, v10;
	v8 =	vld.idx.msk [tilespmem:v8+s11+$0x0], $0xffff;
	[tilespmem:s28+$0xFFFFFFA0] =	vst v15  }
0x6b: {  	v15 =	vor.u32 $0x200, v11;
	v19 =	vld.idx.msk [tilespmem:v19+s11+$0x0], $0xffff;
	[tilespmem:s28+$0xF0] =	vst v16  }
0x6c: {  	[tilespmem:s28+$0xFFFFFFB0] =	vst v17;
	v16 =	vor.u32 $0x200, v12;
	v6 =	vld.idx.msk [tilespmem:v6+s11+$0x0], $0xffff  }
0x6d: {  	v17 =	vor.u32 $0x280, v0;
	v18 =	vld.idx.msk [tilespmem:v18+s11+$0x0], $0xffff;
	[tilespmem:s28+$0xFFFFFFC0] =	vst v14  }
0x6e: {  	v4 =	vor.u32 $0x380, v4;
	v13 =	vld.idx.msk [tilespmem:v13+s11+$0x0], $0xffff;
	[tilespmem:s28+$0xFFFFFFD0] =	vst v5  }
0x6f: {  	v5 =	vor.u32 $0x280, v1;
	v9 =	vld.idx.msk [tilespmem:v9+s11+$0x0], $0xffff;
	[tilespmem:s28+$0xFFFFFFE0] =	vst v7  }
0x70: {  	v7 =	vor.u32 $0x280, v2;
	[tilespmem:s28+$0x0] =	vst v8;
	v8 =	vld.idx.msk [tilespmem:v15+s11+$0x0], $0xffff  }
0x71: {  	v14 =	vor.u32 $0x280, v3;
	[tilespmem:s28+$0x10] =	vst v19;
	v15 =	vld.idx.msk [tilespmem:v16+s11+$0x0], $0xffff  }
0x72: {  	v16 =	vor.u32 $0x280, v10;
	v17 =	vld.idx.msk [tilespmem:v17+s11+$0x0], $0xffff;
	[tilespmem:s28+$0x170] =	vst v6  }
0x73: {  	v6 =	vor.u32 $0x280, v11;
	[tilespmem:s28+$0x20] =	vst v18;
	v4 =	vld.idx.msk [tilespmem:v4+s11+$0x0], $0xffff  }
0x74: {  	v18 =	vor.u32 $0x280, v12;
	v5 =	vld.idx.msk [tilespmem:v5+s11+$0x0], $0xffff;
	[tilespmem:s28+$0x30] =	vst v13  }
0x75: {  	v13 =	vor.u32 $0x300, v0;
	v7 =	vld.idx.msk [tilespmem:v7+s11+$0x0], $0xffff;
	[tilespmem:s28+$0x40] =	vst v9  }
0x76: {  	v9 =	vor.u32 $0x300, v1;
	v19 =	vld.idx.msk [tilespmem:v14+s11+$0x0], $0xffff;
	[tilespmem:s28+$0x50] =	vst v8  }
0x77: {  	v20 =	vor.u32 $0x300, v2;
	v21 =	vld.idx.msk [tilespmem:v16+s11+$0x0], $0xffff;
	[tilespmem:s28+$0x60] =	vst v15  }
0x78: {  	v22 =	vor.u32 $0x300, v3;
	[tilespmem:s28+$0x80] =	vst v17;
	v17 =	vld.idx.msk [tilespmem:v6+s11+$0x0], $0xffff  }
0x79: {  	v23 =	vor.u32 $0x300, v10;
	v15 =	vld.idx.msk [tilespmem:v18+s11+$0x0], $0xffff;
	[tilespmem:s28+$0x1F0] =	vst v4  }
0x7a: {  	v14 =	vld.idx.msk [tilespmem:v13+s11+$0x0], $0xffff;
	[tilespmem:s28+$0x90] =	vst v5  }
0x7b: {  	v13 =	vld.idx.msk [tilespmem:v9+s11+$0x0], $0xffff;
	[tilespmem:s28+$0xA0] =	vst v7  }
0x7c: {  	v8 =	vor.u32 $0x300, v11;
	v6 =	vor.u32 $0x380, v1;
	v1 =	vor.u32 $0x380, v11;
	[tilespmem:s28+$0xB0] =	vst v19;
	v16 =	vld.idx.msk [tilespmem:v20+s11+$0x0], $0xffff  }
0x7d: {  	v5 =	vor.u32 $0x380, v2;
	v4 =	vor.u32 $0x380, v3;
	v2 =	vor.u32 $0x380, v10;
	v3 =	vld.idx.msk [tilespmem:v22+s11+$0x0], $0xffff;
	[tilespmem:s28+$0xC0] =	vst v21  }
0x7e: {  	s30 =	simm.s32 $0x0;
	s31 =	sadd.s32 $0x80, s23;
	s29 =	simm.s32 $0x8200;
	v7 =	vor.u32 $0x380, v0;
	v9 =	vor.u32 $0x300, v12;
	v0 =	vor.u32 $0x380, v12;
	v10 =	vld.idx.msk [tilespmem:v23+s11+$0x0], $0xffff;
	[tilespmem:s28+$0xD0] =	vst v17  }
.LBB2_4:
0x7f: {  	v11 =	vld [tilespmem:s31+$0x30];
	s30 =	sadd.s32 $0x8, s30;
	[tilespmem:s28+$0xE0] =	vst v15  }
0x80: {  	v12 =	vld [tilespmem:s31+$0xFFFFFFD0];
	p2 =	slt.u32 s30, $0xF8;
	[tilespmem:s28+$0x100] =	vst v14  }
0x81: {  	v14 =	vld [tilespmem:s31+$0xFFFFFFE0];
	[tilespmem:s28+$0x110] =	vst v13  }
0x82: {  	v13 =	vld [tilespmem:s31+$0xFFFFFFF0];
	[tilespmem:s28+$0x120] =	vst v16  }
0x83: {  	v15 =	vld [tilespmem:s31+$0x0];
	[tilespmem:s28+$0x130] =	vst v3  }
0x84: {  	v16 =	vld [tilespmem:s31+$0x10];
	v3 =	vshll.u32 v11, $0x3;
	[tilespmem:s28+$0x140] =	vst v10  }
0x85: {  	v11 =	vand.u32 $0x7F, v11;
	v10 =	vshll.u32 v12, $0x3;
	v17 =	vld [tilespmem:s31+$0x20];
	v3 =	vand.u32 $0xFFFFFC00, v3  }
0x86: {  	v18 =	vld [tilespmem:s31+$0xFFFFFFC0];
	v10 =	vand.u32 $0xFFFFFC00, v10;
	v19 =	vshll.u32 v14, $0x3;
	v3 =	vor.u32 v11, v3  }
0x87: {  	v11 =	vand.u32 $0x7F, v12;
	v12 =	vand.u32 $0xFFFFFC00, v19;
	v19 =	vshll.u32 v13, $0x3;
	v8 =	vld.idx.msk [tilespmem:v8+s11+$0x0], $0xffff  }
0x88: {  	v14 =	vand.u32 $0x7F, v14;
	v19 =	vand.u32 $0xFFFFFC00, v19;
	v20 =	vshll.u32 v15, $0x3;
	v9 =	vld.idx.msk [tilespmem:v9+s11+$0x0], $0xffff  }
0x89: {  	v13 =	vand.u32 $0x7F, v13;
	v20 =	vand.u32 $0xFFFFFC00, v20;
	v21 =	vshll.u32 v16, $0x3;
	v7 =	vld.idx.msk [tilespmem:v7+s11+$0x0], $0xffff  }
0x8a: {  	v15 =	vand.u32 $0x7F, v15;
	v21 =	vand.u32 $0xFFFFFC00, v21;
	v22 =	vshll.u32 v17, $0x3;
	v6 =	vld.idx.msk [tilespmem:v6+s11+$0x0], $0xffff  }
0x8b: {  	v23 =	vand.u32 $0x7F, v18;
	v18 =	vshll.u32 v18, $0x3;
	v22 =	vand.u32 $0xFFFFFC00, v22;
	v24 =	vld.idx.msk [tilespmem:v3+s11+$0x0], $0xffff  }
0x8c: {  	v16 =	vand.u32 $0x7F, v16;
	v17 =	vand.u32 $0x7F, v17;
	v18 =	vand.u32 $0xFFFFFC00, v18;
	v5 =	vld.idx.msk [tilespmem:v5+s11+$0x0], $0xffff  }
0x8d: {  	v25 =	vor.u32 v11, v10;
	v10 =	vor.u32 $0x80, v3;
	v23 =	vor.u32 v23, v18;
	v4 =	vld.idx.msk [tilespmem:v4+s11+$0x0], $0xffff;
	[tilespmem:s28+$0x150] =	vst v8  }
0x8e: {  	v26 =	vor.u32 v14, v12;
	v27 =	vor.u32 v13, v19;
	v28 =	vor.u32 v15, v20;
	[tilespmem:s28+$0x160] =	vst v9  }
0x8f: {  	v21 =	vor.u32 v16, v21;
	v22 =	vor.u32 v17, v22;
	v8 =	vor.u32 $0x80, v23;
	[tilespmem:s28+$0x180] =	vst v7;
	v2 =	vld.idx.msk [tilespmem:v2+s11+$0x0], $0xffff  }
0x90: {  	v29 =	vor.u32 $0x80, v27;
	v9 =	vor.u32 $0x80, v26;
	v7 =	vor.u32 $0x80, v25;
	s28 =	sadd.s32 $0x400, s28;
	[tilespmem:s29+$0x190] =	vst v6;
	v1 =	vld.idx.msk [tilespmem:v1+s11+$0x0], $0xffff  }
0x91: {  	v30 =	vor.u32 $0x80, v28;
	v31 =	vor.u32 $0x80, v21;
	v32 =	vor.u32 $0x80, v22;
	[tilespmem:s28+$0xFFFFFE70] =	vst v24;
	v0 =	vld.idx.msk [tilespmem:v0+s11+$0x0], $0xffff  }
0x92: {  	v33 =	vor.u32 $0x100, v25;
	v34 =	vor.u32 $0x100, v26;
	v24 =	vor.u32 $0x100, v23;
	v6 =	vld.idx.msk [tilespmem:v10+s11+$0x0], $0xffff;
	[tilespmem:s29+$0x1A0] =	vst v5  }
0x93: {  	v35 =	vor.u32 $0x100, v27;
	v36 =	vor.u32 $0x100, v28;
	v37 =	vor.u32 $0x100, v21;
	v5 =	vld.idx.msk [tilespmem:v23+s11+$0x0], $0xffff;
	[tilespmem:s29+$0x1B0] =	vst v4  }
0x94: {  	v39 =	vor.u32 $0x100, v22;
	v38 =	vor.u32 $0x180, v23;
	v10 =	vor.u32 $0x100, v3;
	v4 =	vld.idx.msk [tilespmem:v25+s11+$0x0], $0xffff  }
0x95: {  	v40 =	vor.u32 $0x180, v25;
	v41 =	vor.u32 $0x180, v26;
	v42 =	vor.u32 $0x180, v27;
	v11 =	vld.idx.msk [tilespmem:v26+s11+$0x0], $0xffff;
	[tilespmem:s29+$0x1C0] =	vst v2  }
0x96: {  	v43 =	vor.u32 $0x180, v28;
	v44 =	vor.u32 $0x180, v21;
	v45 =	vor.u32 $0x180, v22;
	v2 =	vld.idx.msk [tilespmem:v27+s11+$0x0], $0xffff;
	[tilespmem:s29+$0x1D0] =	vst v1  }
0x97: {  	v47 =	vor.u32 $0x200, v25;
	v48 =	vor.u32 $0x200, v26;
	v46 =	vor.u32 $0x200, v23;
	v1 =	vld.idx.msk [tilespmem:v28+s11+$0x0], $0xffff;
	[tilespmem:s29+$0x1E0] =	vst v0;
	s29 =	smov.u32 s28  }
0x98: {  	v49 =	vor.u32 $0x200, v27;
	v50 =	vor.u32 $0x200, v28;
	v51 =	vor.u32 $0x200, v21;
	v0 =	vld.idx.msk [tilespmem:v21+s11+$0x0], $0xffff;
	[tilespmem:s28+$0xFFFFFEF0] =	vst v6  }
0x99: {  	v18 =	vor.u32 $0x280, v25;
	v53 =	vor.u32 $0x200, v22;
	v52 =	vor.u32 $0x280, v23;
	[tilespmem:s28+$0xFFFFFE00] =	vst v5;
	v54 =	vld.idx.msk [tilespmem:v10+s11+$0x0], $0xffff  }
0x9a: {  	v20 =	vor.u32 $0x280, v26;
	v19 =	vor.u32 $0x280, v27;
	v15 =	vor.u32 $0x280, v28;
	[tilespmem:s28+$0xFFFFFE10] =	vst v4;
	v55 =	vld.idx.msk [tilespmem:v22+s11+$0x0], $0xffff  }
0x9b: {  	v57 =	vor.u32 $0x180, v3;
	v17 =	vor.u32 $0x280, v21;
	v16 =	vor.u32 $0x280, v22;
	v56 =	vld.idx.msk [tilespmem:v8+s11+$0x0], $0xffff;
	[tilespmem:s28+$0xFFFFFE20] =	vst v11  }
0x9c: {  	v13 =	vor.u32 $0x300, v25;
	v14 =	vor.u32 $0x300, v23;
	v10 =	vor.u32 $0x300, v26;
	v58 =	vld.idx.msk [tilespmem:v7+s11+$0x0], $0xffff;
	[tilespmem:s28+$0xFFFFFE30] =	vst v2  }
0x9d: {  	v12 =	vor.u32 $0x300, v27;
	v11 =	vor.u32 $0x300, v28;
	v8 =	vor.u32 $0x300, v21;
	v59 =	vld.idx.msk [tilespmem:v9+s11+$0x0], $0xffff;
	[tilespmem:s28+$0xFFFFFE40] =	vst v1  }
0x9e: {  	v6 =	vor.u32 $0x380, v25;
	v7 =	vor.u32 $0x380, v23;
	v9 =	vor.u32 $0x300, v22;
	v23 =	vld.idx.msk [tilespmem:v29+s11+$0x0], $0xffff;
	[tilespmem:s28+$0xFFFFFE50] =	vst v0  }
0x9f: {  	v5 =	vor.u32 $0x380, v26;
	v4 =	vor.u32 $0x380, v27;
	v2 =	vor.u32 $0x380, v28;
	v25 =	vld.idx.msk [tilespmem:v30+s11+$0x0], $0xffff;
	[tilespmem:s28+$0xFFFFFF70] =	vst v54  }
0xa0: {  	v1 =	vor.u32 $0x380, v21;
	v0 =	vor.u32 $0x380, v22;
	[tilespmem:s28+$0xFFFFFE60] =	vst v55;
	v21 =	vld.idx.msk [tilespmem:v57+s11+$0x0], $0xffff  }
0xa1: {  	[tilespmem:s28+$0xFFFFFE80] =	vst v56;
	v22 =	vld.idx.msk [tilespmem:v31+s11+$0x0], $0xffff  }
0xa2: {  	v27 =	vor.u32 $0x200, v3;
	[tilespmem:s28+$0xFFFFFE90] =	vst v58;
	v26 =	vld.idx.msk [tilespmem:v32+s11+$0x0], $0xffff  }
0xa3: {  	v24 =	vld.idx.msk [tilespmem:v24+s11+$0x0], $0xffff;
	[tilespmem:s28+$0xFFFFFEA0] =	vst v59  }
0xa4: {  	v28 =	vld.idx.msk [tilespmem:v33+s11+$0x0], $0xffff;
	[tilespmem:s28+$0xFFFFFEB0] =	vst v23  }
0xa5: {  	v23 =	vld.idx.msk [tilespmem:v34+s11+$0x0], $0xffff;
	[tilespmem:s28+$0xFFFFFEC0] =	vst v25  }
0xa6: {  	v25 =	vld.idx.msk [tilespmem:v35+s11+$0x0], $0xffff;
	[tilespmem:s28+$0xFFFFFFF0] =	vst v21  }
0xa7: {  	[tilespmem:s28+$0xFFFFFED0] =	vst v22;
	v21 =	vld.idx.msk [tilespmem:v27+s11+$0x0], $0xffff  }
0xa8: {  	v22 =	vld.idx.msk [tilespmem:v36+s11+$0x0], $0xffff;
	[tilespmem:s28+$0xFFFFFEE0] =	vst v26  }
0xa9: {  	v26 =	vor.u32 $0x280, v3;
	[tilespmem:s28+$0xFFFFFF00] =	vst v24;
	v24 =	vld.idx.msk [tilespmem:v37+s11+$0x0], $0xffff  }
0xaa: {  	[tilespmem:s28+$0xFFFFFF10] =	vst v28;
	v27 =	vld.idx.msk [tilespmem:v39+s11+$0x0], $0xffff  }
0xab: {  	v28 =	vld.idx.msk [tilespmem:v38+s11+$0x0], $0xffff;
	[tilespmem:s28+$0xFFFFFF20] =	vst v23  }
0xac: {  	v23 =	vld.idx.msk [tilespmem:v40+s11+$0x0], $0xffff;
	[tilespmem:s28+$0xFFFFFF30] =	vst v25  }
0xad: {  	v25 =	vld.idx.msk [tilespmem:v41+s11+$0x0], $0xffff;
	[tilespmem:s28+$0x70] =	vst v21  }
0xae: {  	[tilespmem:s28+$0xFFFFFF40] =	vst v22;
	v21 =	vld.idx.msk [tilespmem:v26+s11+$0x0], $0xffff  }
0xaf: {  	v22 =	vld.idx.msk [tilespmem:v42+s11+$0x0], $0xffff;
	[tilespmem:s28+$0xFFFFFF50] =	vst v24  }
0xb0: {  	v26 =	vor.u32 $0x300, v3;
	v24 =	vld.idx.msk [tilespmem:v43+s11+$0x0], $0xffff;
	[tilespmem:s28+$0xFFFFFF60] =	vst v27  }
0xb1: {  	[tilespmem:s28+$0xFFFFFF80] =	vst v28;
	v27 =	vld.idx.msk [tilespmem:v44+s11+$0x0], $0xffff  }
0xb2: {  	[tilespmem:s28+$0xFFFFFF90] =	vst v23;
	v23 =	vld.idx.msk [tilespmem:v45+s11+$0x0], $0xffff  }
0xb3: {  	v28 =	vld.idx.msk [tilespmem:v46+s11+$0x0], $0xffff;
	[tilespmem:s28+$0xFFFFFFA0] =	vst v25  }
0xb4: {  	v25 =	vld.idx.msk [tilespmem:v47+s11+$0x0], $0xffff;
	[tilespmem:s28+$0xF0] =	vst v21  }
0xb5: {  	[tilespmem:s28+$0xFFFFFFB0] =	vst v22;
	v21 =	vld.idx.msk [tilespmem:v26+s11+$0x0], $0xffff  }
0xb6: {  	v22 =	vld.idx.msk [tilespmem:v48+s11+$0x0], $0xffff;
	[tilespmem:s28+$0xFFFFFFC0] =	vst v24  }
0xb7: {  	v3 =	vor.u32 $0x380, v3;
	v24 =	vld.idx.msk [tilespmem:v49+s11+$0x0], $0xffff;
	[tilespmem:s28+$0xFFFFFFD0] =	vst v27  }
0xb8: {  	v26 =	vld.idx.msk [tilespmem:v50+s11+$0x0], $0xffff;
	[tilespmem:s28+$0xFFFFFFE0] =	vst v23  }
0xb9: {  	[tilespmem:s28+$0x0] =	vst v28;
	v23 =	vld.idx.msk [tilespmem:v51+s11+$0x0], $0xffff  }
0xba: {  	[tilespmem:s28+$0x10] =	vst v25;
	v25 =	vld.idx.msk [tilespmem:v53+s11+$0x0], $0xffff  }
0xbb: {  	v27 =	vld.idx.msk [tilespmem:v52+s11+$0x0], $0xffff;
	[tilespmem:s28+$0x170] =	vst v21  }
0xbc: {  	[tilespmem:s28+$0x20] =	vst v22;
	v3 =	vld.idx.msk [tilespmem:v3+s11+$0x0], $0xffff  }
0xbd: {  	v18 =	vld.idx.msk [tilespmem:v18+s11+$0x0], $0xffff;
	[tilespmem:s28+$0x30] =	vst v24  }
0xbe: {  	v20 =	vld.idx.msk [tilespmem:v20+s11+$0x0], $0xffff;
	[tilespmem:s28+$0x40] =	vst v26  }
0xbf: {  	v19 =	vld.idx.msk [tilespmem:v19+s11+$0x0], $0xffff;
	[tilespmem:s28+$0x50] =	vst v23  }
0xc0: {  	v21 =	vld.idx.msk [tilespmem:v15+s11+$0x0], $0xffff;
	[tilespmem:s28+$0x60] =	vst v25  }
0xc1: {  	[tilespmem:s28+$0x80] =	vst v27;
	v17 =	vld.idx.msk [tilespmem:v17+s11+$0x0], $0xffff  }
0xc2: {  	v15 =	vld.idx.msk [tilespmem:v16+s11+$0x0], $0xffff;
	[tilespmem:s28+$0x1F0] =	vst v3  }
.Ltmp5:
0xc3: {  	v14 =	vld.idx.msk [tilespmem:v14+s11+$0x0], $0xffff;
	[tilespmem:s28+$0x90] =	vst v18;
	(pc) =	sbr.rel @p2 .LBB2_4-.Ltmp5, $4  }
0xc4: {  	v13 =	vld.idx.msk [tilespmem:v13+s11+$0x0], $0xffff;
	[tilespmem:s28+$0xA0] =	vst v20  }
0xc5: {  	v16 =	vld.idx.msk [tilespmem:v10+s11+$0x0], $0xffff;
	[tilespmem:s28+$0xB0] =	vst v19  }
0xc6: {  	v3 =	vld.idx.msk [tilespmem:v12+s11+$0x0], $0xffff;
	[tilespmem:s28+$0xC0] =	vst v21  }
0xc7: {  	s31 =	sadd.s32 $0x80, s31;
	v10 =	vld.idx.msk [tilespmem:v11+s11+$0x0], $0xffff;
	[tilespmem:s28+$0xD0] =	vst v17  }
0xc8: {  	_ =	sdelay $0x2  }
0xc9: {  	[tilespmem:s28+$0xE0] =	vst v15  }
0xca: {  	[tilespmem:s28+$0x100] =	vst v14;
	v8 =	vld.idx.msk [tilespmem:v8+s11+$0x0], $0xffff  }
0xcb: {  	[tilespmem:s28+$0x110] =	vst v13;
	v9 =	vld.idx.msk [tilespmem:v9+s11+$0x0], $0xffff  }
0xcc: {  	v7 =	vld.idx.msk [tilespmem:v7+s11+$0x0], $0xffff;
	[tilespmem:s28+$0x120] =	vst v16  }
0xcd: {  	v63 =	vld.idx.msk [tilespmem:v6+s11+$0x0], $0xffff;
	[tilespmem:s28+$0x130] =	vst v3  }
0xce: {  	v5 =	vld.idx.msk [tilespmem:v5+s11+$0x0], $0xffff;
	[tilespmem:s28+$0x140] =	vst v10  }
0xcf: {  	v4 =	vld.idx.msk [tilespmem:v4+s11+$0x0], $0xffff;
	[tilespmem:s28+$0x150] =	vst v8  }
0xd0: {  	v2 =	vld.idx.msk [tilespmem:v2+s11+$0x0], $0xffff;
	[tilespmem:s28+$0x160] =	vst v9  }
0xd1: {  	[tilespmem:s28+$0x180] =	vst v7;
	v1 =	vld.idx.msk [tilespmem:v1+s11+$0x0], $0xffff  }
0xd2: {  	[tilespmem:s29+$0x190] =	vst v63;
	v0 =	vld.idx.msk [tilespmem:v0+s11+$0x0], $0xffff  }
0xd3: {  	[tilespmem:s29+$0x1A0] =	vst v5  }
0xd4: {  	s31 =	sshll.u32 s22, $0x11;
	s30 =	sshll.u32 s21, $0xF;
	[tilespmem:s29+$0x1B0] =	vst v4  }
0xd5: {  	s28 =	sor.u32 s30, s31;
	[tilespmem:s29+$0x1C0] =	vst v2  }
0xd6: {  	s28 =	sshrl.u32 s28, $0x3;
	[tilespmem:s29+$0x1D0] =	vst v1  }
0xd7: {  	s28 =	sadd.s32 s2, s28;
	[tilespmem:s29+$0x1E0] =	vst v0  }
0xd8: {  	[hbm4b:s28+s4] =	stream.linear.scatter [tilespmem:s13], [sflag:$0x1], $0x8000, $0x38;
	[tilespmem:$0x18000] =	vst v63  }
.LBB2_6:
0xd9: {  	p2 =	sne.s32 s26, $0x0;
	p1 =	por !p1, !p1  }
0xda: {  	p1 =	por p2, p1  }
.Ltmp6:
0xdb: {  	_ = 	snop;
	(pc) =	sbr.rel @p1 .LBB2_10-.Ltmp6, $1  }
0xdc: {  	_ =	sdelay $0x3  }
0xdd: {  	v0 =	vld [tilespmem:s23+$0x30];
	_ =	sdelay $0x3  }
0xde: {  	v1 =	vld [tilespmem:s23+$0xFFFFFFD0]  }
0xdf: {  	v2 =	vshll.u32 v0, $0x3  }
0xe0: {  	v3 =	vld [tilespmem:s23+$0xFFFFFFE0];
	v0 =	vand.u32 $0x7F, v0;
	v2 =	vand.u32 $0xFFFFFC00, v2  }
0xe1: {  	v5 =	vld [tilespmem:s23+$0xFFFFFFC0];
	v4 =	vor.u32 v0, v2;
	_ =	sdelay $0x1  }
0xe2: {  	v2 =	vld [tilespmem:s23+$0xFFFFFFF0];
	v0 =	vshll.u32 v1, $0x3  }
0xe3: {  	v7 =	vld [tilespmem:s23+$0x10];
	v1 =	vand.u32 $0x7F, v1;
	v8 =	vand.u32 $0xFFFFFC00, v0  }
0xe4: {  	v6 =	vld [tilespmem:s23+$0x0];
	v0 =	vshll.u32 v3, $0x3;
	v1 =	vor.u32 v1, v8  }
0xe5: {  	v11 =	vor.u32 $0x80, v4;
	v9 =	vand.u32 $0xFFFFFC00, v0;
	v0 =	vshll.u32 v5, $0x3;
	v10 =	vld.idx.msk [tilespmem:v4+s14+$0x0], $0xffff  }
0xe6: {  	v12 =	vld [tilespmem:s23+$0x20];
	v3 =	vand.u32 $0x7F, v3;
	v5 =	vand.u32 $0x7F, v5;
	v0 =	vand.u32 $0xFFFFFC00, v0  }
0xe7: {  	v0 =	vor.u32 v5, v0;
	v13 =	vshll.u32 v2, $0x3;
	v8 =	vand.u32 $0x7F, v2  }
0xe8: {  	v2 =	vor.u32 v3, v9;
	v9 =	vshll.u32 v7, $0x3;
	v5 =	vand.u32 $0xFFFFFC00, v13  }
0xe9: {  	s28 =	simm.s32 $0x8200;
	v13 =	vshll.u32 v6, $0x3;
	v3 =	vor.u32 v8, v5;
	v5 =	vand.u32 $0xFFFFFC00, v9;
	v9 =	vld.idx.msk [tilespmem:v1+s14+$0x0], $0xffff  }
0xea: {  	v15 =	vor.u32 $0x80, v1;
	v6 =	vand.u32 $0x7F, v6;
	v13 =	vand.u32 $0xFFFFFC00, v13;
	[tilespmem:s28+$0xFFFFFE70] =	vst v10  }
0xeb: {  	v7 =	vand.u32 $0x7F, v7;
	v8 =	vshll.u32 v12, $0x3;
	v10 =	vor.u32 v6, v13;
	v6 =	vld.idx.msk [tilespmem:v11+s14+$0x0], $0xffff  }
0xec: {  	v11 =	vor.u32 v7, v5;
	v5 =	vld.idx.msk [tilespmem:v0+s14+$0x0], $0xffff;
	v7 =	vand.u32 $0xFFFFFC00, v8;
	v8 =	vand.u32 $0x7F, v12  }
0xed: {  	v13 =	vor.u32 $0x100, v4;
	v12 =	vor.u32 v8, v7;
	v7 =	vld.idx.msk [tilespmem:v2+s14+$0x0], $0xffff  }
0xee: {  	v8 =	vor.u32 $0x80, v0;
	v14 =	vld.idx.msk [tilespmem:v3+s14+$0x0], $0xffff;
	[tilespmem:s28+$0xFFFFFE10] =	vst v9  }
0xef: {  	v15 =	vld.idx.msk [tilespmem:v15+s14+$0x0], $0xffff  }
0xf0: {  	v17 =	vor.u32 $0x80, v2;
	v16 =	vld.idx.msk [tilespmem:v10+s14+$0x0], $0xffff  }
0xf1: {  	v18 =	vld.idx.msk [tilespmem:v11+s14+$0x0], $0xffff;
	[tilespmem:s28+$0xFFFFFEF0] =	vst v6;
	v6 =	vor.u32 $0x80, v3  }
0xf2: {  	[tilespmem:s28+$0xFFFFFE00] =	vst v5;
	v5 =	vld.idx.msk [tilespmem:v13+s14+$0x0], $0xffff;
	v13 =	vor.u32 $0x80, v10  }
0xf3: {  	v19 =	vor.u32 $0x80, v11;
	v8 =	vld.idx.msk [tilespmem:v8+s14+$0x0], $0xffff;
	[tilespmem:s28+$0xFFFFFE20] =	vst v7  }
0xf4: {  	v9 =	vld.idx.msk [tilespmem:v12+s14+$0x0], $0xffff;
	v7 =	vor.u32 $0x180, v4;
	[tilespmem:s28+$0xFFFFFE30] =	vst v14  }
0xf5: {  	v14 =	vor.u32 $0x80, v12;
	v17 =	vld.idx.msk [tilespmem:v17+s14+$0x0], $0xffff;
	[tilespmem:s28+$0xFFFFFE40] =	vst v16  }
0xf6: {  	v16 =	vor.u32 $0x100, v0;
	v6 =	vld.idx.msk [tilespmem:v6+s14+$0x0], $0xffff;
	[tilespmem:s28+$0xFFFFFE50] =	vst v18  }
0xf7: {  	v18 =	vor.u32 $0x100, v1;
	v13 =	vld.idx.msk [tilespmem:v13+s14+$0x0], $0xffff;
	[tilespmem:s28+$0xFFFFFF70] =	vst v5  }
0xf8: {  	v5 =	vor.u32 $0x100, v2;
	[tilespmem:s28+$0xFFFFFE80] =	vst v8;
	v8 =	vld.idx.msk [tilespmem:v19+s14+$0x0], $0xffff  }
0xf9: {  	[tilespmem:s28+$0xFFFFFE60] =	vst v9;
	v9 =	vor.u32 $0x100, v3;
	v7 =	vld.idx.msk [tilespmem:v7+s14+$0x0], $0xffff  }
0xfa: {  	[tilespmem:s28+$0xFFFFFE90] =	vst v15;
	v19 =	vor.u32 $0x100, v10;
	v14 =	vld.idx.msk [tilespmem:v14+s14+$0x0], $0xffff  }
0xfb: {  	[tilespmem:s28+$0xFFFFFEA0] =	vst v17;
	v17 =	vor.u32 $0x100, v11;
	v16 =	vld.idx.msk [tilespmem:v16+s14+$0x0], $0xffff  }
0xfc: {  	v15 =	vor.u32 $0x200, v4;
	v18 =	vld.idx.msk [tilespmem:v18+s14+$0x0], $0xffff;
	[tilespmem:s28+$0xFFFFFEB0] =	vst v6  }
0xfd: {  	v6 =	vor.u32 $0x100, v12;
	v5 =	vld.idx.msk [tilespmem:v5+s14+$0x0], $0xffff;
	[tilespmem:s28+$0xFFFFFEC0] =	vst v13  }
0xfe: {  	v13 =	vor.u32 $0x180, v0;
	v9 =	vld.idx.msk [tilespmem:v9+s14+$0x0], $0xffff;
	[tilespmem:s28+$0xFFFFFED0] =	vst v8  }
0xff: {  	[tilespmem:s28+$0xFFFFFFF0] =	vst v7;
	v7 =	vor.u32 $0x180, v1;
	v19 =	vld.idx.msk [tilespmem:v19+s14+$0x0], $0xffff  }
0x100: {  	[tilespmem:s28+$0xFFFFFEE0] =	vst v14;
	v14 =	vld.idx.msk [tilespmem:v17+s14+$0x0], $0xffff;
	v17 =	vor.u32 $0x180, v3  }
0x101: {  	v8 =	vld.idx.msk [tilespmem:v15+s14+$0x0], $0xffff;
	v15 =	vor.u32 $0x180, v2;
	[tilespmem:s28+$0xFFFFFF00] =	vst v16  }
0x102: {  	v16 =	vor.u32 $0x280, v4;
	[tilespmem:s28+$0xFFFFFF10] =	vst v18;
	v6 =	vld.idx.msk [tilespmem:v6+s14+$0x0], $0xffff  }
0x103: {  	v18 =	vor.u32 $0x180, v10;
	v13 =	vld.idx.msk [tilespmem:v13+s14+$0x0], $0xffff;
	[tilespmem:s28+$0xFFFFFF20] =	vst v5  }
0x104: {  	v5 =	vor.u32 $0x180, v11;
	[tilespmem:s28+$0xFFFFFF30] =	vst v9;
	v7 =	vld.idx.msk [tilespmem:v7+s14+$0x0], $0xffff  }
0x105: {  	v9 =	vor.u32 $0x180, v12;
	[tilespmem:s28+$0xFFFFFF40] =	vst v19;
	v17 =	vld.idx.msk [tilespmem:v17+s14+$0x0], $0xffff  }
0x106: {  	v15 =	vld.idx.msk [tilespmem:v15+s14+$0x0], $0xffff;
	[tilespmem:s28+$0x70] =	vst v8;
	v8 =	vor.u32 $0x200, v0  }
0x107: {  	v19 =	vor.u32 $0x200, v1;
	[tilespmem:s28+$0xFFFFFF50] =	vst v14;
	v16 =	vld.idx.msk [tilespmem:v16+s14+$0x0], $0xffff  }
0x108: {  	v14 =	vld.idx.msk [tilespmem:v18+s14+$0x0], $0xffff;
	[tilespmem:s28+$0xFFFFFF60] =	vst v6;
	v6 =	vor.u32 $0x300, v4  }
0x109: {  	v18 =	vor.u32 $0x200, v2;
	[tilespmem:s28+$0xFFFFFF80] =	vst v13;
	v5 =	vld.idx.msk [tilespmem:v5+s14+$0x0], $0xffff  }
0x10a: {  	v13 =	vor.u32 $0x200, v3;
	[tilespmem:s28+$0xFFFFFF90] =	vst v7;
	v7 =	vld.idx.msk [tilespmem:v9+s14+$0x0], $0xffff  }
0x10b: {  	v9 =	vor.u32 $0x200, v10;
	v8 =	vld.idx.msk [tilespmem:v8+s14+$0x0], $0xffff;
	[tilespmem:s28+$0xFFFFFFA0] =	vst v15  }
0x10c: {  	v15 =	vor.u32 $0x200, v11;
	v19 =	vld.idx.msk [tilespmem:v19+s14+$0x0], $0xffff;
	[tilespmem:s28+$0xF0] =	vst v16  }
0x10d: {  	[tilespmem:s28+$0xFFFFFFB0] =	vst v17;
	v16 =	vor.u32 $0x200, v12;
	v6 =	vld.idx.msk [tilespmem:v6+s14+$0x0], $0xffff  }
0x10e: {  	v17 =	vor.u32 $0x280, v0;
	v18 =	vld.idx.msk [tilespmem:v18+s14+$0x0], $0xffff;
	[tilespmem:s28+$0xFFFFFFC0] =	vst v14  }
0x10f: {  	v4 =	vor.u32 $0x380, v4;
	v13 =	vld.idx.msk [tilespmem:v13+s14+$0x0], $0xffff;
	[tilespmem:s28+$0xFFFFFFD0] =	vst v5  }
0x110: {  	v5 =	vor.u32 $0x280, v1;
	v9 =	vld.idx.msk [tilespmem:v9+s14+$0x0], $0xffff;
	[tilespmem:s28+$0xFFFFFFE0] =	vst v7  }
0x111: {  	v7 =	vor.u32 $0x280, v2;
	[tilespmem:s28+$0x0] =	vst v8;
	v8 =	vld.idx.msk [tilespmem:v15+s14+$0x0], $0xffff  }
0x112: {  	v14 =	vor.u32 $0x280, v3;
	[tilespmem:s28+$0x10] =	vst v19;
	v15 =	vld.idx.msk [tilespmem:v16+s14+$0x0], $0xffff  }
0x113: {  	v16 =	vor.u32 $0x280, v10;
	v17 =	vld.idx.msk [tilespmem:v17+s14+$0x0], $0xffff;
	[tilespmem:s28+$0x170] =	vst v6  }
0x114: {  	v6 =	vor.u32 $0x280, v11;
	[tilespmem:s28+$0x20] =	vst v18;
	v4 =	vld.idx.msk [tilespmem:v4+s14+$0x0], $0xffff  }
0x115: {  	v18 =	vor.u32 $0x280, v12;
	v5 =	vld.idx.msk [tilespmem:v5+s14+$0x0], $0xffff;
	[tilespmem:s28+$0x30] =	vst v13  }
0x116: {  	v13 =	vor.u32 $0x300, v0;
	v7 =	vld.idx.msk [tilespmem:v7+s14+$0x0], $0xffff;
	[tilespmem:s28+$0x40] =	vst v9  }
0x117: {  	v9 =	vor.u32 $0x300, v1;
	v19 =	vld.idx.msk [tilespmem:v14+s14+$0x0], $0xffff;
	[tilespmem:s28+$0x50] =	vst v8  }
0x118: {  	v20 =	vor.u32 $0x300, v2;
	v21 =	vld.idx.msk [tilespmem:v16+s14+$0x0], $0xffff;
	[tilespmem:s28+$0x60] =	vst v15  }
0x119: {  	v22 =	vor.u32 $0x300, v3;
	[tilespmem:s28+$0x80] =	vst v17;
	v17 =	vld.idx.msk [tilespmem:v6+s14+$0x0], $0xffff  }
0x11a: {  	v23 =	vor.u32 $0x300, v10;
	v15 =	vld.idx.msk [tilespmem:v18+s14+$0x0], $0xffff;
	[tilespmem:s28+$0x1F0] =	vst v4  }
0x11b: {  	v14 =	vld.idx.msk [tilespmem:v13+s14+$0x0], $0xffff;
	[tilespmem:s28+$0x90] =	vst v5  }
0x11c: {  	v13 =	vld.idx.msk [tilespmem:v9+s14+$0x0], $0xffff;
	[tilespmem:s28+$0xA0] =	vst v7  }
0x11d: {  	v8 =	vor.u32 $0x300, v11;
	v6 =	vor.u32 $0x380, v1;
	v1 =	vor.u32 $0x380, v11;
	[tilespmem:s28+$0xB0] =	vst v19;
	v16 =	vld.idx.msk [tilespmem:v20+s14+$0x0], $0xffff  }
0x11e: {  	v5 =	vor.u32 $0x380, v2;
	v4 =	vor.u32 $0x380, v3;
	v2 =	vor.u32 $0x380, v10;
	v3 =	vld.idx.msk [tilespmem:v22+s14+$0x0], $0xffff;
	[tilespmem:s28+$0xC0] =	vst v21  }
0x11f: {  	s30 =	simm.s32 $0x0;
	s31 =	sadd.s32 $0x80, s23;
	s29 =	simm.s32 $0x8200;
	v7 =	vor.u32 $0x380, v0;
	v9 =	vor.u32 $0x300, v12;
	v0 =	vor.u32 $0x380, v12;
	v10 =	vld.idx.msk [tilespmem:v23+s14+$0x0], $0xffff;
	[tilespmem:s28+$0xD0] =	vst v17  }
.LBB2_8:
0x120: {  	v11 =	vld [tilespmem:s31+$0x30];
	s30 =	sadd.s32 $0x8, s30;
	[tilespmem:s28+$0xE0] =	vst v15  }
0x121: {  	v12 =	vld [tilespmem:s31+$0xFFFFFFD0];
	p1 =	slt.u32 s30, $0xF8;
	[tilespmem:s28+$0x100] =	vst v14  }
0x122: {  	v14 =	vld [tilespmem:s31+$0xFFFFFFE0];
	[tilespmem:s28+$0x110] =	vst v13  }
0x123: {  	v13 =	vld [tilespmem:s31+$0xFFFFFFF0];
	[tilespmem:s28+$0x120] =	vst v16  }
0x124: {  	v15 =	vld [tilespmem:s31+$0x0];
	[tilespmem:s28+$0x130] =	vst v3  }
0x125: {  	v16 =	vld [tilespmem:s31+$0x10];
	v3 =	vshll.u32 v11, $0x3;
	[tilespmem:s28+$0x140] =	vst v10  }
0x126: {  	v11 =	vand.u32 $0x7F, v11;
	v10 =	vshll.u32 v12, $0x3;
	v17 =	vld [tilespmem:s31+$0x20];
	v3 =	vand.u32 $0xFFFFFC00, v3  }
0x127: {  	v18 =	vld [tilespmem:s31+$0xFFFFFFC0];
	v10 =	vand.u32 $0xFFFFFC00, v10;
	v19 =	vshll.u32 v14, $0x3;
	v3 =	vor.u32 v11, v3  }
0x128: {  	v11 =	vand.u32 $0x7F, v12;
	v12 =	vand.u32 $0xFFFFFC00, v19;
	v19 =	vshll.u32 v13, $0x3;
	v8 =	vld.idx.msk [tilespmem:v8+s14+$0x0], $0xffff  }
0x129: {  	v14 =	vand.u32 $0x7F, v14;
	v19 =	vand.u32 $0xFFFFFC00, v19;
	v20 =	vshll.u32 v15, $0x3;
	v9 =	vld.idx.msk [tilespmem:v9+s14+$0x0], $0xffff  }
0x12a: {  	v13 =	vand.u32 $0x7F, v13;
	v20 =	vand.u32 $0xFFFFFC00, v20;
	v21 =	vshll.u32 v16, $0x3;
	v7 =	vld.idx.msk [tilespmem:v7+s14+$0x0], $0xffff  }
0x12b: {  	v15 =	vand.u32 $0x7F, v15;
	v21 =	vand.u32 $0xFFFFFC00, v21;
	v22 =	vshll.u32 v17, $0x3;
	v6 =	vld.idx.msk [tilespmem:v6+s14+$0x0], $0xffff  }
0x12c: {  	v23 =	vand.u32 $0x7F, v18;
	v18 =	vshll.u32 v18, $0x3;
	v22 =	vand.u32 $0xFFFFFC00, v22;
	v24 =	vld.idx.msk [tilespmem:v3+s14+$0x0], $0xffff  }
0x12d: {  	v16 =	vand.u32 $0x7F, v16;
	v17 =	vand.u32 $0x7F, v17;
	v18 =	vand.u32 $0xFFFFFC00, v18;
	v5 =	vld.idx.msk [tilespmem:v5+s14+$0x0], $0xffff  }
0x12e: {  	v25 =	vor.u32 v11, v10;
	v10 =	vor.u32 $0x80, v3;
	v23 =	vor.u32 v23, v18;
	v4 =	vld.idx.msk [tilespmem:v4+s14+$0x0], $0xffff;
	[tilespmem:s28+$0x150] =	vst v8  }
0x12f: {  	v26 =	vor.u32 v14, v12;
	v27 =	vor.u32 v13, v19;
	v28 =	vor.u32 v15, v20;
	[tilespmem:s28+$0x160] =	vst v9  }
0x130: {  	v21 =	vor.u32 v16, v21;
	v22 =	vor.u32 v17, v22;
	v8 =	vor.u32 $0x80, v23;
	[tilespmem:s28+$0x180] =	vst v7;
	v2 =	vld.idx.msk [tilespmem:v2+s14+$0x0], $0xffff  }
0x131: {  	v29 =	vor.u32 $0x80, v27;
	v9 =	vor.u32 $0x80, v26;
	v7 =	vor.u32 $0x80, v25;
	s28 =	sadd.s32 $0x400, s28;
	[tilespmem:s29+$0x190] =	vst v6;
	v1 =	vld.idx.msk [tilespmem:v1+s14+$0x0], $0xffff  }
0x132: {  	v30 =	vor.u32 $0x80, v28;
	v31 =	vor.u32 $0x80, v21;
	v32 =	vor.u32 $0x80, v22;
	[tilespmem:s28+$0xFFFFFE70] =	vst v24;
	v0 =	vld.idx.msk [tilespmem:v0+s14+$0x0], $0xffff  }
0x133: {  	v33 =	vor.u32 $0x100, v25;
	v34 =	vor.u32 $0x100, v26;
	v24 =	vor.u32 $0x100, v23;
	v6 =	vld.idx.msk [tilespmem:v10+s14+$0x0], $0xffff;
	[tilespmem:s29+$0x1A0] =	vst v5  }
0x134: {  	v35 =	vor.u32 $0x100, v27;
	v36 =	vor.u32 $0x100, v28;
	v37 =	vor.u32 $0x100, v21;
	v5 =	vld.idx.msk [tilespmem:v23+s14+$0x0], $0xffff;
	[tilespmem:s29+$0x1B0] =	vst v4  }
0x135: {  	v39 =	vor.u32 $0x100, v22;
	v38 =	vor.u32 $0x180, v23;
	v10 =	vor.u32 $0x100, v3;
	v4 =	vld.idx.msk [tilespmem:v25+s14+$0x0], $0xffff  }
0x136: {  	v40 =	vor.u32 $0x180, v25;
	v41 =	vor.u32 $0x180, v26;
	v42 =	vor.u32 $0x180, v27;
	v11 =	vld.idx.msk [tilespmem:v26+s14+$0x0], $0xffff;
	[tilespmem:s29+$0x1C0] =	vst v2  }
0x137: {  	v43 =	vor.u32 $0x180, v28;
	v44 =	vor.u32 $0x180, v21;
	v45 =	vor.u32 $0x180, v22;
	v2 =	vld.idx.msk [tilespmem:v27+s14+$0x0], $0xffff;
	[tilespmem:s29+$0x1D0] =	vst v1  }
0x138: {  	v47 =	vor.u32 $0x200, v25;
	v48 =	vor.u32 $0x200, v26;
	v46 =	vor.u32 $0x200, v23;
	v1 =	vld.idx.msk [tilespmem:v28+s14+$0x0], $0xffff;
	[tilespmem:s29+$0x1E0] =	vst v0;
	s29 =	smov.u32 s28  }
0x139: {  	v49 =	vor.u32 $0x200, v27;
	v50 =	vor.u32 $0x200, v28;
	v51 =	vor.u32 $0x200, v21;
	v0 =	vld.idx.msk [tilespmem:v21+s14+$0x0], $0xffff;
	[tilespmem:s28+$0xFFFFFEF0] =	vst v6  }
0x13a: {  	v18 =	vor.u32 $0x280, v25;
	v53 =	vor.u32 $0x200, v22;
	v52 =	vor.u32 $0x280, v23;
	[tilespmem:s28+$0xFFFFFE00] =	vst v5;
	v54 =	vld.idx.msk [tilespmem:v10+s14+$0x0], $0xffff  }
0x13b: {  	v20 =	vor.u32 $0x280, v26;
	v19 =	vor.u32 $0x280, v27;
	v15 =	vor.u32 $0x280, v28;
	[tilespmem:s28+$0xFFFFFE10] =	vst v4;
	v55 =	vld.idx.msk [tilespmem:v22+s14+$0x0], $0xffff  }
0x13c: {  	v57 =	vor.u32 $0x180, v3;
	v17 =	vor.u32 $0x280, v21;
	v16 =	vor.u32 $0x280, v22;
	v56 =	vld.idx.msk [tilespmem:v8+s14+$0x0], $0xffff;
	[tilespmem:s28+$0xFFFFFE20] =	vst v11  }
0x13d: {  	v13 =	vor.u32 $0x300, v25;
	v14 =	vor.u32 $0x300, v23;
	v10 =	vor.u32 $0x300, v26;
	v58 =	vld.idx.msk [tilespmem:v7+s14+$0x0], $0xffff;
	[tilespmem:s28+$0xFFFFFE30] =	vst v2  }
0x13e: {  	v12 =	vor.u32 $0x300, v27;
	v11 =	vor.u32 $0x300, v28;
	v8 =	vor.u32 $0x300, v21;
	v59 =	vld.idx.msk [tilespmem:v9+s14+$0x0], $0xffff;
	[tilespmem:s28+$0xFFFFFE40] =	vst v1  }
0x13f: {  	v6 =	vor.u32 $0x380, v25;
	v7 =	vor.u32 $0x380, v23;
	v9 =	vor.u32 $0x300, v22;
	v23 =	vld.idx.msk [tilespmem:v29+s14+$0x0], $0xffff;
	[tilespmem:s28+$0xFFFFFE50] =	vst v0  }
0x140: {  	v5 =	vor.u32 $0x380, v26;
	v4 =	vor.u32 $0x380, v27;
	v2 =	vor.u32 $0x380, v28;
	v25 =	vld.idx.msk [tilespmem:v30+s14+$0x0], $0xffff;
	[tilespmem:s28+$0xFFFFFF70] =	vst v54  }
0x141: {  	v1 =	vor.u32 $0x380, v21;
	v0 =	vor.u32 $0x380, v22;
	[tilespmem:s28+$0xFFFFFE60] =	vst v55;
	v21 =	vld.idx.msk [tilespmem:v57+s14+$0x0], $0xffff  }
0x142: {  	[tilespmem:s28+$0xFFFFFE80] =	vst v56;
	v22 =	vld.idx.msk [tilespmem:v31+s14+$0x0], $0xffff  }
0x143: {  	v27 =	vor.u32 $0x200, v3;
	[tilespmem:s28+$0xFFFFFE90] =	vst v58;
	v26 =	vld.idx.msk [tilespmem:v32+s14+$0x0], $0xffff  }
0x144: {  	v24 =	vld.idx.msk [tilespmem:v24+s14+$0x0], $0xffff;
	[tilespmem:s28+$0xFFFFFEA0] =	vst v59  }
0x145: {  	v28 =	vld.idx.msk [tilespmem:v33+s14+$0x0], $0xffff;
	[tilespmem:s28+$0xFFFFFEB0] =	vst v23  }
0x146: {  	v23 =	vld.idx.msk [tilespmem:v34+s14+$0x0], $0xffff;
	[tilespmem:s28+$0xFFFFFEC0] =	vst v25  }
0x147: {  	v25 =	vld.idx.msk [tilespmem:v35+s14+$0x0], $0xffff;
	[tilespmem:s28+$0xFFFFFFF0] =	vst v21  }
0x148: {  	[tilespmem:s28+$0xFFFFFED0] =	vst v22;
	v21 =	vld.idx.msk [tilespmem:v27+s14+$0x0], $0xffff  }
0x149: {  	v22 =	vld.idx.msk [tilespmem:v36+s14+$0x0], $0xffff;
	[tilespmem:s28+$0xFFFFFEE0] =	vst v26  }
0x14a: {  	v26 =	vor.u32 $0x280, v3;
	[tilespmem:s28+$0xFFFFFF00] =	vst v24;
	v24 =	vld.idx.msk [tilespmem:v37+s14+$0x0], $0xffff  }
0x14b: {  	[tilespmem:s28+$0xFFFFFF10] =	vst v28;
	v27 =	vld.idx.msk [tilespmem:v39+s14+$0x0], $0xffff  }
0x14c: {  	v28 =	vld.idx.msk [tilespmem:v38+s14+$0x0], $0xffff;
	[tilespmem:s28+$0xFFFFFF20] =	vst v23  }
0x14d: {  	v23 =	vld.idx.msk [tilespmem:v40+s14+$0x0], $0xffff;
	[tilespmem:s28+$0xFFFFFF30] =	vst v25  }
0x14e: {  	v25 =	vld.idx.msk [tilespmem:v41+s14+$0x0], $0xffff;
	[tilespmem:s28+$0x70] =	vst v21  }
0x14f: {  	[tilespmem:s28+$0xFFFFFF40] =	vst v22;
	v21 =	vld.idx.msk [tilespmem:v26+s14+$0x0], $0xffff  }
0x150: {  	v22 =	vld.idx.msk [tilespmem:v42+s14+$0x0], $0xffff;
	[tilespmem:s28+$0xFFFFFF50] =	vst v24  }
0x151: {  	v26 =	vor.u32 $0x300, v3;
	v24 =	vld.idx.msk [tilespmem:v43+s14+$0x0], $0xffff;
	[tilespmem:s28+$0xFFFFFF60] =	vst v27  }
0x152: {  	[tilespmem:s28+$0xFFFFFF80] =	vst v28;
	v27 =	vld.idx.msk [tilespmem:v44+s14+$0x0], $0xffff  }
0x153: {  	[tilespmem:s28+$0xFFFFFF90] =	vst v23;
	v23 =	vld.idx.msk [tilespmem:v45+s14+$0x0], $0xffff  }
0x154: {  	v28 =	vld.idx.msk [tilespmem:v46+s14+$0x0], $0xffff;
	[tilespmem:s28+$0xFFFFFFA0] =	vst v25  }
0x155: {  	v25 =	vld.idx.msk [tilespmem:v47+s14+$0x0], $0xffff;
	[tilespmem:s28+$0xF0] =	vst v21  }
0x156: {  	[tilespmem:s28+$0xFFFFFFB0] =	vst v22;
	v21 =	vld.idx.msk [tilespmem:v26+s14+$0x0], $0xffff  }
0x157: {  	v22 =	vld.idx.msk [tilespmem:v48+s14+$0x0], $0xffff;
	[tilespmem:s28+$0xFFFFFFC0] =	vst v24  }
0x158: {  	v3 =	vor.u32 $0x380, v3;
	v24 =	vld.idx.msk [tilespmem:v49+s14+$0x0], $0xffff;
	[tilespmem:s28+$0xFFFFFFD0] =	vst v27  }
0x159: {  	v26 =	vld.idx.msk [tilespmem:v50+s14+$0x0], $0xffff;
	[tilespmem:s28+$0xFFFFFFE0] =	vst v23  }
0x15a: {  	[tilespmem:s28+$0x0] =	vst v28;
	v23 =	vld.idx.msk [tilespmem:v51+s14+$0x0], $0xffff  }
0x15b: {  	[tilespmem:s28+$0x10] =	vst v25;
	v25 =	vld.idx.msk [tilespmem:v53+s14+$0x0], $0xffff  }
0x15c: {  	v27 =	vld.idx.msk [tilespmem:v52+s14+$0x0], $0xffff;
	[tilespmem:s28+$0x170] =	vst v21  }
0x15d: {  	[tilespmem:s28+$0x20] =	vst v22;
	v3 =	vld.idx.msk [tilespmem:v3+s14+$0x0], $0xffff  }
0x15e: {  	v18 =	vld.idx.msk [tilespmem:v18+s14+$0x0], $0xffff;
	[tilespmem:s28+$0x30] =	vst v24  }
0x15f: {  	v20 =	vld.idx.msk [tilespmem:v20+s14+$0x0], $0xffff;
	[tilespmem:s28+$0x40] =	vst v26  }
0x160: {  	v19 =	vld.idx.msk [tilespmem:v19+s14+$0x0], $0xffff;
	[tilespmem:s28+$0x50] =	vst v23  }
0x161: {  	v21 =	vld.idx.msk [tilespmem:v15+s14+$0x0], $0xffff;
	[tilespmem:s28+$0x60] =	vst v25  }
0x162: {  	[tilespmem:s28+$0x80] =	vst v27;
	v17 =	vld.idx.msk [tilespmem:v17+s14+$0x0], $0xffff  }
0x163: {  	v15 =	vld.idx.msk [tilespmem:v16+s14+$0x0], $0xffff;
	[tilespmem:s28+$0x1F0] =	vst v3  }
.Ltmp7:
0x164: {  	v14 =	vld.idx.msk [tilespmem:v14+s14+$0x0], $0xffff;
	[tilespmem:s28+$0x90] =	vst v18;
	(pc) =	sbr.rel @p1 .LBB2_8-.Ltmp7, $4  }
0x165: {  	v13 =	vld.idx.msk [tilespmem:v13+s14+$0x0], $0xffff;
	[tilespmem:s28+$0xA0] =	vst v20  }
0x166: {  	v16 =	vld.idx.msk [tilespmem:v10+s14+$0x0], $0xffff;
	[tilespmem:s28+$0xB0] =	vst v19  }
0x167: {  	v3 =	vld.idx.msk [tilespmem:v12+s14+$0x0], $0xffff;
	[tilespmem:s28+$0xC0] =	vst v21  }
0x168: {  	s31 =	sadd.s32 $0x80, s31;
	v10 =	vld.idx.msk [tilespmem:v11+s14+$0x0], $0xffff;
	[tilespmem:s28+$0xD0] =	vst v17  }
0x169: {  	_ =	sdelay $0x2  }
0x16a: {  	[tilespmem:s28+$0xE0] =	vst v15  }
0x16b: {  	[tilespmem:s28+$0x100] =	vst v14;
	v8 =	vld.idx.msk [tilespmem:v8+s14+$0x0], $0xffff  }
0x16c: {  	[tilespmem:s28+$0x110] =	vst v13;
	v9 =	vld.idx.msk [tilespmem:v9+s14+$0x0], $0xffff  }
0x16d: {  	v7 =	vld.idx.msk [tilespmem:v7+s14+$0x0], $0xffff;
	[tilespmem:s28+$0x120] =	vst v16  }
0x16e: {  	v63 =	vld.idx.msk [tilespmem:v6+s14+$0x0], $0xffff;
	[tilespmem:s28+$0x130] =	vst v3  }
0x16f: {  	v5 =	vld.idx.msk [tilespmem:v5+s14+$0x0], $0xffff;
	[tilespmem:s28+$0x140] =	vst v10  }
0x170: {  	v4 =	vld.idx.msk [tilespmem:v4+s14+$0x0], $0xffff;
	[tilespmem:s28+$0x150] =	vst v8  }
0x171: {  	v2 =	vld.idx.msk [tilespmem:v2+s14+$0x0], $0xffff;
	[tilespmem:s28+$0x160] =	vst v9  }
0x172: {  	[tilespmem:s28+$0x180] =	vst v7;
	v1 =	vld.idx.msk [tilespmem:v1+s14+$0x0], $0xffff  }
0x173: {  	[tilespmem:s29+$0x190] =	vst v63;
	v0 =	vld.idx.msk [tilespmem:v0+s14+$0x0], $0xffff  }
0x174: {  	[tilespmem:s29+$0x1A0] =	vst v5  }
0x175: {  	s31 =	sshll.u32 s22, $0x11;
	s30 =	sshll.u32 s21, $0xF;
	[tilespmem:s29+$0x1B0] =	vst v4  }
0x176: {  	s28 =	sor.u32 s30, s31;
	[tilespmem:s29+$0x1C0] =	vst v2  }
0x177: {  	s28 =	sshrl.u32 s28, $0x3;
	[tilespmem:s29+$0x1D0] =	vst v1  }
0x178: {  	s28 =	sadd.s32 s2, s28;
	[tilespmem:s29+$0x1E0] =	vst v0  }
0x179: {  	[hbm4b:s28+s4] =	stream.linear.scatter [tilespmem:s13], [sflag:$0x1], $0x8000, $0x38;
	[tilespmem:$0x18000] =	vst v63  }
.LBB2_10:
0x17a: {  	p1 =	seq.s32 s26, $0x1  }
0x17b: {  	p2 =	sne.s32 s25, $0x0;
	p0 =	por !p1, p0;
	p1 =	por !p1, !p1  }
0x17c: {  	p1 =	por p2, p1  }
.Ltmp8:
0x17d: {  	_ = 	snop;
	(pc) =	sbr.rel @p1 .LBB2_14-.Ltmp8, $4  }
0x17e: {  	s26 =	simm.s32 @!p0 $0x2  }
0x17f: {  	_ =	swait.ge @!p0 [sflag:s26], $0x8000  }
0x180: {  	[sflag:s26] =	ssyncset.done @!p0 $0x0  }
0x181: {  	[sflag:s26] =	ssyncadd.s32 @!p0 $0xFFFF8000  }
0x182: {  	v0 =	vld [tilespmem:s23+$0x30];
	_ =	sdelay $0x3  }
0x183: {  	v1 =	vld [tilespmem:s23+$0xFFFFFFD0]  }
0x184: {  	v2 =	vshll.u32 v0, $0x3  }
0x185: {  	v3 =	vld [tilespmem:s23+$0xFFFFFFE0];
	v0 =	vand.u32 $0x7F, v0;
	v2 =	vand.u32 $0xFFFFFC00, v2  }
0x186: {  	v5 =	vld [tilespmem:s23+$0xFFFFFFC0];
	v4 =	vor.u32 v0, v2;
	_ =	sdelay $0x1  }
0x187: {  	v2 =	vld [tilespmem:s23+$0xFFFFFFF0];
	v0 =	vshll.u32 v1, $0x3  }
0x188: {  	v7 =	vld [tilespmem:s23+$0x10];
	v1 =	vand.u32 $0x7F, v1;
	v8 =	vand.u32 $0xFFFFFC00, v0  }
0x189: {  	v6 =	vld [tilespmem:s23+$0x0];
	v0 =	vshll.u32 v3, $0x3;
	v1 =	vor.u32 v1, v8  }
0x18a: {  	v11 =	vor.u32 $0x80, v4;
	v9 =	vand.u32 $0xFFFFFC00, v0;
	v0 =	vshll.u32 v5, $0x3;
	v10 =	vld.idx.msk [tilespmem:v4+s11+$0x0], $0xffff  }
0x18b: {  	v12 =	vld [tilespmem:s23+$0x20];
	v3 =	vand.u32 $0x7F, v3;
	v5 =	vand.u32 $0x7F, v5;
	v0 =	vand.u32 $0xFFFFFC00, v0  }
0x18c: {  	v0 =	vor.u32 v5, v0;
	v13 =	vshll.u32 v2, $0x3;
	v8 =	vand.u32 $0x7F, v2  }
0x18d: {  	v2 =	vor.u32 v3, v9;
	v9 =	vshll.u32 v7, $0x3;
	v5 =	vand.u32 $0xFFFFFC00, v13  }
0x18e: {  	s25 =	simm.s32 $0x10200;
	v13 =	vshll.u32 v6, $0x3;
	v3 =	vor.u32 v8, v5;
	v5 =	vand.u32 $0xFFFFFC00, v9;
	v9 =	vld.idx.msk [tilespmem:v1+s11+$0x0], $0xffff  }
0x18f: {  	v15 =	vor.u32 $0x80, v1;
	v6 =	vand.u32 $0x7F, v6;
	v13 =	vand.u32 $0xFFFFFC00, v13;
	[tilespmem:s25+$0xFFFFFE70] =	vst v10  }
0x190: {  	v7 =	vand.u32 $0x7F, v7;
	v8 =	vshll.u32 v12, $0x3;
	v10 =	vor.u32 v6, v13;
	v6 =	vld.idx.msk [tilespmem:v11+s11+$0x0], $0xffff  }
0x191: {  	v11 =	vor.u32 v7, v5;
	v5 =	vld.idx.msk [tilespmem:v0+s11+$0x0], $0xffff;
	v7 =	vand.u32 $0xFFFFFC00, v8;
	v8 =	vand.u32 $0x7F, v12  }
0x192: {  	v13 =	vor.u32 $0x100, v4;
	v12 =	vor.u32 v8, v7;
	v7 =	vld.idx.msk [tilespmem:v2+s11+$0x0], $0xffff  }
0x193: {  	v8 =	vor.u32 $0x80, v0;
	v14 =	vld.idx.msk [tilespmem:v3+s11+$0x0], $0xffff;
	[tilespmem:s25+$0xFFFFFE10] =	vst v9  }
0x194: {  	v15 =	vld.idx.msk [tilespmem:v15+s11+$0x0], $0xffff  }
0x195: {  	v17 =	vor.u32 $0x80, v2;
	v16 =	vld.idx.msk [tilespmem:v10+s11+$0x0], $0xffff  }
0x196: {  	v18 =	vld.idx.msk [tilespmem:v11+s11+$0x0], $0xffff;
	[tilespmem:s25+$0xFFFFFEF0] =	vst v6;
	v6 =	vor.u32 $0x80, v3  }
0x197: {  	[tilespmem:s25+$0xFFFFFE00] =	vst v5;
	v5 =	vld.idx.msk [tilespmem:v13+s11+$0x0], $0xffff;
	v13 =	vor.u32 $0x80, v10  }
0x198: {  	v19 =	vor.u32 $0x80, v11;
	v8 =	vld.idx.msk [tilespmem:v8+s11+$0x0], $0xffff;
	[tilespmem:s25+$0xFFFFFE20] =	vst v7  }
0x199: {  	v9 =	vld.idx.msk [tilespmem:v12+s11+$0x0], $0xffff;
	v7 =	vor.u32 $0x180, v4;
	[tilespmem:s25+$0xFFFFFE30] =	vst v14  }
0x19a: {  	v14 =	vor.u32 $0x80, v12;
	v17 =	vld.idx.msk [tilespmem:v17+s11+$0x0], $0xffff;
	[tilespmem:s25+$0xFFFFFE40] =	vst v16  }
0x19b: {  	v16 =	vor.u32 $0x100, v0;
	v6 =	vld.idx.msk [tilespmem:v6+s11+$0x0], $0xffff;
	[tilespmem:s25+$0xFFFFFE50] =	vst v18  }
0x19c: {  	v18 =	vor.u32 $0x100, v1;
	v13 =	vld.idx.msk [tilespmem:v13+s11+$0x0], $0xffff;
	[tilespmem:s25+$0xFFFFFF70] =	vst v5  }
0x19d: {  	v5 =	vor.u32 $0x100, v2;
	[tilespmem:s25+$0xFFFFFE80] =	vst v8;
	v8 =	vld.idx.msk [tilespmem:v19+s11+$0x0], $0xffff  }
0x19e: {  	[tilespmem:s25+$0xFFFFFE60] =	vst v9;
	v9 =	vor.u32 $0x100, v3;
	v7 =	vld.idx.msk [tilespmem:v7+s11+$0x0], $0xffff  }
0x19f: {  	[tilespmem:s25+$0xFFFFFE90] =	vst v15;
	v19 =	vor.u32 $0x100, v10;
	v14 =	vld.idx.msk [tilespmem:v14+s11+$0x0], $0xffff  }
0x1a0: {  	[tilespmem:s25+$0xFFFFFEA0] =	vst v17;
	v17 =	vor.u32 $0x100, v11;
	v16 =	vld.idx.msk [tilespmem:v16+s11+$0x0], $0xffff  }
0x1a1: {  	v15 =	vor.u32 $0x200, v4;
	v18 =	vld.idx.msk [tilespmem:v18+s11+$0x0], $0xffff;
	[tilespmem:s25+$0xFFFFFEB0] =	vst v6  }
0x1a2: {  	v6 =	vor.u32 $0x100, v12;
	v5 =	vld.idx.msk [tilespmem:v5+s11+$0x0], $0xffff;
	[tilespmem:s25+$0xFFFFFEC0] =	vst v13  }
0x1a3: {  	v13 =	vor.u32 $0x180, v0;
	v9 =	vld.idx.msk [tilespmem:v9+s11+$0x0], $0xffff;
	[tilespmem:s25+$0xFFFFFED0] =	vst v8  }
0x1a4: {  	[tilespmem:s25+$0xFFFFFFF0] =	vst v7;
	v7 =	vor.u32 $0x180, v1;
	v19 =	vld.idx.msk [tilespmem:v19+s11+$0x0], $0xffff  }
0x1a5: {  	[tilespmem:s25+$0xFFFFFEE0] =	vst v14;
	v14 =	vld.idx.msk [tilespmem:v17+s11+$0x0], $0xffff;
	v17 =	vor.u32 $0x180, v3  }
0x1a6: {  	v8 =	vld.idx.msk [tilespmem:v15+s11+$0x0], $0xffff;
	v15 =	vor.u32 $0x180, v2;
	[tilespmem:s25+$0xFFFFFF00] =	vst v16  }
0x1a7: {  	v16 =	vor.u32 $0x280, v4;
	[tilespmem:s25+$0xFFFFFF10] =	vst v18;
	v6 =	vld.idx.msk [tilespmem:v6+s11+$0x0], $0xffff  }
0x1a8: {  	v18 =	vor.u32 $0x180, v10;
	v13 =	vld.idx.msk [tilespmem:v13+s11+$0x0], $0xffff;
	[tilespmem:s25+$0xFFFFFF20] =	vst v5  }
0x1a9: {  	v5 =	vor.u32 $0x180, v11;
	[tilespmem:s25+$0xFFFFFF30] =	vst v9;
	v7 =	vld.idx.msk [tilespmem:v7+s11+$0x0], $0xffff  }
0x1aa: {  	v9 =	vor.u32 $0x180, v12;
	[tilespmem:s25+$0xFFFFFF40] =	vst v19;
	v17 =	vld.idx.msk [tilespmem:v17+s11+$0x0], $0xffff  }
0x1ab: {  	v15 =	vld.idx.msk [tilespmem:v15+s11+$0x0], $0xffff;
	[tilespmem:s25+$0x70] =	vst v8;
	v8 =	vor.u32 $0x200, v0  }
0x1ac: {  	v19 =	vor.u32 $0x200, v1;
	[tilespmem:s25+$0xFFFFFF50] =	vst v14;
	v16 =	vld.idx.msk [tilespmem:v16+s11+$0x0], $0xffff  }
0x1ad: {  	v14 =	vld.idx.msk [tilespmem:v18+s11+$0x0], $0xffff;
	[tilespmem:s25+$0xFFFFFF60] =	vst v6;
	v6 =	vor.u32 $0x300, v4  }
0x1ae: {  	v18 =	vor.u32 $0x200, v2;
	[tilespmem:s25+$0xFFFFFF80] =	vst v13;
	v5 =	vld.idx.msk [tilespmem:v5+s11+$0x0], $0xffff  }
0x1af: {  	v13 =	vor.u32 $0x200, v3;
	[tilespmem:s25+$0xFFFFFF90] =	vst v7;
	v7 =	vld.idx.msk [tilespmem:v9+s11+$0x0], $0xffff  }
0x1b0: {  	v9 =	vor.u32 $0x200, v10;
	v8 =	vld.idx.msk [tilespmem:v8+s11+$0x0], $0xffff;
	[tilespmem:s25+$0xFFFFFFA0] =	vst v15  }
0x1b1: {  	v15 =	vor.u32 $0x200, v11;
	v19 =	vld.idx.msk [tilespmem:v19+s11+$0x0], $0xffff;
	[tilespmem:s25+$0xF0] =	vst v16  }
0x1b2: {  	[tilespmem:s25+$0xFFFFFFB0] =	vst v17;
	v16 =	vor.u32 $0x200, v12;
	v6 =	vld.idx.msk [tilespmem:v6+s11+$0x0], $0xffff  }
0x1b3: {  	v17 =	vor.u32 $0x280, v0;
	v18 =	vld.idx.msk [tilespmem:v18+s11+$0x0], $0xffff;
	[tilespmem:s25+$0xFFFFFFC0] =	vst v14  }
0x1b4: {  	v4 =	vor.u32 $0x380, v4;
	v13 =	vld.idx.msk [tilespmem:v13+s11+$0x0], $0xffff;
	[tilespmem:s25+$0xFFFFFFD0] =	vst v5  }
0x1b5: {  	v5 =	vor.u32 $0x280, v1;
	v9 =	vld.idx.msk [tilespmem:v9+s11+$0x0], $0xffff;
	[tilespmem:s25+$0xFFFFFFE0] =	vst v7  }
0x1b6: {  	v7 =	vor.u32 $0x280, v2;
	[tilespmem:s25+$0x0] =	vst v8;
	v8 =	vld.idx.msk [tilespmem:v15+s11+$0x0], $0xffff  }
0x1b7: {  	v14 =	vor.u32 $0x280, v3;
	[tilespmem:s25+$0x10] =	vst v19;
	v15 =	vld.idx.msk [tilespmem:v16+s11+$0x0], $0xffff  }
0x1b8: {  	v16 =	vor.u32 $0x280, v10;
	v17 =	vld.idx.msk [tilespmem:v17+s11+$0x0], $0xffff;
	[tilespmem:s25+$0x170] =	vst v6  }
0x1b9: {  	v6 =	vor.u32 $0x280, v11;
	[tilespmem:s25+$0x20] =	vst v18;
	v4 =	vld.idx.msk [tilespmem:v4+s11+$0x0], $0xffff  }
0x1ba: {  	v18 =	vor.u32 $0x280, v12;
	v5 =	vld.idx.msk [tilespmem:v5+s11+$0x0], $0xffff;
	[tilespmem:s25+$0x30] =	vst v13  }
0x1bb: {  	v13 =	vor.u32 $0x300, v0;
	v7 =	vld.idx.msk [tilespmem:v7+s11+$0x0], $0xffff;
	[tilespmem:s25+$0x40] =	vst v9  }
0x1bc: {  	v9 =	vor.u32 $0x300, v1;
	v19 =	vld.idx.msk [tilespmem:v14+s11+$0x0], $0xffff;
	[tilespmem:s25+$0x50] =	vst v8  }
0x1bd: {  	v20 =	vor.u32 $0x300, v2;
	v21 =	vld.idx.msk [tilespmem:v16+s11+$0x0], $0xffff;
	[tilespmem:s25+$0x60] =	vst v15  }
0x1be: {  	v22 =	vor.u32 $0x300, v3;
	[tilespmem:s25+$0x80] =	vst v17;
	v17 =	vld.idx.msk [tilespmem:v6+s11+$0x0], $0xffff  }
0x1bf: {  	v23 =	vor.u32 $0x300, v10;
	v15 =	vld.idx.msk [tilespmem:v18+s11+$0x0], $0xffff;
	[tilespmem:s25+$0x1F0] =	vst v4  }
0x1c0: {  	v14 =	vld.idx.msk [tilespmem:v13+s11+$0x0], $0xffff;
	[tilespmem:s25+$0x90] =	vst v5  }
0x1c1: {  	v13 =	vld.idx.msk [tilespmem:v9+s11+$0x0], $0xffff;
	[tilespmem:s25+$0xA0] =	vst v7  }
0x1c2: {  	v8 =	vor.u32 $0x300, v11;
	v6 =	vor.u32 $0x380, v1;
	v1 =	vor.u32 $0x380, v11;
	[tilespmem:s25+$0xB0] =	vst v19;
	v16 =	vld.idx.msk [tilespmem:v20+s11+$0x0], $0xffff  }
0x1c3: {  	v5 =	vor.u32 $0x380, v2;
	v4 =	vor.u32 $0x380, v3;
	v2 =	vor.u32 $0x380, v10;
	v3 =	vld.idx.msk [tilespmem:v22+s11+$0x0], $0xffff;
	[tilespmem:s25+$0xC0] =	vst v21  }
0x1c4: {  	s28 =	simm.s32 $0x0;
	s29 =	sadd.s32 $0x80, s23;
	s26 =	simm.s32 $0x10200;
	v7 =	vor.u32 $0x380, v0;
	v9 =	vor.u32 $0x300, v12;
	v0 =	vor.u32 $0x380, v12;
	v10 =	vld.idx.msk [tilespmem:v23+s11+$0x0], $0xffff;
	[tilespmem:s25+$0xD0] =	vst v17  }
.LBB2_12:
0x1c5: {  	v11 =	vld [tilespmem:s29+$0x30];
	s28 =	sadd.s32 $0x8, s28;
	[tilespmem:s25+$0xE0] =	vst v15  }
0x1c6: {  	v12 =	vld [tilespmem:s29+$0xFFFFFFD0];
	p0 =	slt.u32 s28, $0xF8;
	[tilespmem:s25+$0x100] =	vst v14  }
0x1c7: {  	v14 =	vld [tilespmem:s29+$0xFFFFFFE0];
	[tilespmem:s25+$0x110] =	vst v13  }
0x1c8: {  	v13 =	vld [tilespmem:s29+$0xFFFFFFF0];
	[tilespmem:s25+$0x120] =	vst v16  }
0x1c9: {  	v15 =	vld [tilespmem:s29+$0x0];
	[tilespmem:s25+$0x130] =	vst v3  }
0x1ca: {  	v16 =	vld [tilespmem:s29+$0x10];
	v3 =	vshll.u32 v11, $0x3;
	[tilespmem:s25+$0x140] =	vst v10  }
0x1cb: {  	v11 =	vand.u32 $0x7F, v11;
	v10 =	vshll.u32 v12, $0x3;
	v17 =	vld [tilespmem:s29+$0x20];
	v3 =	vand.u32 $0xFFFFFC00, v3  }
0x1cc: {  	v18 =	vld [tilespmem:s29+$0xFFFFFFC0];
	v10 =	vand.u32 $0xFFFFFC00, v10;
	v19 =	vshll.u32 v14, $0x3;
	v3 =	vor.u32 v11, v3  }
0x1cd: {  	v11 =	vand.u32 $0x7F, v12;
	v12 =	vand.u32 $0xFFFFFC00, v19;
	v19 =	vshll.u32 v13, $0x3;
	v8 =	vld.idx.msk [tilespmem:v8+s11+$0x0], $0xffff  }
0x1ce: {  	v14 =	vand.u32 $0x7F, v14;
	v19 =	vand.u32 $0xFFFFFC00, v19;
	v20 =	vshll.u32 v15, $0x3;
	v9 =	vld.idx.msk [tilespmem:v9+s11+$0x0], $0xffff  }
0x1cf: {  	v13 =	vand.u32 $0x7F, v13;
	v20 =	vand.u32 $0xFFFFFC00, v20;
	v21 =	vshll.u32 v16, $0x3;
	v7 =	vld.idx.msk [tilespmem:v7+s11+$0x0], $0xffff  }
0x1d0: {  	v15 =	vand.u32 $0x7F, v15;
	v21 =	vand.u32 $0xFFFFFC00, v21;
	v22 =	vshll.u32 v17, $0x3;
	v6 =	vld.idx.msk [tilespmem:v6+s11+$0x0], $0xffff  }
0x1d1: {  	v23 =	vand.u32 $0x7F, v18;
	v18 =	vshll.u32 v18, $0x3;
	v22 =	vand.u32 $0xFFFFFC00, v22;
	v24 =	vld.idx.msk [tilespmem:v3+s11+$0x0], $0xffff  }
0x1d2: {  	v16 =	vand.u32 $0x7F, v16;
	v17 =	vand.u32 $0x7F, v17;
	v18 =	vand.u32 $0xFFFFFC00, v18;
	v5 =	vld.idx.msk [tilespmem:v5+s11+$0x0], $0xffff  }
0x1d3: {  	v25 =	vor.u32 v11, v10;
	v10 =	vor.u32 $0x80, v3;
	v23 =	vor.u32 v23, v18;
	v4 =	vld.idx.msk [tilespmem:v4+s11+$0x0], $0xffff;
	[tilespmem:s25+$0x150] =	vst v8  }
0x1d4: {  	v26 =	vor.u32 v14, v12;
	v27 =	vor.u32 v13, v19;
	v28 =	vor.u32 v15, v20;
	[tilespmem:s25+$0x160] =	vst v9  }
0x1d5: {  	v21 =	vor.u32 v16, v21;
	v22 =	vor.u32 v17, v22;
	v8 =	vor.u32 $0x80, v23;
	[tilespmem:s25+$0x180] =	vst v7;
	v2 =	vld.idx.msk [tilespmem:v2+s11+$0x0], $0xffff  }
0x1d6: {  	v29 =	vor.u32 $0x80, v27;
	v9 =	vor.u32 $0x80, v26;
	v7 =	vor.u32 $0x80, v25;
	s25 =	sadd.s32 $0x400, s25;
	[tilespmem:s26+$0x190] =	vst v6;
	v1 =	vld.idx.msk [tilespmem:v1+s11+$0x0], $0xffff  }
0x1d7: {  	v30 =	vor.u32 $0x80, v28;
	v31 =	vor.u32 $0x80, v21;
	v32 =	vor.u32 $0x80, v22;
	[tilespmem:s25+$0xFFFFFE70] =	vst v24;
	v0 =	vld.idx.msk [tilespmem:v0+s11+$0x0], $0xffff  }
0x1d8: {  	v33 =	vor.u32 $0x100, v25;
	v34 =	vor.u32 $0x100, v26;
	v24 =	vor.u32 $0x100, v23;
	v6 =	vld.idx.msk [tilespmem:v10+s11+$0x0], $0xffff;
	[tilespmem:s26+$0x1A0] =	vst v5  }
0x1d9: {  	v35 =	vor.u32 $0x100, v27;
	v36 =	vor.u32 $0x100, v28;
	v37 =	vor.u32 $0x100, v21;
	v5 =	vld.idx.msk [tilespmem:v23+s11+$0x0], $0xffff;
	[tilespmem:s26+$0x1B0] =	vst v4  }
0x1da: {  	v39 =	vor.u32 $0x100, v22;
	v38 =	vor.u32 $0x180, v23;
	v10 =	vor.u32 $0x100, v3;
	v4 =	vld.idx.msk [tilespmem:v25+s11+$0x0], $0xffff  }
0x1db: {  	v40 =	vor.u32 $0x180, v25;
	v41 =	vor.u32 $0x180, v26;
	v42 =	vor.u32 $0x180, v27;
	v11 =	vld.idx.msk [tilespmem:v26+s11+$0x0], $0xffff;
	[tilespmem:s26+$0x1C0] =	vst v2  }
0x1dc: {  	v43 =	vor.u32 $0x180, v28;
	v44 =	vor.u32 $0x180, v21;
	v45 =	vor.u32 $0x180, v22;
	v2 =	vld.idx.msk [tilespmem:v27+s11+$0x0], $0xffff;
	[tilespmem:s26+$0x1D0] =	vst v1  }
0x1dd: {  	v47 =	vor.u32 $0x200, v25;
	v48 =	vor.u32 $0x200, v26;
	v46 =	vor.u32 $0x200, v23;
	v1 =	vld.idx.msk [tilespmem:v28+s11+$0x0], $0xffff;
	[tilespmem:s26+$0x1E0] =	vst v0;
	s26 =	smov.u32 s25  }
0x1de: {  	v49 =	vor.u32 $0x200, v27;
	v50 =	vor.u32 $0x200, v28;
	v51 =	vor.u32 $0x200, v21;
	v0 =	vld.idx.msk [tilespmem:v21+s11+$0x0], $0xffff;
	[tilespmem:s25+$0xFFFFFEF0] =	vst v6  }
0x1df: {  	v18 =	vor.u32 $0x280, v25;
	v53 =	vor.u32 $0x200, v22;
	v52 =	vor.u32 $0x280, v23;
	[tilespmem:s25+$0xFFFFFE00] =	vst v5;
	v54 =	vld.idx.msk [tilespmem:v10+s11+$0x0], $0xffff  }
0x1e0: {  	v20 =	vor.u32 $0x280, v26;
	v19 =	vor.u32 $0x280, v27;
	v15 =	vor.u32 $0x280, v28;
	[tilespmem:s25+$0xFFFFFE10] =	vst v4;
	v55 =	vld.idx.msk [tilespmem:v22+s11+$0x0], $0xffff  }
0x1e1: {  	v57 =	vor.u32 $0x180, v3;
	v17 =	vor.u32 $0x280, v21;
	v16 =	vor.u32 $0x280, v22;
	v56 =	vld.idx.msk [tilespmem:v8+s11+$0x0], $0xffff;
	[tilespmem:s25+$0xFFFFFE20] =	vst v11  }
0x1e2: {  	v13 =	vor.u32 $0x300, v25;
	v14 =	vor.u32 $0x300, v23;
	v10 =	vor.u32 $0x300, v26;
	v58 =	vld.idx.msk [tilespmem:v7+s11+$0x0], $0xffff;
	[tilespmem:s25+$0xFFFFFE30] =	vst v2  }
0x1e3: {  	v12 =	vor.u32 $0x300, v27;
	v11 =	vor.u32 $0x300, v28;
	v8 =	vor.u32 $0x300, v21;
	v59 =	vld.idx.msk [tilespmem:v9+s11+$0x0], $0xffff;
	[tilespmem:s25+$0xFFFFFE40] =	vst v1  }
0x1e4: {  	v6 =	vor.u32 $0x380, v25;
	v7 =	vor.u32 $0x380, v23;
	v9 =	vor.u32 $0x300, v22;
	v23 =	vld.idx.msk [tilespmem:v29+s11+$0x0], $0xffff;
	[tilespmem:s25+$0xFFFFFE50] =	vst v0  }
0x1e5: {  	v5 =	vor.u32 $0x380, v26;
	v4 =	vor.u32 $0x380, v27;
	v2 =	vor.u32 $0x380, v28;
	v25 =	vld.idx.msk [tilespmem:v30+s11+$0x0], $0xffff;
	[tilespmem:s25+$0xFFFFFF70] =	vst v54  }
0x1e6: {  	v1 =	vor.u32 $0x380, v21;
	v0 =	vor.u32 $0x380, v22;
	[tilespmem:s25+$0xFFFFFE60] =	vst v55;
	v21 =	vld.idx.msk [tilespmem:v57+s11+$0x0], $0xffff  }
0x1e7: {  	[tilespmem:s25+$0xFFFFFE80] =	vst v56;
	v22 =	vld.idx.msk [tilespmem:v31+s11+$0x0], $0xffff  }
0x1e8: {  	v27 =	vor.u32 $0x200, v3;
	[tilespmem:s25+$0xFFFFFE90] =	vst v58;
	v26 =	vld.idx.msk [tilespmem:v32+s11+$0x0], $0xffff  }
0x1e9: {  	v24 =	vld.idx.msk [tilespmem:v24+s11+$0x0], $0xffff;
	[tilespmem:s25+$0xFFFFFEA0] =	vst v59  }
0x1ea: {  	v28 =	vld.idx.msk [tilespmem:v33+s11+$0x0], $0xffff;
	[tilespmem:s25+$0xFFFFFEB0] =	vst v23  }
0x1eb: {  	v23 =	vld.idx.msk [tilespmem:v34+s11+$0x0], $0xffff;
	[tilespmem:s25+$0xFFFFFEC0] =	vst v25  }
0x1ec: {  	v25 =	vld.idx.msk [tilespmem:v35+s11+$0x0], $0xffff;
	[tilespmem:s25+$0xFFFFFFF0] =	vst v21  }
0x1ed: {  	[tilespmem:s25+$0xFFFFFED0] =	vst v22;
	v21 =	vld.idx.msk [tilespmem:v27+s11+$0x0], $0xffff  }
0x1ee: {  	v22 =	vld.idx.msk [tilespmem:v36+s11+$0x0], $0xffff;
	[tilespmem:s25+$0xFFFFFEE0] =	vst v26  }
0x1ef: {  	v26 =	vor.u32 $0x280, v3;
	[tilespmem:s25+$0xFFFFFF00] =	vst v24;
	v24 =	vld.idx.msk [tilespmem:v37+s11+$0x0], $0xffff  }
0x1f0: {  	[tilespmem:s25+$0xFFFFFF10] =	vst v28;
	v27 =	vld.idx.msk [tilespmem:v39+s11+$0x0], $0xffff  }
0x1f1: {  	v28 =	vld.idx.msk [tilespmem:v38+s11+$0x0], $0xffff;
	[tilespmem:s25+$0xFFFFFF20] =	vst v23  }
0x1f2: {  	v23 =	vld.idx.msk [tilespmem:v40+s11+$0x0], $0xffff;
	[tilespmem:s25+$0xFFFFFF30] =	vst v25  }
0x1f3: {  	v25 =	vld.idx.msk [tilespmem:v41+s11+$0x0], $0xffff;
	[tilespmem:s25+$0x70] =	vst v21  }
0x1f4: {  	[tilespmem:s25+$0xFFFFFF40] =	vst v22;
	v21 =	vld.idx.msk [tilespmem:v26+s11+$0x0], $0xffff  }
0x1f5: {  	v22 =	vld.idx.msk [tilespmem:v42+s11+$0x0], $0xffff;
	[tilespmem:s25+$0xFFFFFF50] =	vst v24  }
0x1f6: {  	v26 =	vor.u32 $0x300, v3;
	v24 =	vld.idx.msk [tilespmem:v43+s11+$0x0], $0xffff;
	[tilespmem:s25+$0xFFFFFF60] =	vst v27  }
0x1f7: {  	[tilespmem:s25+$0xFFFFFF80] =	vst v28;
	v27 =	vld.idx.msk [tilespmem:v44+s11+$0x0], $0xffff  }
0x1f8: {  	[tilespmem:s25+$0xFFFFFF90] =	vst v23;
	v23 =	vld.idx.msk [tilespmem:v45+s11+$0x0], $0xffff  }
0x1f9: {  	v28 =	vld.idx.msk [tilespmem:v46+s11+$0x0], $0xffff;
	[tilespmem:s25+$0xFFFFFFA0] =	vst v25  }
0x1fa: {  	v25 =	vld.idx.msk [tilespmem:v47+s11+$0x0], $0xffff;
	[tilespmem:s25+$0xF0] =	vst v21  }
0x1fb: {  	[tilespmem:s25+$0xFFFFFFB0] =	vst v22;
	v21 =	vld.idx.msk [tilespmem:v26+s11+$0x0], $0xffff  }
0x1fc: {  	v22 =	vld.idx.msk [tilespmem:v48+s11+$0x0], $0xffff;
	[tilespmem:s25+$0xFFFFFFC0] =	vst v24  }
0x1fd: {  	v3 =	vor.u32 $0x380, v3;
	v24 =	vld.idx.msk [tilespmem:v49+s11+$0x0], $0xffff;
	[tilespmem:s25+$0xFFFFFFD0] =	vst v27  }
0x1fe: {  	v26 =	vld.idx.msk [tilespmem:v50+s11+$0x0], $0xffff;
	[tilespmem:s25+$0xFFFFFFE0] =	vst v23  }
0x1ff: {  	[tilespmem:s25+$0x0] =	vst v28;
	v23 =	vld.idx.msk [tilespmem:v51+s11+$0x0], $0xffff  }
0x200: {  	[tilespmem:s25+$0x10] =	vst v25;
	v25 =	vld.idx.msk [tilespmem:v53+s11+$0x0], $0xffff  }
0x201: {  	v27 =	vld.idx.msk [tilespmem:v52+s11+$0x0], $0xffff;
	[tilespmem:s25+$0x170] =	vst v21  }
0x202: {  	[tilespmem:s25+$0x20] =	vst v22;
	v3 =	vld.idx.msk [tilespmem:v3+s11+$0x0], $0xffff  }
0x203: {  	v18 =	vld.idx.msk [tilespmem:v18+s11+$0x0], $0xffff;
	[tilespmem:s25+$0x30] =	vst v24  }
0x204: {  	v20 =	vld.idx.msk [tilespmem:v20+s11+$0x0], $0xffff;
	[tilespmem:s25+$0x40] =	vst v26  }
0x205: {  	v19 =	vld.idx.msk [tilespmem:v19+s11+$0x0], $0xffff;
	[tilespmem:s25+$0x50] =	vst v23  }
0x206: {  	v21 =	vld.idx.msk [tilespmem:v15+s11+$0x0], $0xffff;
	[tilespmem:s25+$0x60] =	vst v25  }
0x207: {  	[tilespmem:s25+$0x80] =	vst v27;
	v17 =	vld.idx.msk [tilespmem:v17+s11+$0x0], $0xffff  }
0x208: {  	v15 =	vld.idx.msk [tilespmem:v16+s11+$0x0], $0xffff;
	[tilespmem:s25+$0x1F0] =	vst v3  }
.Ltmp9:
0x209: {  	v14 =	vld.idx.msk [tilespmem:v14+s11+$0x0], $0xffff;
	[tilespmem:s25+$0x90] =	vst v18;
	(pc) =	sbr.rel @p0 .LBB2_12-.Ltmp9, $4  }
0x20a: {  	v13 =	vld.idx.msk [tilespmem:v13+s11+$0x0], $0xffff;
	[tilespmem:s25+$0xA0] =	vst v20  }
0x20b: {  	v16 =	vld.idx.msk [tilespmem:v10+s11+$0x0], $0xffff;
	[tilespmem:s25+$0xB0] =	vst v19  }
0x20c: {  	v3 =	vld.idx.msk [tilespmem:v12+s11+$0x0], $0xffff;
	[tilespmem:s25+$0xC0] =	vst v21  }
0x20d: {  	s29 =	sadd.s32 $0x80, s29;
	v10 =	vld.idx.msk [tilespmem:v11+s11+$0x0], $0xffff;
	[tilespmem:s25+$0xD0] =	vst v17  }
0x20e: {  	_ =	sdelay $0x2  }
0x20f: {  	[tilespmem:s25+$0xE0] =	vst v15  }
0x210: {  	[tilespmem:s25+$0x100] =	vst v14;
	v8 =	vld.idx.msk [tilespmem:v8+s11+$0x0], $0xffff  }
0x211: {  	[tilespmem:s25+$0x110] =	vst v13;
	v9 =	vld.idx.msk [tilespmem:v9+s11+$0x0], $0xffff  }
0x212: {  	v7 =	vld.idx.msk [tilespmem:v7+s11+$0x0], $0xffff;
	[tilespmem:s25+$0x120] =	vst v16  }
0x213: {  	v63 =	vld.idx.msk [tilespmem:v6+s11+$0x0], $0xffff;
	[tilespmem:s25+$0x130] =	vst v3  }
0x214: {  	v5 =	vld.idx.msk [tilespmem:v5+s11+$0x0], $0xffff;
	[tilespmem:s25+$0x140] =	vst v10  }
0x215: {  	v4 =	vld.idx.msk [tilespmem:v4+s11+$0x0], $0xffff;
	[tilespmem:s25+$0x150] =	vst v8  }
0x216: {  	v2 =	vld.idx.msk [tilespmem:v2+s11+$0x0], $0xffff;
	[tilespmem:s25+$0x160] =	vst v9  }
0x217: {  	[tilespmem:s25+$0x180] =	vst v7;
	v1 =	vld.idx.msk [tilespmem:v1+s11+$0x0], $0xffff  }
0x218: {  	[tilespmem:s26+$0x190] =	vst v63;
	v0 =	vld.idx.msk [tilespmem:v0+s11+$0x0], $0xffff  }
0x219: {  	[tilespmem:s26+$0x1A0] =	vst v5  }
0x21a: {  	s31 =	sshll.u32 s22, $0x11;
	s28 =	sshll.u32 s21, $0xF;
	[tilespmem:s26+$0x1B0] =	vst v4  }
0x21b: {  	s25 =	sor.u32 s28, s31;
	[tilespmem:s26+$0x1C0] =	vst v2  }
0x21c: {  	s25 =	sshrl.u32 s25, $0x3;
	[tilespmem:s26+$0x1D0] =	vst v1  }
0x21d: {  	s25 =	sadd.s32 s2, s25;
	[tilespmem:s26+$0x1E0] =	vst v0  }
0x21e: {  	[hbm4b:s25+s4] =	stream.linear.scatter [tilespmem:s15], [sflag:$0x2], $0x8000, $0x38;
	[tilespmem:$0x18000] =	vst v63  }
.LBB2_14:
0x21f: {  	p0 =	sne.s32 s24, $0x5  }
.Ltmp10:
0x220: {  	_ = 	snop;
	(pc) =	sbr.rel @p0 .LBB2_18-.Ltmp10, $1  }
0x221: {  	_ =	sdelay $0x3  }
0x222: {  	v0 =	vld [tilespmem:s23+$0x30];
	_ =	sdelay $0x3  }
0x223: {  	v1 =	vld [tilespmem:s23+$0xFFFFFFD0]  }
0x224: {  	v2 =	vshll.u32 v0, $0x3  }
0x225: {  	v3 =	vld [tilespmem:s23+$0xFFFFFFE0];
	v0 =	vand.u32 $0x7F, v0;
	v2 =	vand.u32 $0xFFFFFC00, v2  }
0x226: {  	v5 =	vld [tilespmem:s23+$0xFFFFFFC0];
	v4 =	vor.u32 v0, v2;
	_ =	sdelay $0x1  }
0x227: {  	v2 =	vld [tilespmem:s23+$0xFFFFFFF0];
	v0 =	vshll.u32 v1, $0x3  }
0x228: {  	v7 =	vld [tilespmem:s23+$0x10];
	v1 =	vand.u32 $0x7F, v1;
	v8 =	vand.u32 $0xFFFFFC00, v0  }
0x229: {  	v6 =	vld [tilespmem:s23+$0x0];
	v0 =	vshll.u32 v3, $0x3;
	v1 =	vor.u32 v1, v8  }
0x22a: {  	v11 =	vor.u32 $0x80, v4;
	v9 =	vand.u32 $0xFFFFFC00, v0;
	v0 =	vshll.u32 v5, $0x3;
	v10 =	vld.idx.msk [tilespmem:v4+s14+$0x0], $0xffff  }
0x22b: {  	v12 =	vld [tilespmem:s23+$0x20];
	v3 =	vand.u32 $0x7F, v3;
	v5 =	vand.u32 $0x7F, v5;
	v0 =	vand.u32 $0xFFFFFC00, v0  }
0x22c: {  	v0 =	vor.u32 v5, v0;
	v13 =	vshll.u32 v2, $0x3;
	v8 =	vand.u32 $0x7F, v2  }
0x22d: {  	v2 =	vor.u32 v3, v9;
	v9 =	vshll.u32 v7, $0x3;
	v5 =	vand.u32 $0xFFFFFC00, v13  }
0x22e: {  	s24 =	simm.s32 $0x10200;
	v13 =	vshll.u32 v6, $0x3;
	v3 =	vor.u32 v8, v5;
	v5 =	vand.u32 $0xFFFFFC00, v9;
	v9 =	vld.idx.msk [tilespmem:v1+s14+$0x0], $0xffff  }
0x22f: {  	v15 =	vor.u32 $0x80, v1;
	v6 =	vand.u32 $0x7F, v6;
	v13 =	vand.u32 $0xFFFFFC00, v13;
	[tilespmem:s24+$0xFFFFFE70] =	vst v10  }
0x230: {  	v7 =	vand.u32 $0x7F, v7;
	v8 =	vshll.u32 v12, $0x3;
	v10 =	vor.u32 v6, v13;
	v6 =	vld.idx.msk [tilespmem:v11+s14+$0x0], $0xffff  }
0x231: {  	v11 =	vor.u32 v7, v5;
	v5 =	vld.idx.msk [tilespmem:v0+s14+$0x0], $0xffff;
	v7 =	vand.u32 $0xFFFFFC00, v8;
	v8 =	vand.u32 $0x7F, v12  }
0x232: {  	v13 =	vor.u32 $0x100, v4;
	v12 =	vor.u32 v8, v7;
	v7 =	vld.idx.msk [tilespmem:v2+s14+$0x0], $0xffff  }
0x233: {  	v8 =	vor.u32 $0x80, v0;
	v14 =	vld.idx.msk [tilespmem:v3+s14+$0x0], $0xffff;
	[tilespmem:s24+$0xFFFFFE10] =	vst v9  }
0x234: {  	v15 =	vld.idx.msk [tilespmem:v15+s14+$0x0], $0xffff  }
0x235: {  	v17 =	vor.u32 $0x80, v2;
	v16 =	vld.idx.msk [tilespmem:v10+s14+$0x0], $0xffff  }
0x236: {  	v18 =	vld.idx.msk [tilespmem:v11+s14+$0x0], $0xffff;
	[tilespmem:s24+$0xFFFFFEF0] =	vst v6;
	v6 =	vor.u32 $0x80, v3  }
0x237: {  	[tilespmem:s24+$0xFFFFFE00] =	vst v5;
	v5 =	vld.idx.msk [tilespmem:v13+s14+$0x0], $0xffff;
	v13 =	vor.u32 $0x80, v10  }
0x238: {  	v19 =	vor.u32 $0x80, v11;
	v8 =	vld.idx.msk [tilespmem:v8+s14+$0x0], $0xffff;
	[tilespmem:s24+$0xFFFFFE20] =	vst v7  }
0x239: {  	v9 =	vld.idx.msk [tilespmem:v12+s14+$0x0], $0xffff;
	v7 =	vor.u32 $0x180, v4;
	[tilespmem:s24+$0xFFFFFE30] =	vst v14  }
0x23a: {  	v14 =	vor.u32 $0x80, v12;
	v17 =	vld.idx.msk [tilespmem:v17+s14+$0x0], $0xffff;
	[tilespmem:s24+$0xFFFFFE40] =	vst v16  }
0x23b: {  	v16 =	vor.u32 $0x100, v0;
	v6 =	vld.idx.msk [tilespmem:v6+s14+$0x0], $0xffff;
	[tilespmem:s24+$0xFFFFFE50] =	vst v18  }
0x23c: {  	v18 =	vor.u32 $0x100, v1;
	v13 =	vld.idx.msk [tilespmem:v13+s14+$0x0], $0xffff;
	[tilespmem:s24+$0xFFFFFF70] =	vst v5  }
0x23d: {  	v5 =	vor.u32 $0x100, v2;
	[tilespmem:s24+$0xFFFFFE80] =	vst v8;
	v8 =	vld.idx.msk [tilespmem:v19+s14+$0x0], $0xffff  }
0x23e: {  	[tilespmem:s24+$0xFFFFFE60] =	vst v9;
	v9 =	vor.u32 $0x100, v3;
	v7 =	vld.idx.msk [tilespmem:v7+s14+$0x0], $0xffff  }
0x23f: {  	[tilespmem:s24+$0xFFFFFE90] =	vst v15;
	v19 =	vor.u32 $0x100, v10;
	v14 =	vld.idx.msk [tilespmem:v14+s14+$0x0], $0xffff  }
0x240: {  	[tilespmem:s24+$0xFFFFFEA0] =	vst v17;
	v17 =	vor.u32 $0x100, v11;
	v16 =	vld.idx.msk [tilespmem:v16+s14+$0x0], $0xffff  }
0x241: {  	v15 =	vor.u32 $0x200, v4;
	v18 =	vld.idx.msk [tilespmem:v18+s14+$0x0], $0xffff;
	[tilespmem:s24+$0xFFFFFEB0] =	vst v6  }
0x242: {  	v6 =	vor.u32 $0x100, v12;
	v5 =	vld.idx.msk [tilespmem:v5+s14+$0x0], $0xffff;
	[tilespmem:s24+$0xFFFFFEC0] =	vst v13  }
0x243: {  	v13 =	vor.u32 $0x180, v0;
	v9 =	vld.idx.msk [tilespmem:v9+s14+$0x0], $0xffff;
	[tilespmem:s24+$0xFFFFFED0] =	vst v8  }
0x244: {  	[tilespmem:s24+$0xFFFFFFF0] =	vst v7;
	v7 =	vor.u32 $0x180, v1;
	v19 =	vld.idx.msk [tilespmem:v19+s14+$0x0], $0xffff  }
0x245: {  	[tilespmem:s24+$0xFFFFFEE0] =	vst v14;
	v14 =	vld.idx.msk [tilespmem:v17+s14+$0x0], $0xffff;
	v17 =	vor.u32 $0x180, v3  }
0x246: {  	v8 =	vld.idx.msk [tilespmem:v15+s14+$0x0], $0xffff;
	v15 =	vor.u32 $0x180, v2;
	[tilespmem:s24+$0xFFFFFF00] =	vst v16  }
0x247: {  	v16 =	vor.u32 $0x280, v4;
	[tilespmem:s24+$0xFFFFFF10] =	vst v18;
	v6 =	vld.idx.msk [tilespmem:v6+s14+$0x0], $0xffff  }
0x248: {  	v18 =	vor.u32 $0x180, v10;
	v13 =	vld.idx.msk [tilespmem:v13+s14+$0x0], $0xffff;
	[tilespmem:s24+$0xFFFFFF20] =	vst v5  }
0x249: {  	v5 =	vor.u32 $0x180, v11;
	[tilespmem:s24+$0xFFFFFF30] =	vst v9;
	v7 =	vld.idx.msk [tilespmem:v7+s14+$0x0], $0xffff  }
0x24a: {  	v9 =	vor.u32 $0x180, v12;
	[tilespmem:s24+$0xFFFFFF40] =	vst v19;
	v17 =	vld.idx.msk [tilespmem:v17+s14+$0x0], $0xffff  }
0x24b: {  	v15 =	vld.idx.msk [tilespmem:v15+s14+$0x0], $0xffff;
	[tilespmem:s24+$0x70] =	vst v8;
	v8 =	vor.u32 $0x200, v0  }
0x24c: {  	v19 =	vor.u32 $0x200, v1;
	[tilespmem:s24+$0xFFFFFF50] =	vst v14;
	v16 =	vld.idx.msk [tilespmem:v16+s14+$0x0], $0xffff  }
0x24d: {  	v14 =	vld.idx.msk [tilespmem:v18+s14+$0x0], $0xffff;
	[tilespmem:s24+$0xFFFFFF60] =	vst v6;
	v6 =	vor.u32 $0x300, v4  }
0x24e: {  	v18 =	vor.u32 $0x200, v2;
	[tilespmem:s24+$0xFFFFFF80] =	vst v13;
	v5 =	vld.idx.msk [tilespmem:v5+s14+$0x0], $0xffff  }
0x24f: {  	v13 =	vor.u32 $0x200, v3;
	[tilespmem:s24+$0xFFFFFF90] =	vst v7;
	v7 =	vld.idx.msk [tilespmem:v9+s14+$0x0], $0xffff  }
0x250: {  	v9 =	vor.u32 $0x200, v10;
	v8 =	vld.idx.msk [tilespmem:v8+s14+$0x0], $0xffff;
	[tilespmem:s24+$0xFFFFFFA0] =	vst v15  }
0x251: {  	v15 =	vor.u32 $0x200, v11;
	v19 =	vld.idx.msk [tilespmem:v19+s14+$0x0], $0xffff;
	[tilespmem:s24+$0xF0] =	vst v16  }
0x252: {  	[tilespmem:s24+$0xFFFFFFB0] =	vst v17;
	v16 =	vor.u32 $0x200, v12;
	v6 =	vld.idx.msk [tilespmem:v6+s14+$0x0], $0xffff  }
0x253: {  	v17 =	vor.u32 $0x280, v0;
	v18 =	vld.idx.msk [tilespmem:v18+s14+$0x0], $0xffff;
	[tilespmem:s24+$0xFFFFFFC0] =	vst v14  }
0x254: {  	v4 =	vor.u32 $0x380, v4;
	v13 =	vld.idx.msk [tilespmem:v13+s14+$0x0], $0xffff;
	[tilespmem:s24+$0xFFFFFFD0] =	vst v5  }
0x255: {  	v5 =	vor.u32 $0x280, v1;
	v9 =	vld.idx.msk [tilespmem:v9+s14+$0x0], $0xffff;
	[tilespmem:s24+$0xFFFFFFE0] =	vst v7  }
0x256: {  	v7 =	vor.u32 $0x280, v2;
	[tilespmem:s24+$0x0] =	vst v8;
	v8 =	vld.idx.msk [tilespmem:v15+s14+$0x0], $0xffff  }
0x257: {  	v14 =	vor.u32 $0x280, v3;
	[tilespmem:s24+$0x10] =	vst v19;
	v15 =	vld.idx.msk [tilespmem:v16+s14+$0x0], $0xffff  }
0x258: {  	v16 =	vor.u32 $0x280, v10;
	v17 =	vld.idx.msk [tilespmem:v17+s14+$0x0], $0xffff;
	[tilespmem:s24+$0x170] =	vst v6  }
0x259: {  	v6 =	vor.u32 $0x280, v11;
	[tilespmem:s24+$0x20] =	vst v18;
	v4 =	vld.idx.msk [tilespmem:v4+s14+$0x0], $0xffff  }
0x25a: {  	v18 =	vor.u32 $0x280, v12;
	v5 =	vld.idx.msk [tilespmem:v5+s14+$0x0], $0xffff;
	[tilespmem:s24+$0x30] =	vst v13  }
0x25b: {  	v13 =	vor.u32 $0x300, v0;
	v7 =	vld.idx.msk [tilespmem:v7+s14+$0x0], $0xffff;
	[tilespmem:s24+$0x40] =	vst v9  }
0x25c: {  	v9 =	vor.u32 $0x300, v1;
	v19 =	vld.idx.msk [tilespmem:v14+s14+$0x0], $0xffff;
	[tilespmem:s24+$0x50] =	vst v8  }
0x25d: {  	v20 =	vor.u32 $0x300, v2;
	v21 =	vld.idx.msk [tilespmem:v16+s14+$0x0], $0xffff;
	[tilespmem:s24+$0x60] =	vst v15  }
0x25e: {  	v22 =	vor.u32 $0x300, v3;
	[tilespmem:s24+$0x80] =	vst v17;
	v17 =	vld.idx.msk [tilespmem:v6+s14+$0x0], $0xffff  }
0x25f: {  	v23 =	vor.u32 $0x300, v10;
	v15 =	vld.idx.msk [tilespmem:v18+s14+$0x0], $0xffff;
	[tilespmem:s24+$0x1F0] =	vst v4  }
0x260: {  	v14 =	vld.idx.msk [tilespmem:v13+s14+$0x0], $0xffff;
	[tilespmem:s24+$0x90] =	vst v5  }
0x261: {  	v13 =	vld.idx.msk [tilespmem:v9+s14+$0x0], $0xffff;
	[tilespmem:s24+$0xA0] =	vst v7  }
0x262: {  	v8 =	vor.u32 $0x300, v11;
	v6 =	vor.u32 $0x380, v1;
	v1 =	vor.u32 $0x380, v11;
	[tilespmem:s24+$0xB0] =	vst v19;
	v16 =	vld.idx.msk [tilespmem:v20+s14+$0x0], $0xffff  }
0x263: {  	v5 =	vor.u32 $0x380, v2;
	v4 =	vor.u32 $0x380, v3;
	v2 =	vor.u32 $0x380, v10;
	v3 =	vld.idx.msk [tilespmem:v22+s14+$0x0], $0xffff;
	[tilespmem:s24+$0xC0] =	vst v21  }
0x264: {  	s25 =	simm.s32 $0x0;
	s26 =	sadd.s32 $0x80, s23;
	s23 =	simm.s32 $0x10200;
	v7 =	vor.u32 $0x380, v0;
	v9 =	vor.u32 $0x300, v12;
	v0 =	vor.u32 $0x380, v12;
	v10 =	vld.idx.msk [tilespmem:v23+s14+$0x0], $0xffff;
	[tilespmem:s24+$0xD0] =	vst v17  }
.LBB2_16:
0x265: {  	v11 =	vld [tilespmem:s26+$0x30];
	s25 =	sadd.s32 $0x8, s25;
	[tilespmem:s24+$0xE0] =	vst v15  }
0x266: {  	v12 =	vld [tilespmem:s26+$0xFFFFFFD0];
	p0 =	slt.u32 s25, $0xF8;
	[tilespmem:s24+$0x100] =	vst v14  }
0x267: {  	v14 =	vld [tilespmem:s26+$0xFFFFFFE0];
	[tilespmem:s24+$0x110] =	vst v13  }
0x268: {  	v13 =	vld [tilespmem:s26+$0xFFFFFFF0];
	[tilespmem:s24+$0x120] =	vst v16  }
0x269: {  	v15 =	vld [tilespmem:s26+$0x0];
	[tilespmem:s24+$0x130] =	vst v3  }
0x26a: {  	v16 =	vld [tilespmem:s26+$0x10];
	v3 =	vshll.u32 v11, $0x3;
	[tilespmem:s24+$0x140] =	vst v10  }
0x26b: {  	v11 =	vand.u32 $0x7F, v11;
	v10 =	vshll.u32 v12, $0x3;
	v17 =	vld [tilespmem:s26+$0x20];
	v3 =	vand.u32 $0xFFFFFC00, v3  }
0x26c: {  	v18 =	vld [tilespmem:s26+$0xFFFFFFC0];
	v10 =	vand.u32 $0xFFFFFC00, v10;
	v19 =	vshll.u32 v14, $0x3;
	v3 =	vor.u32 v11, v3  }
0x26d: {  	v11 =	vand.u32 $0x7F, v12;
	v12 =	vand.u32 $0xFFFFFC00, v19;
	v19 =	vshll.u32 v13, $0x3;
	v8 =	vld.idx.msk [tilespmem:v8+s14+$0x0], $0xffff  }
0x26e: {  	v14 =	vand.u32 $0x7F, v14;
	v19 =	vand.u32 $0xFFFFFC00, v19;
	v20 =	vshll.u32 v15, $0x3;
	v9 =	vld.idx.msk [tilespmem:v9+s14+$0x0], $0xffff  }
0x26f: {  	v13 =	vand.u32 $0x7F, v13;
	v20 =	vand.u32 $0xFFFFFC00, v20;
	v21 =	vshll.u32 v16, $0x3;
	v7 =	vld.idx.msk [tilespmem:v7+s14+$0x0], $0xffff  }
0x270: {  	v15 =	vand.u32 $0x7F, v15;
	v21 =	vand.u32 $0xFFFFFC00, v21;
	v22 =	vshll.u32 v17, $0x3;
	v6 =	vld.idx.msk [tilespmem:v6+s14+$0x0], $0xffff  }
0x271: {  	v23 =	vand.u32 $0x7F, v18;
	v18 =	vshll.u32 v18, $0x3;
	v22 =	vand.u32 $0xFFFFFC00, v22;
	v24 =	vld.idx.msk [tilespmem:v3+s14+$0x0], $0xffff  }
0x272: {  	v16 =	vand.u32 $0x7F, v16;
	v17 =	vand.u32 $0x7F, v17;
	v18 =	vand.u32 $0xFFFFFC00, v18;
	v5 =	vld.idx.msk [tilespmem:v5+s14+$0x0], $0xffff  }
0x273: {  	v25 =	vor.u32 v11, v10;
	v10 =	vor.u32 $0x80, v3;
	v23 =	vor.u32 v23, v18;
	v4 =	vld.idx.msk [tilespmem:v4+s14+$0x0], $0xffff;
	[tilespmem:s24+$0x150] =	vst v8  }
0x274: {  	v26 =	vor.u32 v14, v12;
	v27 =	vor.u32 v13, v19;
	v28 =	vor.u32 v15, v20;
	[tilespmem:s24+$0x160] =	vst v9  }
0x275: {  	v21 =	vor.u32 v16, v21;
	v22 =	vor.u32 v17, v22;
	v8 =	vor.u32 $0x80, v23;
	[tilespmem:s24+$0x180] =	vst v7;
	v2 =	vld.idx.msk [tilespmem:v2+s14+$0x0], $0xffff  }
0x276: {  	v29 =	vor.u32 $0x80, v27;
	v9 =	vor.u32 $0x80, v26;
	v7 =	vor.u32 $0x80, v25;
	s24 =	sadd.s32 $0x400, s24;
	[tilespmem:s23+$0x190] =	vst v6;
	v1 =	vld.idx.msk [tilespmem:v1+s14+$0x0], $0xffff  }
0x277: {  	v30 =	vor.u32 $0x80, v28;
	v31 =	vor.u32 $0x80, v21;
	v32 =	vor.u32 $0x80, v22;
	[tilespmem:s24+$0xFFFFFE70] =	vst v24;
	v0 =	vld.idx.msk [tilespmem:v0+s14+$0x0], $0xffff  }
0x278: {  	v33 =	vor.u32 $0x100, v25;
	v34 =	vor.u32 $0x100, v26;
	v24 =	vor.u32 $0x100, v23;
	v6 =	vld.idx.msk [tilespmem:v10+s14+$0x0], $0xffff;
	[tilespmem:s23+$0x1A0] =	vst v5  }
0x279: {  	v35 =	vor.u32 $0x100, v27;
	v36 =	vor.u32 $0x100, v28;
	v37 =	vor.u32 $0x100, v21;
	v5 =	vld.idx.msk [tilespmem:v23+s14+$0x0], $0xffff;
	[tilespmem:s23+$0x1B0] =	vst v4  }
0x27a: {  	v39 =	vor.u32 $0x100, v22;
	v38 =	vor.u32 $0x180, v23;
	v10 =	vor.u32 $0x100, v3;
	v4 =	vld.idx.msk [tilespmem:v25+s14+$0x0], $0xffff  }
0x27b: {  	v40 =	vor.u32 $0x180, v25;
	v41 =	vor.u32 $0x180, v26;
	v42 =	vor.u32 $0x180, v27;
	v11 =	vld.idx.msk [tilespmem:v26+s14+$0x0], $0xffff;
	[tilespmem:s23+$0x1C0] =	vst v2  }
0x27c: {  	v43 =	vor.u32 $0x180, v28;
	v44 =	vor.u32 $0x180, v21;
	v45 =	vor.u32 $0x180, v22;
	v2 =	vld.idx.msk [tilespmem:v27+s14+$0x0], $0xffff;
	[tilespmem:s23+$0x1D0] =	vst v1  }
0x27d: {  	v47 =	vor.u32 $0x200, v25;
	v48 =	vor.u32 $0x200, v26;
	v46 =	vor.u32 $0x200, v23;
	v1 =	vld.idx.msk [tilespmem:v28+s14+$0x0], $0xffff;
	[tilespmem:s23+$0x1E0] =	vst v0;
	s23 =	smov.u32 s24  }
0x27e: {  	v49 =	vor.u32 $0x200, v27;
	v50 =	vor.u32 $0x200, v28;
	v51 =	vor.u32 $0x200, v21;
	v0 =	vld.idx.msk [tilespmem:v21+s14+$0x0], $0xffff;
	[tilespmem:s24+$0xFFFFFEF0] =	vst v6  }
0x27f: {  	v18 =	vor.u32 $0x280, v25;
	v53 =	vor.u32 $0x200, v22;
	v52 =	vor.u32 $0x280, v23;
	[tilespmem:s24+$0xFFFFFE00] =	vst v5;
	v54 =	vld.idx.msk [tilespmem:v10+s14+$0x0], $0xffff  }
0x280: {  	v20 =	vor.u32 $0x280, v26;
	v19 =	vor.u32 $0x280, v27;
	v15 =	vor.u32 $0x280, v28;
	[tilespmem:s24+$0xFFFFFE10] =	vst v4;
	v55 =	vld.idx.msk [tilespmem:v22+s14+$0x0], $0xffff  }
0x281: {  	v57 =	vor.u32 $0x180, v3;
	v17 =	vor.u32 $0x280, v21;
	v16 =	vor.u32 $0x280, v22;
	v56 =	vld.idx.msk [tilespmem:v8+s14+$0x0], $0xffff;
	[tilespmem:s24+$0xFFFFFE20] =	vst v11  }
0x282: {  	v13 =	vor.u32 $0x300, v25;
	v14 =	vor.u32 $0x300, v23;
	v10 =	vor.u32 $0x300, v26;
	v58 =	vld.idx.msk [tilespmem:v7+s14+$0x0], $0xffff;
	[tilespmem:s24+$0xFFFFFE30] =	vst v2  }
0x283: {  	v12 =	vor.u32 $0x300, v27;
	v11 =	vor.u32 $0x300, v28;
	v8 =	vor.u32 $0x300, v21;
	v59 =	vld.idx.msk [tilespmem:v9+s14+$0x0], $0xffff;
	[tilespmem:s24+$0xFFFFFE40] =	vst v1  }
0x284: {  	v6 =	vor.u32 $0x380, v25;
	v7 =	vor.u32 $0x380, v23;
	v9 =	vor.u32 $0x300, v22;
	v23 =	vld.idx.msk [tilespmem:v29+s14+$0x0], $0xffff;
	[tilespmem:s24+$0xFFFFFE50] =	vst v0  }
0x285: {  	v5 =	vor.u32 $0x380, v26;
	v4 =	vor.u32 $0x380, v27;
	v2 =	vor.u32 $0x380, v28;
	v25 =	vld.idx.msk [tilespmem:v30+s14+$0x0], $0xffff;
	[tilespmem:s24+$0xFFFFFF70] =	vst v54  }
0x286: {  	v1 =	vor.u32 $0x380, v21;
	v0 =	vor.u32 $0x380, v22;
	[tilespmem:s24+$0xFFFFFE60] =	vst v55;
	v21 =	vld.idx.msk [tilespmem:v57+s14+$0x0], $0xffff  }
0x287: {  	[tilespmem:s24+$0xFFFFFE80] =	vst v56;
	v22 =	vld.idx.msk [tilespmem:v31+s14+$0x0], $0xffff  }
0x288: {  	v27 =	vor.u32 $0x200, v3;
	[tilespmem:s24+$0xFFFFFE90] =	vst v58;
	v26 =	vld.idx.msk [tilespmem:v32+s14+$0x0], $0xffff  }
0x289: {  	v24 =	vld.idx.msk [tilespmem:v24+s14+$0x0], $0xffff;
	[tilespmem:s24+$0xFFFFFEA0] =	vst v59  }
0x28a: {  	v28 =	vld.idx.msk [tilespmem:v33+s14+$0x0], $0xffff;
	[tilespmem:s24+$0xFFFFFEB0] =	vst v23  }
0x28b: {  	v23 =	vld.idx.msk [tilespmem:v34+s14+$0x0], $0xffff;
	[tilespmem:s24+$0xFFFFFEC0] =	vst v25  }
0x28c: {  	v25 =	vld.idx.msk [tilespmem:v35+s14+$0x0], $0xffff;
	[tilespmem:s24+$0xFFFFFFF0] =	vst v21  }
0x28d: {  	[tilespmem:s24+$0xFFFFFED0] =	vst v22;
	v21 =	vld.idx.msk [tilespmem:v27+s14+$0x0], $0xffff  }
0x28e: {  	v22 =	vld.idx.msk [tilespmem:v36+s14+$0x0], $0xffff;
	[tilespmem:s24+$0xFFFFFEE0] =	vst v26  }
0x28f: {  	v26 =	vor.u32 $0x280, v3;
	[tilespmem:s24+$0xFFFFFF00] =	vst v24;
	v24 =	vld.idx.msk [tilespmem:v37+s14+$0x0], $0xffff  }
0x290: {  	[tilespmem:s24+$0xFFFFFF10] =	vst v28;
	v27 =	vld.idx.msk [tilespmem:v39+s14+$0x0], $0xffff  }
0x291: {  	v28 =	vld.idx.msk [tilespmem:v38+s14+$0x0], $0xffff;
	[tilespmem:s24+$0xFFFFFF20] =	vst v23  }
0x292: {  	v23 =	vld.idx.msk [tilespmem:v40+s14+$0x0], $0xffff;
	[tilespmem:s24+$0xFFFFFF30] =	vst v25  }
0x293: {  	v25 =	vld.idx.msk [tilespmem:v41+s14+$0x0], $0xffff;
	[tilespmem:s24+$0x70] =	vst v21  }
0x294: {  	[tilespmem:s24+$0xFFFFFF40] =	vst v22;
	v21 =	vld.idx.msk [tilespmem:v26+s14+$0x0], $0xffff  }
0x295: {  	v22 =	vld.idx.msk [tilespmem:v42+s14+$0x0], $0xffff;
	[tilespmem:s24+$0xFFFFFF50] =	vst v24  }
0x296: {  	v26 =	vor.u32 $0x300, v3;
	v24 =	vld.idx.msk [tilespmem:v43+s14+$0x0], $0xffff;
	[tilespmem:s24+$0xFFFFFF60] =	vst v27  }
0x297: {  	[tilespmem:s24+$0xFFFFFF80] =	vst v28;
	v27 =	vld.idx.msk [tilespmem:v44+s14+$0x0], $0xffff  }
0x298: {  	[tilespmem:s24+$0xFFFFFF90] =	vst v23;
	v23 =	vld.idx.msk [tilespmem:v45+s14+$0x0], $0xffff  }
0x299: {  	v28 =	vld.idx.msk [tilespmem:v46+s14+$0x0], $0xffff;
	[tilespmem:s24+$0xFFFFFFA0] =	vst v25  }
0x29a: {  	v25 =	vld.idx.msk [tilespmem:v47+s14+$0x0], $0xffff;
	[tilespmem:s24+$0xF0] =	vst v21  }
0x29b: {  	[tilespmem:s24+$0xFFFFFFB0] =	vst v22;
	v21 =	vld.idx.msk [tilespmem:v26+s14+$0x0], $0xffff  }
0x29c: {  	v22 =	vld.idx.msk [tilespmem:v48+s14+$0x0], $0xffff;
	[tilespmem:s24+$0xFFFFFFC0] =	vst v24  }
0x29d: {  	v3 =	vor.u32 $0x380, v3;
	v24 =	vld.idx.msk [tilespmem:v49+s14+$0x0], $0xffff;
	[tilespmem:s24+$0xFFFFFFD0] =	vst v27  }
0x29e: {  	v26 =	vld.idx.msk [tilespmem:v50+s14+$0x0], $0xffff;
	[tilespmem:s24+$0xFFFFFFE0] =	vst v23  }
0x29f: {  	[tilespmem:s24+$0x0] =	vst v28;
	v23 =	vld.idx.msk [tilespmem:v51+s14+$0x0], $0xffff  }
0x2a0: {  	[tilespmem:s24+$0x10] =	vst v25;
	v25 =	vld.idx.msk [tilespmem:v53+s14+$0x0], $0xffff  }
0x2a1: {  	v27 =	vld.idx.msk [tilespmem:v52+s14+$0x0], $0xffff;
	[tilespmem:s24+$0x170] =	vst v21  }
0x2a2: {  	[tilespmem:s24+$0x20] =	vst v22;
	v3 =	vld.idx.msk [tilespmem:v3+s14+$0x0], $0xffff  }
0x2a3: {  	v18 =	vld.idx.msk [tilespmem:v18+s14+$0x0], $0xffff;
	[tilespmem:s24+$0x30] =	vst v24  }
0x2a4: {  	v20 =	vld.idx.msk [tilespmem:v20+s14+$0x0], $0xffff;
	[tilespmem:s24+$0x40] =	vst v26  }
0x2a5: {  	v19 =	vld.idx.msk [tilespmem:v19+s14+$0x0], $0xffff;
	[tilespmem:s24+$0x50] =	vst v23  }
0x2a6: {  	v21 =	vld.idx.msk [tilespmem:v15+s14+$0x0], $0xffff;
	[tilespmem:s24+$0x60] =	vst v25  }
0x2a7: {  	[tilespmem:s24+$0x80] =	vst v27;
	v17 =	vld.idx.msk [tilespmem:v17+s14+$0x0], $0xffff  }
0x2a8: {  	v15 =	vld.idx.msk [tilespmem:v16+s14+$0x0], $0xffff;
	[tilespmem:s24+$0x1F0] =	vst v3  }
.Ltmp11:
0x2a9: {  	v14 =	vld.idx.msk [tilespmem:v14+s14+$0x0], $0xffff;
	[tilespmem:s24+$0x90] =	vst v18;
	(pc) =	sbr.rel @p0 .LBB2_16-.Ltmp11, $4  }
0x2aa: {  	v13 =	vld.idx.msk [tilespmem:v13+s14+$0x0], $0xffff;
	[tilespmem:s24+$0xA0] =	vst v20  }
0x2ab: {  	v16 =	vld.idx.msk [tilespmem:v10+s14+$0x0], $0xffff;
	[tilespmem:s24+$0xB0] =	vst v19  }
0x2ac: {  	v3 =	vld.idx.msk [tilespmem:v12+s14+$0x0], $0xffff;
	[tilespmem:s24+$0xC0] =	vst v21  }
0x2ad: {  	s26 =	sadd.s32 $0x80, s26;
	v10 =	vld.idx.msk [tilespmem:v11+s14+$0x0], $0xffff;
	[tilespmem:s24+$0xD0] =	vst v17  }
0x2ae: {  	_ =	sdelay $0x2  }
0x2af: {  	[tilespmem:s24+$0xE0] =	vst v15  }
0x2b0: {  	[tilespmem:s24+$0x100] =	vst v14;
	v8 =	vld.idx.msk [tilespmem:v8+s14+$0x0], $0xffff  }
0x2b1: {  	[tilespmem:s24+$0x110] =	vst v13;
	v9 =	vld.idx.msk [tilespmem:v9+s14+$0x0], $0xffff  }
0x2b2: {  	v7 =	vld.idx.msk [tilespmem:v7+s14+$0x0], $0xffff;
	[tilespmem:s24+$0x120] =	vst v16  }
0x2b3: {  	v63 =	vld.idx.msk [tilespmem:v6+s14+$0x0], $0xffff;
	[tilespmem:s24+$0x130] =	vst v3  }
0x2b4: {  	v5 =	vld.idx.msk [tilespmem:v5+s14+$0x0], $0xffff;
	[tilespmem:s24+$0x140] =	vst v10  }
0x2b5: {  	v4 =	vld.idx.msk [tilespmem:v4+s14+$0x0], $0xffff;
	[tilespmem:s24+$0x150] =	vst v8  }
0x2b6: {  	v2 =	vld.idx.msk [tilespmem:v2+s14+$0x0], $0xffff;
	[tilespmem:s24+$0x160] =	vst v9  }
0x2b7: {  	[tilespmem:s24+$0x180] =	vst v7;
	v1 =	vld.idx.msk [tilespmem:v1+s14+$0x0], $0xffff  }
0x2b8: {  	[tilespmem:s23+$0x190] =	vst v63;
	v0 =	vld.idx.msk [tilespmem:v0+s14+$0x0], $0xffff  }
0x2b9: {  	[tilespmem:s23+$0x1A0] =	vst v5  }
.Ltmp12:
0x2ba: {  	s22 =	sshll.u32 s22, $0x11;
	s21 =	sshll.u32 s21, $0xF;
	[tilespmem:s23+$0x1B0] =	vst v4;
	(pc) =	sbr.rel .LBB2_18-.Ltmp12, $4  }
0x2bb: {  	s21 =	sor.u32 s21, s22;
	[tilespmem:s23+$0x1C0] =	vst v2  }
0x2bc: {  	s21 =	sshrl.u32 s21, $0x3;
	[tilespmem:s23+$0x1D0] =	vst v1  }
0x2bd: {  	s21 =	sadd.s32 s2, s21;
	[tilespmem:s23+$0x1E0] =	vst v0  }
0x2be: {  	[hbm4b:s21+s4] =	stream.linear.scatter [tilespmem:s15], [sflag:$0x2], $0x8000, $0x38;
	[tilespmem:$0x18000] =	vst v63  }
.LBB2_20:
0x2bf: {  	_ =	sfence.sel $0x180000  }
0x2c0: {  	[bflag:$0x0] =	sbarrier.arrive $0xFFFF  }
0x2c1: {  	p0 =	sne.s32 s3, $0x0;
	_ =	strace $0x90000047  }
0x2c2: {  	s0 =	sadd.s32 @!p0 $0x100000, s0;
	[bflag:$0x2] =	sbarrier.arrive $0xFFFF  }
0x2c3: {  	[sflag:s0] =	ssyncadd.tile.s32 @!p0 $0x1;
	_ =	shalt  }
.Lfunc_end2:
_tile_overlayer_lowered:
.L_overlay_start_2:
0x2c4: {  	(tag) =	ssettag $0x2  }
0x2c5: {  	s0 =	rddreg [dreg:$0x0];
	s2 =	stileid.u32  }
0x2c6: {  	s1 =	rddreg [dreg:$0x1];
	p0 =	sne.s32 s2, $0x0  }
0x2c7: {  	s3 =	rddreg [dreg:$0x2];
	[bflag:$0x3] =	sbarrier.arrive $0xFFFF;
	s2 =	simm.s32 @!p0 $0x1C05  }
0x2c8: {  	[timem:s3], [sflag:s2] =	dma.local @!p0 [hbm:s0], s1  }
0x2c9: {  	s0 =	simm.s32 @!p0 $0x5  }
0x2ca: {  	_ =	swait.ge @!p0 [sflag:s0], s1  }
0x2cb: {  	s1 =	ssub.s32 @!p0 $0x0, s1;
	[sflag:s0] =	ssyncset.done @!p0 $0x0  }
0x2cc: {  	[sflag:s0] =	ssyncadd.s32 @!p0 s1  }
0x2cd: {  	[bflag:$0x3] =	sbarrier.arrive $0xFFFF  }
0x2ce: {  	_ =	shalt  }

</sc_bundles>
